<compile_context>
chip_gen: v7x
topology: tpu7x:2x2x1
jax: 0.10.2.dev20260603
libtpu: 0.0.44.dev20260713+nightly
codegen_flags: <defaults>
</compile_context>

<pallas_src>
import jax
import jax.numpy as jnp
from jax import lax
from jax.experimental import pallas as pl
from jax.experimental.pallas import tpu as pltpu
from jax.experimental.pallas import tpu_sc as plsc

B = 128
S = 197
D = 768
POOL = 50
LEN = 5
PROWS = 25
TOT = PROWS + S
NC, NS = 2, 16
NW = NC * NS
BPW = B // NW
LANES = 16


def _tc_math(cls_ref, pk_ref, mk_ref, w1_ref, b1_ref, w2_ref, b2_ref,
             idx0_ref, tid_ref,
             xnorm_ref, sim_ref, bias_ref, bkn_ref, rsum_ref):
    eps = jnp.float32(1e-12)
    cls = cls_ref[...]
    xnorm = cls * lax.rsqrt(
        jnp.maximum(jnp.sum(cls * cls, axis=1, keepdims=True), eps))
    xnorm_ref[...] = xnorm
    pk = pk_ref[...]
    inval = pk * lax.rsqrt(
        jnp.maximum(jnp.sum(pk * pk, axis=1, keepdims=True), eps))
    sim_ref[...] = lax.dot_general(
        xnorm, inval, (((1,), (1,)), ((), ())),
        preferred_element_type=jnp.float32,
        precision=lax.Precision.HIGHEST)
    h = jnp.maximum(
        lax.dot_general(cls, w1_ref[...], (((1,), (0,)), ((), ())),
                        preferred_element_type=jnp.float32,
                        precision=lax.Precision.HIGHEST) + b1_ref[...], 0.0)
    bias_ref[:, 0, :] = lax.dot_general(
        h, w2_ref[...], (((1,), (0,)), ((), ())),
        preferred_element_type=jnp.float32,
        precision=lax.Precision.HIGHEST) + b2_ref[...]
    tid = tid_ref[0]
    sel = (lax.broadcasted_iota(jnp.int32, (POOL, 1), 0) == tid
           ).astype(jnp.float32)
    pk_row = jnp.sum(pk * sel, axis=0, keepdims=True)
    pn = pk_row * lax.rsqrt(jnp.maximum(jnp.sum(pk_row * pk_row), eps))
    pn50 = pn[:, :POOL]
    idx0 = idx0_ref[...]
    onehot = (idx0 == lax.broadcasted_iota(jnp.int32, (B, POOL), 1)
              ).astype(jnp.float32)
    bkn = jnp.sum(onehot * pn50, axis=1, keepdims=True)
    bkn_ref[...] = bkn
    mk = mk_ref[...]
    mnorm = mk * lax.rsqrt(jnp.maximum(jnp.sum(mk * mk), eps))
    meta_reduce = jnp.sum(mnorm * jnp.sum(xnorm, axis=0, keepdims=True)) / B
    rsum = jnp.sum(bkn) * jnp.sum(xnorm) / B + meta_reduce
    rsum_ref[...] = rsum.reshape(1, 1)


def _sc_gather_body(prompt_hbm, gidx_hbm, bias_hbm, head_hbm,
                    idx_v, prows_v, bias_v, oblock_v, oblock2_v,
                    sem, semb, semo0, semo1):
    wid = lax.axis_index("s") * NC + lax.axis_index("c")
    base = wid * BPW
    pltpu.sync_copy(gidx_hbm.at[wid], idx_v)
    ivec = idx_v[0, pl.ds(0, 16)]
    cps = [pltpu.async_copy(prompt_hbm.at[ivec[j]],
                            prows_v.at[j], sem)
           for j in range(2 * BPW)]
    bcps = [pltpu.async_copy(bias_hbm.at[base + j],
                             bias_v.at[pl.ds(j, 1)], semb)
            for j in range(BPW)]
    for cp in cps:
        cp.wait()
    for cp in bcps:
        cp.wait()

    ocp = [None, None]
    for j in range(BPW):
        ob = oblock_v if j % 2 == 0 else oblock2_v
        if ocp[j % 2] is not None:
            ocp[j % 2].wait()

        def add_bias(col, carry, j=j, ob=ob):
            off = col * LANES
            bv = bias_v[j, pl.ds(off, LANES)]
            for r in range(PROWS):
                sj = j if r < LEN else BPW + (r // LEN - 1)
                ob[r, pl.ds(off, LANES)] = (
                    prows_v[sj, r % LEN, pl.ds(off, LANES)] + bv)
            return carry

        lax.fori_loop(0, D // LANES, add_bias, 0)
        ocp[j % 2] = pltpu.async_copy(ob, head_hbm.at[base + j],
                                      semo0 if j % 2 == 0 else semo1)
    ocp[0].wait()
    ocp[1].wait()


def _sc_gather(prompt, gidx, bias3):
    mesh = plsc.VectorSubcoreMesh(core_axis_name="c", subcore_axis_name="s",
                                  num_cores=NC, num_subcores=NS)
    return pl.kernel(
        _sc_gather_body,
        out_type=jax.ShapeDtypeStruct((B, PROWS, D), jnp.float32),
        mesh=mesh,
        scratch_types=[
            pltpu.VMEM((1, 16), jnp.int32),
            pltpu.VMEM((2 * BPW, LEN, D), jnp.float32),
            pltpu.VMEM((BPW, D), jnp.float32),
            pltpu.VMEM((PROWS, D), jnp.float32),
            pltpu.VMEM((PROWS, D), jnp.float32),
            pltpu.SemaphoreType.DMA,
            pltpu.SemaphoreType.DMA,
            pltpu.SemaphoreType.DMA,
            pltpu.SemaphoreType.DMA,
        ],
    )(prompt, gidx, bias3)


def kernel(x_embed, prompt_mask, cls_features, train, task_id, prompt,
           prompt_key, meta_net_key, W1, b1, W2, b2):
    del train
    tid = jnp.asarray(task_id, jnp.int32)
    idx0 = prompt_mask[:, :1]
    rest = tid * 5 + jnp.arange(1, 5, dtype=prompt_mask.dtype)
    idx = jnp.concatenate(
        [idx0, jnp.broadcast_to(rest, (B, 4))], axis=1)
    gidx = jnp.concatenate(
        [idx0.reshape(NW, BPW),
         jnp.broadcast_to(rest, (NW, 4)).astype(jnp.int32),
         jnp.zeros((NW, 8), jnp.int32)],
        axis=1).reshape(NW, 1, 16)

    xnorm, similarity, bias3, bkn, rsum = pl.pallas_call(
        _tc_math,
        out_shape=[
            jax.ShapeDtypeStruct((B, D), jnp.float32),
            jax.ShapeDtypeStruct((B, POOL), jnp.float32),
            jax.ShapeDtypeStruct((B, 1, D), jnp.float32),
            jax.ShapeDtypeStruct((B, 1), jnp.float32),
            jax.ShapeDtypeStruct((1, 1), jnp.float32),
        ],
        in_specs=[pl.BlockSpec(memory_space=pltpu.VMEM)] * 8
        + [pl.BlockSpec(memory_space=pltpu.SMEM)],
    )(cls_features, prompt_key, meta_net_key,
      W1, b1.reshape(1, -1), W2, b2.reshape(1, -1),
      idx0.astype(jnp.int32), tid.reshape(1))

    head = _sc_gather(prompt, gidx, bias3)
    prompted = jnp.concatenate([head, x_embed], axis=1)

    return (prompted, rsum[0, 0], similarity, xnorm, bkn, idx)

# --- scband reference (transcript-rebuilt; emitter-appended) ---
"""Pipeline reference for scband-prompt-1949915152419 (READ-ONLY COPY).

The authoritative reference and input builder live on the scoring server;
editing this copy changes nothing except your own understanding.
"""

import jax, jax.numpy as jnp
import numpy as np

B = 128
S = 197
D = 768
POOL = 50
LEN = 5
H = D // 16


def l2_normalize(x, dim):
    ss = jnp.sum(x ** 2, axis=dim, keepdims=True)
    return x * jax.lax.rsqrt(jnp.maximum(ss, jnp.asarray(1e-12, x.dtype)))


def setup_inputs(seed: int = 0) -> dict:
    key = jax.random.key(seed)
    ks = jax.random.split(key, 10)
    x_embed = jax.random.normal(ks[0], (B, S, D), dtype=jnp.float32)
    prompt_mask = jax.random.randint(ks[1], (B, 5), 0, POOL, dtype=jnp.int32)
    cls_features = jax.random.normal(ks[2], (B, D), dtype=jnp.float32)
    # learned parameters (module state after __init__ + update_meta_net(0, 'cpu'))
    prompt = jax.random.uniform(ks[3], (POOL, LEN, D), minval=-1.0, maxval=1.0, dtype=jnp.float32)
    prompt_key = jax.random.uniform(ks[4], (POOL, D), minval=-1.0, maxval=1.0, dtype=jnp.float32)
    meta_net_key = jnp.zeros((1, D), dtype=jnp.float32)
    W1 = jax.random.normal(ks[5], (D, H), dtype=jnp.float32) * 0.05
    b1 = jnp.zeros((H,), dtype=jnp.float32)
    W2 = jax.random.normal(ks[6], (H, D), dtype=jnp.float32) * 0.05
    b2 = jnp.zeros((D,), dtype=jnp.float32)
    return {
        'x_embed': x_embed,
        'prompt_mask': prompt_mask,
        'cls_features': cls_features,
        'train': 1,
        'task_id': 0,
        'prompt': prompt,
        'prompt_key': prompt_key,
        'meta_net_key': meta_net_key,
        'W1': W1, 'b1': b1, 'W2': W2, 'b2': b2,
    }


def reference(x_embed, prompt_mask, cls_features, train, task_id, prompt, prompt_key, meta_net_key, W1, b1, W2, b2):
    bsz = x_embed.shape[0]
    # embedding_key == 'cls' and cls_features provided
    x_embed_mean = cls_features
    x_embed_norm = l2_normalize(x_embed_mean, 1)
    # train path
    prompt_norm = l2_normalize(prompt_key[task_id], 0)          # [D]
    inval_norm = l2_normalize(prompt_key, 1)                    # [POOL, D]
    similarity = jnp.matmul(x_embed_norm, inval_norm.T)         # [B, POOL]
    # meta net bias (meta_net[task_id])
    h = jnp.maximum(jnp.matmul(cls_features, W1) + b1, 0.0)
    bias = jnp.matmul(h, W2) + b2                               # [B, D]
    meta_norm = l2_normalize(meta_net_key[task_id], 0)          # [D]
    meta_sim = meta_norm * x_embed_norm                         # [B, D]
    meta_reduce_sim = jnp.sum(meta_sim) / bsz
    # prompt_mask provided -> idx = prompt_mask; then in-place rewrite cols 1..4 to task_id*5+j
    idx0 = prompt_mask[:, :1]
    rest = jnp.broadcast_to(task_id * 5 + jnp.arange(1, 5, dtype=prompt_mask.dtype), (bsz, 4))
    idx = jnp.concatenate([idx0, rest], axis=1)                 # [B, 5]
    batched_prompt_raw = prompt[idx]                            # [B, 5, LEN, D]
    b_, top_k, length, c = batched_prompt_raw.shape
    batched_prompt = batched_prompt_raw.reshape(b_, top_k * length, c)  # [B, 25, D]
    idx1 = idx[:, 0][:, None]                                   # [B, 1]
    batched_key_norm = prompt_norm[idx1]                        # [B, 1] (1-D prompt_norm fancy-indexed, as in torch)
    xen = x_embed_norm[:, None, :]                              # [B, 1, D]
    sim = batched_key_norm * xen                                # broadcast -> [B, B, D] (faithful to torch)
    reduce_sim = jnp.sum(sim) / bsz + meta_reduce_sim
    batched_prompt = batched_prompt + bias[:, None, :]
    prompted_embedding = jnp.concatenate([batched_prompt, x_embed], axis=1)  # [B, 25+S, D]
    return (prompted_embedding, reduce_sim, similarity, x_embed_norm, batched_key_norm, idx)


if False:  # reference __main__ guard neutralized (emitter)
    out = reference(**setup_inputs())
    print([getattr(o, 'shape', o) for o in out])

if __name__ == "__main__":
    import jax
    _d = setup_inputs()
    print(jax.jit(kernel)(*tuple(_d.values())))

</pallas_src>

<mosaic_0001>
#map = affine_map<(d0, d1) -> (0, 0, 0)>
module attributes {stable_mosaic.version = 14 : i64} {
  func.func @_sc_gather_body(%arg0: i32, %arg1: i32, %arg2: memref<50x5x768xf32, #tpu.memory_space<hbm>>, %arg3: memref<32x1x16xi32, #tpu.memory_space<hbm>>, %arg4: memref<128x1x768xf32, #tpu.memory_space<hbm>>, %arg5: memref<128x25x768xf32, #tpu.memory_space<hbm>>, %arg6: memref<1x16xi32, #tpu.memory_space<vmem>>, %arg7: memref<8x5x768xf32, #tpu.memory_space<vmem>>, %arg8: memref<4x768xf32, #tpu.memory_space<vmem>>, %arg9: memref<25x768xf32, #tpu.memory_space<vmem>>, %arg10: memref<25x768xf32, #tpu.memory_space<vmem>>, %arg11: memref<!tpu.dma_semaphore, #tpu.memory_space<semaphore_mem>>, %arg12: memref<!tpu.dma_semaphore, #tpu.memory_space<semaphore_mem>>, %arg13: memref<!tpu.dma_semaphore, #tpu.memory_space<semaphore_mem>>, %arg14: memref<!tpu.dma_semaphore, #tpu.memory_space<semaphore_mem>>) attributes {dimension_semantics = [#tpu.dimension_semantics<core_parallel>, #tpu.dimension_semantics<subcore_parallel>], iteration_bounds = array<i64: 2, 16>, scalar_prefetch = 0 : i64, scratch_operands = 9 : i64, tpu.core_type = #tpu.core_type<sc_vector_subcore>, window_params = [{transform_indices = #map}, {transform_indices = #map}, {transform_indices = #map}, {transform_indices = #map}]} {
    %mul3A = arith.constant 2 : i32
    %mul3A_0 = arith.muli %arg1, %mul3A : i32
    %add3A = arith.addi %mul3A_0, %arg0 : i32
    %mul3A_1 = arith.constant 4 : i32
    %mul3A_2 = arith.muli %add3A, %mul3A_1 : i32
    "tpu.region"() ({
      %run_scoped3A = tpu.sem_alloc : memref<!tpu.dma_semaphore, #tpu.memory_space<semaphore_mem>>
      %dma_start3A_506 = arith.constant 0 : i32
      %dma_start3A_507 = arith.constant 0 : i32
      %dma_start3A_508 = tpu.memref_slice %arg3[%add3A, %dma_start3A_506, %dma_start3A_507] : memref<32x1x16xi32, #tpu.memory_space<hbm>> -> memref<1x1x16xi32, #tpu.memory_space<hbm>>
      %dma_start3A_509 = tpu.memref_squeeze %dma_start3A_508 : memref<1x1x16xi32, #tpu.memory_space<hbm>> -> memref<1x16xi32, #tpu.memory_space<hbm>>
      %dma_start3A_510 = arith.constant 0 : i32
      %dma_start3A_511 = arith.constant 0 : i32
      %dma_start3A_512 = tpu.memref_slice %arg3[%add3A, %dma_start3A_510, %dma_start3A_511] : memref<32x1x16xi32, #tpu.memory_space<hbm>> -> memref<1x1x16xi32, #tpu.memory_space<hbm>>
      %dma_start3A_513 = tpu.memref_squeeze %dma_start3A_512 : memref<1x1x16xi32, #tpu.memory_space<hbm>> -> memref<1x16xi32, #tpu.memory_space<hbm>>
      tpu.enqueue_dma source(%dma_start3A_513 : memref<1x16xi32, #tpu.memory_space<hbm>>) target(%arg6 : memref<1x16xi32, #tpu.memory_space<vmem>>) target_semaphore(%run_scoped3A : memref<!tpu.dma_semaphore, #tpu.memory_space<semaphore_mem>>)
      %dma_wait3A_514 = arith.constant 0 : i32
      %dma_wait3A_515 = arith.constant 0 : i32
      %dma_wait3A_516 = tpu.memref_slice %arg3[%add3A, %dma_wait3A_514, %dma_wait3A_515] : memref<32x1x16xi32, #tpu.memory_space<hbm>> -> memref<1x1x16xi32, #tpu.memory_space<hbm>>
      %dma_wait3A_517 = tpu.memref_squeeze %dma_wait3A_516 : memref<1x1x16xi32, #tpu.memory_space<hbm>> -> memref<1x16xi32, #tpu.memory_space<hbm>>
      %dma_wait3A_518 = arith.constant 0 : i32
      %dma_wait3A_519 = arith.constant 0 : i32
      %dma_wait3A_520 = tpu.memref_slice %arg3[%add3A, %dma_wait3A_518, %dma_wait3A_519] : memref<32x1x16xi32, #tpu.memory_space<hbm>> -> memref<1x1x16xi32, #tpu.memory_space<hbm>>
      %dma_wait3A_521 = tpu.memref_squeeze %dma_wait3A_520 : memref<1x1x16xi32, #tpu.memory_space<hbm>> -> memref<1x16xi32, #tpu.memory_space<hbm>>
      tpu.wait_dma2 semaphore(%run_scoped3A : memref<!tpu.dma_semaphore, #tpu.memory_space<semaphore_mem>>) src(%dma_wait3A_521 : memref<1x16xi32, #tpu.memory_space<hbm>>) dst(%arg6 : memref<1x16xi32, #tpu.memory_space<vmem>>)
      tpu.yield
    }) : () -> ()
    %get3A = arith.constant 0 : i32
    %get3A_3 = arith.index_cast %get3A : i32 to index
    %get3A_4 = arith.constant 0 : index
    %get3A_5 = tpu.vector_load %arg6[%get3A_3, %get3A_4] {strides = array<i32>} : memref<1x16xi32, #tpu.memory_space<vmem>>, vector<1x16xi32>,
    %get3A_6 = vector.shape_cast %get3A_5 : vector<1x16xi32> to vector<16xi32>
    %slice3A = vector.extract_strided_slice %get3A_6 {offsets = [0], sizes = [1], strides = [1]} : vector<16xi32> to vector<1xi32>
    %squeeze3A = vector.extract %slice3A[0] : i32 from vector<1xi32>
    %dma_start3A = arith.constant 0 : i32
    %dma_start3A_7 = arith.constant 0 : i32
    %dma_start3A_8 = arith.constant 0 : i32
    %dma_start3A_9 = tpu.memref_slice %arg7[%dma_start3A, %dma_start3A_7, %dma_start3A_8] : memref<8x5x768xf32, #tpu.memory_space<vmem>> -> memref<1x5x768xf32, #tpu.memory_space<vmem>>
    %dma_start3A_10 = tpu.memref_squeeze %dma_start3A_9 : memref<1x5x768xf32, #tpu.memory_space<vmem>> -> memref<5x768xf32, #tpu.memory_space<vmem>>
    %dma_start3A_11 = arith.constant 0 : i32
    %dma_start3A_12 = arith.constant 0 : i32
    %dma_start3A_13 = tpu.memref_slice %arg2[%squeeze3A, %dma_start3A_11, %dma_start3A_12] : memref<50x5x768xf32, #tpu.memory_space<hbm>> -> memref<1x5x768xf32, #tpu.memory_space<hbm>>
    %dma_start3A_14 = tpu.memref_squeeze %dma_start3A_13 : memref<1x5x768xf32, #tpu.memory_space<hbm>> -> memref<5x768xf32, #tpu.memory_space<hbm>>
    %dma_start3A_15 = arith.constant 0 : i32
    %dma_start3A_16 = arith.constant 0 : i32
    %dma_start3A_17 = tpu.memref_slice %arg7[%dma_start3A, %dma_start3A_15, %dma_start3A_16] : memref<8x5x768xf32, #tpu.memory_space<vmem>> -> memref<1x5x768xf32, #tpu.memory_space<vmem>>
    %dma_start3A_18 = tpu.memref_squeeze %dma_start3A_17 : memref<1x5x768xf32, #tpu.memory_space<vmem>> -> memref<5x768xf32, #tpu.memory_space<vmem>>
    %dma_start3A_19 = arith.constant 0 : i32
    %dma_start3A_20 = arith.constant 0 : i32
    %dma_start3A_21 = tpu.memref_slice %arg2[%squeeze3A, %dma_start3A_19, %dma_start3A_20] : memref<50x5x768xf32, #tpu.memory_space<hbm>> -> memref<1x5x768xf32, #tpu.memory_space<hbm>>
    %dma_start3A_22 = tpu.memref_squeeze %dma_start3A_21 : memref<1x5x768xf32, #tpu.memory_space<hbm>> -> memref<5x768xf32, #tpu.memory_space<hbm>>
    tpu.enqueue_dma source(%dma_start3A_22 : memref<5x768xf32, #tpu.memory_space<hbm>>) target(%dma_start3A_18 : memref<5x768xf32, #tpu.memory_space<vmem>>) target_semaphore(%arg11 : memref<!tpu.dma_semaphore, #tpu.memory_space<semaphore_mem>>)
    %slice3A_23 = vector.extract_strided_slice %get3A_6 {offsets = [1], sizes = [1], strides = [1]} : vector<16xi32> to vector<1xi32>
    %squeeze3A_24 = vector.extract %slice3A_23[0] : i32 from vector<1xi32>
    %dma_start3A_25 = arith.constant 1 : i32
    %dma_start3A_26 = arith.constant 0 : i32
    %dma_start3A_27 = arith.constant 0 : i32
    %dma_start3A_28 = tpu.memref_slice %arg7[%dma_start3A_25, %dma_start3A_26, %dma_start3A_27] : memref<8x5x768xf32, #tpu.memory_space<vmem>> -> memref<1x5x768xf32, #tpu.memory_space<vmem>>
    %dma_start3A_29 = tpu.memref_squeeze %dma_start3A_28 : memref<1x5x768xf32, #tpu.memory_space<vmem>> -> memref<5x768xf32, #tpu.memory_space<vmem>>
    %dma_start3A_30 = arith.constant 0 : i32
    %dma_start3A_31 = arith.constant 0 : i32
    %dma_start3A_32 = tpu.memref_slice %arg2[%squeeze3A_24, %dma_start3A_30, %dma_start3A_31] : memref<50x5x768xf32, #tpu.memory_space<hbm>> -> memref<1x5x768xf32, #tpu.memory_space<hbm>>
    %dma_start3A_33 = tpu.memref_squeeze %dma_start3A_32 : memref<1x5x768xf32, #tpu.memory_space<hbm>> -> memref<5x768xf32, #tpu.memory_space<hbm>>
    %dma_start3A_34 = arith.constant 0 : i32
    %dma_start3A_35 = arith.constant 0 : i32
    %dma_start3A_36 = tpu.memref_slice %arg7[%dma_start3A_25, %dma_start3A_34, %dma_start3A_35] : memref<8x5x768xf32, #tpu.memory_space<vmem>> -> memref<1x5x768xf32, #tpu.memory_space<vmem>>
    %dma_start3A_37 = tpu.memref_squeeze %dma_start3A_36 : memref<1x5x768xf32, #tpu.memory_space<vmem>> -> memref<5x768xf32, #tpu.memory_space<vmem>>
    %dma_start3A_38 = arith.constant 0 : i32
    %dma_start3A_39 = arith.constant 0 : i32
    %dma_start3A_40 = tpu.memref_slice %arg2[%squeeze3A_24, %dma_start3A_38, %dma_start3A_39] : memref<50x5x768xf32, #tpu.memory_space<hbm>> -> memref<1x5x768xf32, #tpu.memory_space<hbm>>
    %dma_start3A_41 = tpu.memref_squeeze %dma_start3A_40 : memref<1x5x768xf32, #tpu.memory_space<hbm>> -> memref<5x768xf32, #tpu.memory_space<hbm>>
    tpu.enqueue_dma source(%dma_start3A_41 : memref<5x768xf32, #tpu.memory_space<hbm>>) target(%dma_start3A_37 : memref<5x768xf32, #tpu.memory_space<vmem>>) target_semaphore(%arg11 : memref<!tpu.dma_semaphore, #tpu.memory_space<semaphore_mem>>)
    %slice3A_42 = vector.extract_strided_slice %get3A_6 {offsets = [2], sizes = [1], strides = [1]} : vector<16xi32> to vector<1xi32>
    %squeeze3A_43 = vector.extract %slice3A_42[0] : i32 from vector<1xi32>
    %dma_start3A_44 = arith.constant 2 : i32
    %dma_start3A_45 = arith.constant 0 : i32
    %dma_start3A_46 = arith.constant 0 : i32
    %dma_start3A_47 = tpu.memref_slice %arg7[%dma_start3A_44, %dma_start3A_45, %dma_start3A_46] : memref<8x5x768xf32, #tpu.memory_space<vmem>> -> memref<1x5x768xf32, #tpu.memory_space<vmem>>
    %dma_start3A_48 = tpu.memref_squeeze %dma_start3A_47 : memref<1x5x768xf32, #tpu.memory_space<vmem>> -> memref<5x768xf32, #tpu.memory_space<vmem>>
    %dma_start3A_49 = arith.constant 0 : i32
    %dma_start3A_50 = arith.constant 0 : i32
    %dma_start3A_51 = tpu.memref_slice %arg2[%squeeze3A_43, %dma_start3A_49, %dma_start3A_50] : memref<50x5x768xf32, #tpu.memory_space<hbm>> -> memref<1x5x768xf32, #tpu.memory_space<hbm>>
    %dma_start3A_52 = tpu.memref_squeeze %dma_start3A_51 : memref<1x5x768xf32, #tpu.memory_space<hbm>> -> memref<5x768xf32, #tpu.memory_space<hbm>>
    %dma_start3A_53 = arith.constant 0 : i32
    %dma_start3A_54 = arith.constant 0 : i32
    %dma_start3A_55 = tpu.memref_slice %arg7[%dma_start3A_44, %dma_start3A_53, %dma_start3A_54] : memref<8x5x768xf32, #tpu.memory_space<vmem>> -> memref<1x5x768xf32, #tpu.memory_space<vmem>>
    %dma_start3A_56 = tpu.memref_squeeze %dma_start3A_55 : memref<1x5x768xf32, #tpu.memory_space<vmem>> -> memref<5x768xf32, #tpu.memory_space<vmem>>
    %dma_start3A_57 = arith.constant 0 : i32
    %dma_start3A_58 = arith.constant 0 : i32
    %dma_start3A_59 = tpu.memref_slice %arg2[%squeeze3A_43, %dma_start3A_57, %dma_start3A_58] : memref<50x5x768xf32, #tpu.memory_space<hbm>> -> memref<1x5x768xf32, #tpu.memory_space<hbm>>
    %dma_start3A_60 = tpu.memref_squeeze %dma_start3A_59 : memref<1x5x768xf32, #tpu.memory_space<hbm>> -> memref<5x768xf32, #tpu.memory_space<hbm>>
    tpu.enqueue_dma source(%dma_start3A_60 : memref<5x768xf32, #tpu.memory_space<hbm>>) target(%dma_start3A_56 : memref<5x768xf32, #tpu.memory_space<vmem>>) target_semaphore(%arg11 : memref<!tpu.dma_semaphore, #tpu.memory_space<semaphore_mem>>)
    %slice3A_61 = vector.extract_strided_slice %get3A_6 {offsets = [3], sizes = [1], strides = [1]} : vector<16xi32> to vector<1xi32>
    %squeeze3A_62 = vector.extract %slice3A_61[0] : i32 from vector<1xi32>
    %dma_start3A_63 = arith.constant 3 : i32
    %dma_start3A_64 = arith.constant 0 : i32
    %dma_start3A_65 = arith.constant 0 : i32
    %dma_start3A_66 = tpu.memref_slice %arg7[%dma_start3A_63, %dma_start3A_64, %dma_start3A_65] : memref<8x5x768xf32, #tpu.memory_space<vmem>> -> memref<1x5x768xf32, #tpu.memory_space<vmem>>
    %dma_start3A_67 = tpu.memref_squeeze %dma_start3A_66 : memref<1x5x768xf32, #tpu.memory_space<vmem>> -> memref<5x768xf32, #tpu.memory_space<vmem>>
    %dma_start3A_68 = arith.constant 0 : i32
    %dma_start3A_69 = arith.constant 0 : i32
    %dma_start3A_70 = tpu.memref_slice %arg2[%squeeze3A_62, %dma_start3A_68, %dma_start3A_69] : memref<50x5x768xf32, #tpu.memory_space<hbm>> -> memref<1x5x768xf32, #tpu.memory_space<hbm>>
    %dma_start3A_71 = tpu.memref_squeeze %dma_start3A_70 : memref<1x5x768xf32, #tpu.memory_space<hbm>> -> memref<5x768xf32, #tpu.memory_space<hbm>>
    %dma_start3A_72 = arith.constant 0 : i32
    %dma_start3A_73 = arith.constant 0 : i32
    %dma_start3A_74 = tpu.memref_slice %arg7[%dma_start3A_63, %dma_start3A_72, %dma_start3A_73] : memref<8x5x768xf32, #tpu.memory_space<vmem>> -> memref<1x5x768xf32, #tpu.memory_space<vmem>>
    %dma_start3A_75 = tpu.memref_squeeze %dma_start3A_74 : memref<1x5x768xf32, #tpu.memory_space<vmem>> -> memref<5x768xf32, #tpu.memory_space<vmem>>
    %dma_start3A_76 = arith.constant 0 : i32
    %dma_start3A_77 = arith.constant 0 : i32
    %dma_start3A_78 = tpu.memref_slice %arg2[%squeeze3A_62, %dma_start3A_76, %dma_start3A_77] : memref<50x5x768xf32, #tpu.memory_space<hbm>> -> memref<1x5x768xf32, #tpu.memory_space<hbm>>
    %dma_start3A_79 = tpu.memref_squeeze %dma_start3A_78 : memref<1x5x768xf32, #tpu.memory_space<hbm>> -> memref<5x768xf32, #tpu.memory_space<hbm>>
    tpu.enqueue_dma source(%dma_start3A_79 : memref<5x768xf32, #tpu.memory_space<hbm>>) target(%dma_start3A_75 : memref<5x768xf32, #tpu.memory_space<vmem>>) target_semaphore(%arg11 : memref<!tpu.dma_semaphore, #tpu.memory_space<semaphore_mem>>)
    %slice3A_80 = vector.extract_strided_slice %get3A_6 {offsets = [4], sizes = [1], strides = [1]} : vector<16xi32> to vector<1xi32>
    %squeeze3A_81 = vector.extract %slice3A_80[0] : i32 from vector<1xi32>
    %dma_start3A_82 = arith.constant 4 : i32
    %dma_start3A_83 = arith.constant 0 : i32
    %dma_start3A_84 = arith.constant 0 : i32
    %dma_start3A_85 = tpu.memref_slice %arg7[%dma_start3A_82, %dma_start3A_83, %dma_start3A_84] : memref<8x5x768xf32, #tpu.memory_space<vmem>> -> memref<1x5x768xf32, #tpu.memory_space<vmem>>
    %dma_start3A_86 = tpu.memref_squeeze %dma_start3A_85 : memref<1x5x768xf32, #tpu.memory_space<vmem>> -> memref<5x768xf32, #tpu.memory_space<vmem>>
    %dma_start3A_87 = arith.constant 0 : i32
    %dma_start3A_88 = arith.constant 0 : i32
    %dma_start3A_89 = tpu.memref_slice %arg2[%squeeze3A_81, %dma_start3A_87, %dma_start3A_88] : memref<50x5x768xf32, #tpu.memory_space<hbm>> -> memref<1x5x768xf32, #tpu.memory_space<hbm>>
    %dma_start3A_90 = tpu.memref_squeeze %dma_start3A_89 : memref<1x5x768xf32, #tpu.memory_space<hbm>> -> memref<5x768xf32, #tpu.memory_space<hbm>>
    %dma_start3A_91 = arith.constant 0 : i32
    %dma_start3A_92 = arith.constant 0 : i32
    %dma_start3A_93 = tpu.memref_slice %arg7[%dma_start3A_82, %dma_start3A_91, %dma_start3A_92] : memref<8x5x768xf32, #tpu.memory_space<vmem>> -> memref<1x5x768xf32, #tpu.memory_space<vmem>>
    %dma_start3A_94 = tpu.memref_squeeze %dma_start3A_93 : memref<1x5x768xf32, #tpu.memory_space<vmem>> -> memref<5x768xf32, #tpu.memory_space<vmem>>
    %dma_start3A_95 = arith.constant 0 : i32
    %dma_start3A_96 = arith.constant 0 : i32
    %dma_start3A_97 = tpu.memref_slice %arg2[%squeeze3A_81, %dma_start3A_95, %dma_start3A_96] : memref<50x5x768xf32, #tpu.memory_space<hbm>> -> memref<1x5x768xf32, #tpu.memory_space<hbm>>
    %dma_start3A_98 = tpu.memref_squeeze %dma_start3A_97 : memref<1x5x768xf32, #tpu.memory_space<hbm>> -> memref<5x768xf32, #tpu.memory_space<hbm>>
    tpu.enqueue_dma source(%dma_start3A_98 : memref<5x768xf32, #tpu.memory_space<hbm>>) target(%dma_start3A_94 : memref<5x768xf32, #tpu.memory_space<vmem>>) target_semaphore(%arg11 : memref<!tpu.dma_semaphore, #tpu.memory_space<semaphore_mem>>)
    %slice3A_99 = vector.extract_strided_slice %get3A_6 {offsets = [5], sizes = [1], strides = [1]} : vector<16xi32> to vector<1xi32>
    %squeeze3A_100 = vector.extract %slice3A_99[0] : i32 from vector<1xi32>
    %dma_start3A_101 = arith.constant 5 : i32
    %dma_start3A_102 = arith.constant 0 : i32
    %dma_start3A_103 = arith.constant 0 : i32
    %dma_start3A_104 = tpu.memref_slice %arg7[%dma_start3A_101, %dma_start3A_102, %dma_start3A_103] : memref<8x5x768xf32, #tpu.memory_space<vmem>> -> memref<1x5x768xf32, #tpu.memory_space<vmem>>
    %dma_start3A_105 = tpu.memref_squeeze %dma_start3A_104 : memref<1x5x768xf32, #tpu.memory_space<vmem>> -> memref<5x768xf32, #tpu.memory_space<vmem>>
    %dma_start3A_106 = arith.constant 0 : i32
    %dma_start3A_107 = arith.constant 0 : i32
    %dma_start3A_108 = tpu.memref_slice %arg2[%squeeze3A_100, %dma_start3A_106, %dma_start3A_107] : memref<50x5x768xf32, #tpu.memory_space<hbm>> -> memref<1x5x768xf32, #tpu.memory_space<hbm>>
    %dma_start3A_109 = tpu.memref_squeeze %dma_start3A_108 : memref<1x5x768xf32, #tpu.memory_space<hbm>> -> memref<5x768xf32, #tpu.memory_space<hbm>>
    %dma_start3A_110 = arith.constant 0 : i32
    %dma_start3A_111 = arith.constant 0 : i32
    %dma_start3A_112 = tpu.memref_slice %arg7[%dma_start3A_101, %dma_start3A_110, %dma_start3A_111] : memref<8x5x768xf32, #tpu.memory_space<vmem>> -> memref<1x5x768xf32, #tpu.memory_space<vmem>>
    %dma_start3A_113 = tpu.memref_squeeze %dma_start3A_112 : memref<1x5x768xf32, #tpu.memory_space<vmem>> -> memref<5x768xf32, #tpu.memory_space<vmem>>
    %dma_start3A_114 = arith.constant 0 : i32
    %dma_start3A_115 = arith.constant 0 : i32
    %dma_start3A_116 = tpu.memref_slice %arg2[%squeeze3A_100, %dma_start3A_114, %dma_start3A_115] : memref<50x5x768xf32, #tpu.memory_space<hbm>> -> memref<1x5x768xf32, #tpu.memory_space<hbm>>
    %dma_start3A_117 = tpu.memref_squeeze %dma_start3A_116 : memref<1x5x768xf32, #tpu.memory_space<hbm>> -> memref<5x768xf32, #tpu.memory_space<hbm>>
    tpu.enqueue_dma source(%dma_start3A_117 : memref<5x768xf32, #tpu.memory_space<hbm>>) target(%dma_start3A_113 : memref<5x768xf32, #tpu.memory_space<vmem>>) target_semaphore(%arg11 : memref<!tpu.dma_semaphore, #tpu.memory_space<semaphore_mem>>)
    %slice3A_118 = vector.extract_strided_slice %get3A_6 {offsets = [6], sizes = [1], strides = [1]} : vector<16xi32> to vector<1xi32>
    %squeeze3A_119 = vector.extract %slice3A_118[0] : i32 from vector<1xi32>
    %dma_start3A_120 = arith.constant 6 : i32
    %dma_start3A_121 = arith.constant 0 : i32
    %dma_start3A_122 = arith.constant 0 : i32
    %dma_start3A_123 = tpu.memref_slice %arg7[%dma_start3A_120, %dma_start3A_121, %dma_start3A_122] : memref<8x5x768xf32, #tpu.memory_space<vmem>> -> memref<1x5x768xf32, #tpu.memory_space<vmem>>
    %dma_start3A_124 = tpu.memref_squeeze %dma_start3A_123 : memref<1x5x768xf32, #tpu.memory_space<vmem>> -> memref<5x768xf32, #tpu.memory_space<vmem>>
    %dma_start3A_125 = arith.constant 0 : i32
    %dma_start3A_126 = arith.constant 0 : i32
    %dma_start3A_127 = tpu.memref_slice %arg2[%squeeze3A_119, %dma_start3A_125, %dma_start3A_126] : memref<50x5x768xf32, #tpu.memory_space<hbm>> -> memref<1x5x768xf32, #tpu.memory_space<hbm>>
    %dma_start3A_128 = tpu.memref_squeeze %dma_start3A_127 : memref<1x5x768xf32, #tpu.memory_space<hbm>> -> memref<5x768xf32, #tpu.memory_space<hbm>>
    %dma_start3A_129 = arith.constant 0 : i32
    %dma_start3A_130 = arith.constant 0 : i32
    %dma_start3A_131 = tpu.memref_slice %arg7[%dma_start3A_120, %dma_start3A_129, %dma_start3A_130] : memref<8x5x768xf32, #tpu.memory_space<vmem>> -> memref<1x5x768xf32, #tpu.memory_space<vmem>>
    %dma_start3A_132 = tpu.memref_squeeze %dma_start3A_131 : memref<1x5x768xf32, #tpu.memory_space<vmem>> -> memref<5x768xf32, #tpu.memory_space<vmem>>
    %dma_start3A_133 = arith.constant 0 : i32
    %dma_start3A_134 = arith.constant 0 : i32
    %dma_start3A_135 = tpu.memref_slice %arg2[%squeeze3A_119, %dma_start3A_133, %dma_start3A_134] : memref<50x5x768xf32, #tpu.memory_space<hbm>> -> memref<1x5x768xf32, #tpu.memory_space<hbm>>
    %dma_start3A_136 = tpu.memref_squeeze %dma_start3A_135 : memref<1x5x768xf32, #tpu.memory_space<hbm>> -> memref<5x768xf32, #tpu.memory_space<hbm>>
    tpu.enqueue_dma source(%dma_start3A_136 : memref<5x768xf32, #tpu.memory_space<hbm>>) target(%dma_start3A_132 : memref<5x768xf32, #tpu.memory_space<vmem>>) target_semaphore(%arg11 : memref<!tpu.dma_semaphore, #tpu.memory_space<semaphore_mem>>)
    %slice3A_137 = vector.extract_strided_slice %get3A_6 {offsets = [7], sizes = [1], strides = [1]} : vector<16xi32> to vector<1xi32>
    %squeeze3A_138 = vector.extract %slice3A_137[0] : i32 from vector<1xi32>
    %dma_start3A_139 = arith.constant 7 : i32
    %dma_start3A_140 = arith.constant 0 : i32
    %dma_start3A_141 = arith.constant 0 : i32
    %dma_start3A_142 = tpu.memref_slice %arg7[%dma_start3A_139, %dma_start3A_140, %dma_start3A_141] : memref<8x5x768xf32, #tpu.memory_space<vmem>> -> memref<1x5x768xf32, #tpu.memory_space<vmem>>
    %dma_start3A_143 = tpu.memref_squeeze %dma_start3A_142 : memref<1x5x768xf32, #tpu.memory_space<vmem>> -> memref<5x768xf32, #tpu.memory_space<vmem>>
    %dma_start3A_144 = arith.constant 0 : i32
    %dma_start3A_145 = arith.constant 0 : i32
    %dma_start3A_146 = tpu.memref_slice %arg2[%squeeze3A_138, %dma_start3A_144, %dma_start3A_145] : memref<50x5x768xf32, #tpu.memory_space<hbm>> -> memref<1x5x768xf32, #tpu.memory_space<hbm>>
    %dma_start3A_147 = tpu.memref_squeeze %dma_start3A_146 : memref<1x5x768xf32, #tpu.memory_space<hbm>> -> memref<5x768xf32, #tpu.memory_space<hbm>>
    %dma_start3A_148 = arith.constant 0 : i32
    %dma_start3A_149 = arith.constant 0 : i32
    %dma_start3A_150 = tpu.memref_slice %arg7[%dma_start3A_139, %dma_start3A_148, %dma_start3A_149] : memref<8x5x768xf32, #tpu.memory_space<vmem>> -> memref<1x5x768xf32, #tpu.memory_space<vmem>>
    %dma_start3A_151 = tpu.memref_squeeze %dma_start3A_150 : memref<1x5x768xf32, #tpu.memory_space<vmem>> -> memref<5x768xf32, #tpu.memory_space<vmem>>
    %dma_start3A_152 = arith.constant 0 : i32
    %dma_start3A_153 = arith.constant 0 : i32
    %dma_start3A_154 = tpu.memref_slice %arg2[%squeeze3A_138, %dma_start3A_152, %dma_start3A_153] : memref<50x5x768xf32, #tpu.memory_space<hbm>> -> memref<1x5x768xf32, #tpu.memory_space<hbm>>
    %dma_start3A_155 = tpu.memref_squeeze %dma_start3A_154 : memref<1x5x768xf32, #tpu.memory_space<hbm>> -> memref<5x768xf32, #tpu.memory_space<hbm>>
    tpu.enqueue_dma source(%dma_start3A_155 : memref<5x768xf32, #tpu.memory_space<hbm>>) target(%dma_start3A_151 : memref<5x768xf32, #tpu.memory_space<vmem>>) target_semaphore(%arg11 : memref<!tpu.dma_semaphore, #tpu.memory_space<semaphore_mem>>)
    %add3A_156 = arith.constant 0 : i32
    %add3A_157 = arith.addi %mul3A_2, %add3A_156 : i32
    %dma_start3A_158 = arith.constant 0 : i32
    %dma_start3A_159 = arith.constant 0 : i32
    %dma_start3A_160 = tpu.memref_slice %arg8[%dma_start3A_158, %dma_start3A_159] : memref<4x768xf32, #tpu.memory_space<vmem>> -> memref<1x768xf32, #tpu.memory_space<vmem>>
    %dma_start3A_161 = arith.constant 0 : i32
    %dma_start3A_162 = arith.constant 0 : i32
    %dma_start3A_163 = tpu.memref_slice %arg4[%add3A_157, %dma_start3A_161, %dma_start3A_162] : memref<128x1x768xf32, #tpu.memory_space<hbm>> -> memref<1x1x768xf32, #tpu.memory_space<hbm>>
    %dma_start3A_164 = tpu.memref_squeeze %dma_start3A_163 : memref<1x1x768xf32, #tpu.memory_space<hbm>> -> memref<1x768xf32, #tpu.memory_space<hbm>>
    %dma_start3A_165 = arith.constant 0 : i32
    %dma_start3A_166 = arith.constant 0 : i32
    %dma_start3A_167 = tpu.memref_slice %arg8[%dma_start3A_165, %dma_start3A_166] : memref<4x768xf32, #tpu.memory_space<vmem>> -> memref<1x768xf32, #tpu.memory_space<vmem>>
    %dma_start3A_168 = arith.constant 0 : i32
    %dma_start3A_169 = arith.constant 0 : i32
    %dma_start3A_170 = tpu.memref_slice %arg4[%add3A_157, %dma_start3A_168, %dma_start3A_169] : memref<128x1x768xf32, #tpu.memory_space<hbm>> -> memref<1x1x768xf32, #tpu.memory_space<hbm>>
    %dma_start3A_171 = tpu.memref_squeeze %dma_start3A_170 : memref<1x1x768xf32, #tpu.memory_space<hbm>> -> memref<1x768xf32, #tpu.memory_space<hbm>>
    tpu.enqueue_dma source(%dma_start3A_171 : memref<1x768xf32, #tpu.memory_space<hbm>>) target(%dma_start3A_167 : memref<1x768xf32, #tpu.memory_space<vmem>>) target_semaphore(%arg12 : memref<!tpu.dma_semaphore, #tpu.memory_space<semaphore_mem>>)
    %add3A_172 = arith.constant 1 : i32
    %add3A_173 = arith.addi %mul3A_2, %add3A_172 : i32
    %dma_start3A_174 = arith.constant 1 : i32
    %dma_start3A_175 = arith.constant 0 : i32
    %dma_start3A_176 = tpu.memref_slice %arg8[%dma_start3A_174, %dma_start3A_175] : memref<4x768xf32, #tpu.memory_space<vmem>> -> memref<1x768xf32, #tpu.memory_space<vmem>>
    %dma_start3A_177 = arith.constant 0 : i32
    %dma_start3A_178 = arith.constant 0 : i32
    %dma_start3A_179 = tpu.memref_slice %arg4[%add3A_173, %dma_start3A_177, %dma_start3A_178] : memref<128x1x768xf32, #tpu.memory_space<hbm>> -> memref<1x1x768xf32, #tpu.memory_space<hbm>>
    %dma_start3A_180 = tpu.memref_squeeze %dma_start3A_179 : memref<1x1x768xf32, #tpu.memory_space<hbm>> -> memref<1x768xf32, #tpu.memory_space<hbm>>
    %dma_start3A_181 = arith.constant 1 : i32
    %dma_start3A_182 = arith.constant 0 : i32
    %dma_start3A_183 = tpu.memref_slice %arg8[%dma_start3A_181, %dma_start3A_182] : memref<4x768xf32, #tpu.memory_space<vmem>> -> memref<1x768xf32, #tpu.memory_space<vmem>>
    %dma_start3A_184 = arith.constant 0 : i32
    %dma_start3A_185 = arith.constant 0 : i32
    %dma_start3A_186 = tpu.memref_slice %arg4[%add3A_173, %dma_start3A_184, %dma_start3A_185] : memref<128x1x768xf32, #tpu.memory_space<hbm>> -> memref<1x1x768xf32, #tpu.memory_space<hbm>>
    %dma_start3A_187 = tpu.memref_squeeze %dma_start3A_186 : memref<1x1x768xf32, #tpu.memory_space<hbm>> -> memref<1x768xf32, #tpu.memory_space<hbm>>
    tpu.enqueue_dma source(%dma_start3A_187 : memref<1x768xf32, #tpu.memory_space<hbm>>) target(%dma_start3A_183 : memref<1x768xf32, #tpu.memory_space<vmem>>) target_semaphore(%arg12 : memref<!tpu.dma_semaphore, #tpu.memory_space<semaphore_mem>>)
    %add3A_188 = arith.constant 2 : i32
    %add3A_189 = arith.addi %mul3A_2, %add3A_188 : i32
    %dma_start3A_190 = arith.constant 2 : i32
    %dma_start3A_191 = arith.constant 0 : i32
    %dma_start3A_192 = tpu.memref_slice %arg8[%dma_start3A_190, %dma_start3A_191] : memref<4x768xf32, #tpu.memory_space<vmem>> -> memref<1x768xf32, #tpu.memory_space<vmem>>
    %dma_start3A_193 = arith.constant 0 : i32
    %dma_start3A_194 = arith.constant 0 : i32
    %dma_start3A_195 = tpu.memref_slice %arg4[%add3A_189, %dma_start3A_193, %dma_start3A_194] : memref<128x1x768xf32, #tpu.memory_space<hbm>> -> memref<1x1x768xf32, #tpu.memory_space<hbm>>
    %dma_start3A_196 = tpu.memref_squeeze %dma_start3A_195 : memref<1x1x768xf32, #tpu.memory_space<hbm>> -> memref<1x768xf32, #tpu.memory_space<hbm>>
    %dma_start3A_197 = arith.constant 2 : i32
    %dma_start3A_198 = arith.constant 0 : i32
    %dma_start3A_199 = tpu.memref_slice %arg8[%dma_start3A_197, %dma_start3A_198] : memref<4x768xf32, #tpu.memory_space<vmem>> -> memref<1x768xf32, #tpu.memory_space<vmem>>
    %dma_start3A_200 = arith.constant 0 : i32
    %dma_start3A_201 = arith.constant 0 : i32
    %dma_start3A_202 = tpu.memref_slice %arg4[%add3A_189, %dma_start3A_200, %dma_start3A_201] : memref<128x1x768xf32, #tpu.memory_space<hbm>> -> memref<1x1x768xf32, #tpu.memory_space<hbm>>
    %dma_start3A_203 = tpu.memref_squeeze %dma_start3A_202 : memref<1x1x768xf32, #tpu.memory_space<hbm>> -> memref<1x768xf32, #tpu.memory_space<hbm>>
    tpu.enqueue_dma source(%dma_start3A_203 : memref<1x768xf32, #tpu.memory_space<hbm>>) target(%dma_start3A_199 : memref<1x768xf32, #tpu.memory_space<vmem>>) target_semaphore(%arg12 : memref<!tpu.dma_semaphore, #tpu.memory_space<semaphore_mem>>)
    %add3A_204 = arith.constant 3 : i32
    %add3A_205 = arith.addi %mul3A_2, %add3A_204 : i32
    %dma_start3A_206 = arith.constant 3 : i32
    %dma_start3A_207 = arith.constant 0 : i32
    %dma_start3A_208 = tpu.memref_slice %arg8[%dma_start3A_206, %dma_start3A_207] : memref<4x768xf32, #tpu.memory_space<vmem>> -> memref<1x768xf32, #tpu.memory_space<vmem>>
    %dma_start3A_209 = arith.constant 0 : i32
    %dma_start3A_210 = arith.constant 0 : i32
    %dma_start3A_211 = tpu.memref_slice %arg4[%add3A_205, %dma_start3A_209, %dma_start3A_210] : memref<128x1x768xf32, #tpu.memory_space<hbm>> -> memref<1x1x768xf32, #tpu.memory_space<hbm>>
    %dma_start3A_212 = tpu.memref_squeeze %dma_start3A_211 : memref<1x1x768xf32, #tpu.memory_space<hbm>> -> memref<1x768xf32, #tpu.memory_space<hbm>>
    %dma_start3A_213 = arith.constant 3 : i32
    %dma_start3A_214 = arith.constant 0 : i32
    %dma_start3A_215 = tpu.memref_slice %arg8[%dma_start3A_213, %dma_start3A_214] : memref<4x768xf32, #tpu.memory_space<vmem>> -> memref<1x768xf32, #tpu.memory_space<vmem>>
    %dma_start3A_216 = arith.constant 0 : i32
    %dma_start3A_217 = arith.constant 0 : i32
    %dma_start3A_218 = tpu.memref_slice %arg4[%add3A_205, %dma_start3A_216, %dma_start3A_217] : memref<128x1x768xf32, #tpu.memory_space<hbm>> -> memref<1x1x768xf32, #tpu.memory_space<hbm>>
    %dma_start3A_219 = tpu.memref_squeeze %dma_start3A_218 : memref<1x1x768xf32, #tpu.memory_space<hbm>> -> memref<1x768xf32, #tpu.memory_space<hbm>>
    tpu.enqueue_dma source(%dma_start3A_219 : memref<1x768xf32, #tpu.memory_space<hbm>>) target(%dma_start3A_215 : memref<1x768xf32, #tpu.memory_space<vmem>>) target_semaphore(%arg12 : memref<!tpu.dma_semaphore, #tpu.memory_space<semaphore_mem>>)
    %dma_wait3A = arith.constant 0 : i32
    %dma_wait3A_220 = arith.constant 0 : i32
    %dma_wait3A_221 = arith.constant 0 : i32
    %dma_wait3A_222 = tpu.memref_slice %arg7[%dma_wait3A, %dma_wait3A_220, %dma_wait3A_221] : memref<8x5x768xf32, #tpu.memory_space<vmem>> -> memref<1x5x768xf32, #tpu.memory_space<vmem>>
    %dma_wait3A_223 = tpu.memref_squeeze %dma_wait3A_222 : memref<1x5x768xf32, #tpu.memory_space<vmem>> -> memref<5x768xf32, #tpu.memory_space<vmem>>
    %dma_wait3A_224 = arith.constant 0 : i32
    %dma_wait3A_225 = arith.constant 0 : i32
    %dma_wait3A_226 = tpu.memref_slice %arg2[%squeeze3A, %dma_wait3A_224, %dma_wait3A_225] : memref<50x5x768xf32, #tpu.memory_space<hbm>> -> memref<1x5x768xf32, #tpu.memory_space<hbm>>
    %dma_wait3A_227 = tpu.memref_squeeze %dma_wait3A_226 : memref<1x5x768xf32, #tpu.memory_space<hbm>> -> memref<5x768xf32, #tpu.memory_space<hbm>>
    %dma_wait3A_228 = arith.constant 0 : i32
    %dma_wait3A_229 = arith.constant 0 : i32
    %dma_wait3A_230 = tpu.memref_slice %arg7[%dma_wait3A, %dma_wait3A_228, %dma_wait3A_229] : memref<8x5x768xf32, #tpu.memory_space<vmem>> -> memref<1x5x768xf32, #tpu.memory_space<vmem>>
    %dma_wait3A_231 = tpu.memref_squeeze %dma_wait3A_230 : memref<1x5x768xf32, #tpu.memory_space<vmem>> -> memref<5x768xf32, #tpu.memory_space<vmem>>
    %dma_wait3A_232 = arith.constant 0 : i32
    %dma_wait3A_233 = arith.constant 0 : i32
    %dma_wait3A_234 = tpu.memref_slice %arg2[%squeeze3A, %dma_wait3A_232, %dma_wait3A_233] : memref<50x5x768xf32, #tpu.memory_space<hbm>> -> memref<1x5x768xf32, #tpu.memory_space<hbm>>
    %dma_wait3A_235 = tpu.memref_squeeze %dma_wait3A_234 : memref<1x5x768xf32, #tpu.memory_space<hbm>> -> memref<5x768xf32, #tpu.memory_space<hbm>>
    tpu.wait_dma2 semaphore(%arg11 : memref<!tpu.dma_semaphore, #tpu.memory_space<semaphore_mem>>) src(%dma_wait3A_235 : memref<5x768xf32, #tpu.memory_space<hbm>>) dst(%dma_wait3A_231 : memref<5x768xf32, #tpu.memory_space<vmem>>)
    %dma_wait3A_236 = arith.constant 1 : i32
    %dma_wait3A_237 = arith.constant 0 : i32
    %dma_wait3A_238 = arith.constant 0 : i32
    %dma_wait3A_239 = tpu.memref_slice %arg7[%dma_wait3A_236, %dma_wait3A_237, %dma_wait3A_238] : memref<8x5x768xf32, #tpu.memory_space<vmem>> -> memref<1x5x768xf32, #tpu.memory_space<vmem>>
    %dma_wait3A_240 = tpu.memref_squeeze %dma_wait3A_239 : memref<1x5x768xf32, #tpu.memory_space<vmem>> -> memref<5x768xf32, #tpu.memory_space<vmem>>
    %dma_wait3A_241 = arith.constant 0 : i32
    %dma_wait3A_242 = arith.constant 0 : i32
    %dma_wait3A_243 = tpu.memref_slice %arg2[%squeeze3A_24, %dma_wait3A_241, %dma_wait3A_242] : memref<50x5x768xf32, #tpu.memory_space<hbm>> -> memref<1x5x768xf32, #tpu.memory_space<hbm>>
    %dma_wait3A_244 = tpu.memref_squeeze %dma_wait3A_243 : memref<1x5x768xf32, #tpu.memory_space<hbm>> -> memref<5x768xf32, #tpu.memory_space<hbm>>
    %dma_wait3A_245 = arith.constant 0 : i32
    %dma_wait3A_246 = arith.constant 0 : i32
    %dma_wait3A_247 = tpu.memref_slice %arg7[%dma_wait3A_236, %dma_wait3A_245, %dma_wait3A_246] : memref<8x5x768xf32, #tpu.memory_space<vmem>> -> memref<1x5x768xf32, #tpu.memory_space<vmem>>
    %dma_wait3A_248 = tpu.memref_squeeze %dma_wait3A_247 : memref<1x5x768xf32, #tpu.memory_space<vmem>> -> memref<5x768xf32, #tpu.memory_space<vmem>>
    %dma_wait3A_249 = arith.constant 0 : i32
    %dma_wait3A_250 = arith.constant 0 : i32
    %dma_wait3A_251 = tpu.memref_slice %arg2[%squeeze3A_24, %dma_wait3A_249, %dma_wait3A_250] : memref<50x5x768xf32, #tpu.memory_space<hbm>> -> memref<1x5x768xf32, #tpu.memory_space<hbm>>
    %dma_wait3A_252 = tpu.memref_squeeze %dma_wait3A_251 : memref<1x5x768xf32, #tpu.memory_space<hbm>> -> memref<5x768xf32, #tpu.memory_space<hbm>>
    tpu.wait_dma2 semaphore(%arg11 : memref<!tpu.dma_semaphore, #tpu.memory_space<semaphore_mem>>) src(%dma_wait3A_252 : memref<5x768xf32, #tpu.memory_space<hbm>>) dst(%dma_wait3A_248 : memref<5x768xf32, #tpu.memory_space<vmem>>)
    %dma_wait3A_253 = arith.constant 2 : i32
    %dma_wait3A_254 = arith.constant 0 : i32
    %dma_wait3A_255 = arith.constant 0 : i32
    %dma_wait3A_256 = tpu.memref_slice %arg7[%dma_wait3A_253, %dma_wait3A_254, %dma_wait3A_255] : memref<8x5x768xf32, #tpu.memory_space<vmem>> -> memref<1x5x768xf32, #tpu.memory_space<vmem>>
    %dma_wait3A_257 = tpu.memref_squeeze %dma_wait3A_256 : memref<1x5x768xf32, #tpu.memory_space<vmem>> -> memref<5x768xf32, #tpu.memory_space<vmem>>
    %dma_wait3A_258 = arith.constant 0 : i32
    %dma_wait3A_259 = arith.constant 0 : i32
    %dma_wait3A_260 = tpu.memref_slice %arg2[%squeeze3A_43, %dma_wait3A_258, %dma_wait3A_259] : memref<50x5x768xf32, #tpu.memory_space<hbm>> -> memref<1x5x768xf32, #tpu.memory_space<hbm>>
    %dma_wait3A_261 = tpu.memref_squeeze %dma_wait3A_260 : memref<1x5x768xf32, #tpu.memory_space<hbm>> -> memref<5x768xf32, #tpu.memory_space<hbm>>
    %dma_wait3A_262 = arith.constant 0 : i32
    %dma_wait3A_263 = arith.constant 0 : i32
    %dma_wait3A_264 = tpu.memref_slice %arg7[%dma_wait3A_253, %dma_wait3A_262, %dma_wait3A_263] : memref<8x5x768xf32, #tpu.memory_space<vmem>> -> memref<1x5x768xf32, #tpu.memory_space<vmem>>
    %dma_wait3A_265 = tpu.memref_squeeze %dma_wait3A_264 : memref<1x5x768xf32, #tpu.memory_space<vmem>> -> memref<5x768xf32, #tpu.memory_space<vmem>>
    %dma_wait3A_266 = arith.constant 0 : i32
    %dma_wait3A_267 = arith.constant 0 : i32
    %dma_wait3A_268 = tpu.memref_slice %arg2[%squeeze3A_43, %dma_wait3A_266, %dma_wait3A_267] : memref<50x5x768xf32, #tpu.memory_space<hbm>> -> memref<1x5x768xf32, #tpu.memory_space<hbm>>
    %dma_wait3A_269 = tpu.memref_squeeze %dma_wait3A_268 : memref<1x5x768xf32, #tpu.memory_space<hbm>> -> memref<5x768xf32, #tpu.memory_space<hbm>>
    tpu.wait_dma2 semaphore(%arg11 : memref<!tpu.dma_semaphore, #tpu.memory_space<semaphore_mem>>) src(%dma_wait3A_269 : memref<5x768xf32, #tpu.memory_space<hbm>>) dst(%dma_wait3A_265 : memref<5x768xf32, #tpu.memory_space<vmem>>)
    %dma_wait3A_270 = arith.constant 3 : i32
    %dma_wait3A_271 = arith.constant 0 : i32
    %dma_wait3A_272 = arith.constant 0 : i32
    %dma_wait3A_273 = tpu.memref_slice %arg7[%dma_wait3A_270, %dma_wait3A_271, %dma_wait3A_272] : memref<8x5x768xf32, #tpu.memory_space<vmem>> -> memref<1x5x768xf32, #tpu.memory_space<vmem>>
    %dma_wait3A_274 = tpu.memref_squeeze %dma_wait3A_273 : memref<1x5x768xf32, #tpu.memory_space<vmem>> -> memref<5x768xf32, #tpu.memory_space<vmem>>
    %dma_wait3A_275 = arith.constant 0 : i32
    %dma_wait3A_276 = arith.constant 0 : i32
    %dma_wait3A_277 = tpu.memref_slice %arg2[%squeeze3A_62, %dma_wait3A_275, %dma_wait3A_276] : memref<50x5x768xf32, #tpu.memory_space<hbm>> -> memref<1x5x768xf32, #tpu.memory_space<hbm>>
    %dma_wait3A_278 = tpu.memref_squeeze %dma_wait3A_277 : memref<1x5x768xf32, #tpu.memory_space<hbm>> -> memref<5x768xf32, #tpu.memory_space<hbm>>
    %dma_wait3A_279 = arith.constant 0 : i32
    %dma_wait3A_280 = arith.constant 0 : i32
    %dma_wait3A_281 = tpu.memref_slice %arg7[%dma_wait3A_270, %dma_wait3A_279, %dma_wait3A_280] : memref<8x5x768xf32, #tpu.memory_space<vmem>> -> memref<1x5x768xf32, #tpu.memory_space<vmem>>
    %dma_wait3A_282 = tpu.memref_squeeze %dma_wait3A_281 : memref<1x5x768xf32, #tpu.memory_space<vmem>> -> memref<5x768xf32, #tpu.memory_space<vmem>>
    %dma_wait3A_283 = arith.constant 0 : i32
    %dma_wait3A_284 = arith.constant 0 : i32
    %dma_wait3A_285 = tpu.memref_slice %arg2[%squeeze3A_62, %dma_wait3A_283, %dma_wait3A_284] : memref<50x5x768xf32, #tpu.memory_space<hbm>> -> memref<1x5x768xf32, #tpu.memory_space<hbm>>
    %dma_wait3A_286 = tpu.memref_squeeze %dma_wait3A_285 : memref<1x5x768xf32, #tpu.memory_space<hbm>> -> memref<5x768xf32, #tpu.memory_space<hbm>>
    tpu.wait_dma2 semaphore(%arg11 : memref<!tpu.dma_semaphore, #tpu.memory_space<semaphore_mem>>) src(%dma_wait3A_286 : memref<5x768xf32, #tpu.memory_space<hbm>>) dst(%dma_wait3A_282 : memref<5x768xf32, #tpu.memory_space<vmem>>)
    %dma_wait3A_287 = arith.constant 4 : i32
    %dma_wait3A_288 = arith.constant 0 : i32
    %dma_wait3A_289 = arith.constant 0 : i32
    %dma_wait3A_290 = tpu.memref_slice %arg7[%dma_wait3A_287, %dma_wait3A_288, %dma_wait3A_289] : memref<8x5x768xf32, #tpu.memory_space<vmem>> -> memref<1x5x768xf32, #tpu.memory_space<vmem>>
    %dma_wait3A_291 = tpu.memref_squeeze %dma_wait3A_290 : memref<1x5x768xf32, #tpu.memory_space<vmem>> -> memref<5x768xf32, #tpu.memory_space<vmem>>
    %dma_wait3A_292 = arith.constant 0 : i32
    %dma_wait3A_293 = arith.constant 0 : i32
    %dma_wait3A_294 = tpu.memref_slice %arg2[%squeeze3A_81, %dma_wait3A_292, %dma_wait3A_293] : memref<50x5x768xf32, #tpu.memory_space<hbm>> -> memref<1x5x768xf32, #tpu.memory_space<hbm>>
    %dma_wait3A_295 = tpu.memref_squeeze %dma_wait3A_294 : memref<1x5x768xf32, #tpu.memory_space<hbm>> -> memref<5x768xf32, #tpu.memory_space<hbm>>
    %dma_wait3A_296 = arith.constant 0 : i32
    %dma_wait3A_297 = arith.constant 0 : i32
    %dma_wait3A_298 = tpu.memref_slice %arg7[%dma_wait3A_287, %dma_wait3A_296, %dma_wait3A_297] : memref<8x5x768xf32, #tpu.memory_space<vmem>> -> memref<1x5x768xf32, #tpu.memory_space<vmem>>
    %dma_wait3A_299 = tpu.memref_squeeze %dma_wait3A_298 : memref<1x5x768xf32, #tpu.memory_space<vmem>> -> memref<5x768xf32, #tpu.memory_space<vmem>>
    %dma_wait3A_300 = arith.constant 0 : i32
    %dma_wait3A_301 = arith.constant 0 : i32
    %dma_wait3A_302 = tpu.memref_slice %arg2[%squeeze3A_81, %dma_wait3A_300, %dma_wait3A_301] : memref<50x5x768xf32, #tpu.memory_space<hbm>> -> memref<1x5x768xf32, #tpu.memory_space<hbm>>
    %dma_wait3A_303 = tpu.memref_squeeze %dma_wait3A_302 : memref<1x5x768xf32, #tpu.memory_space<hbm>> -> memref<5x768xf32, #tpu.memory_space<hbm>>
    tpu.wait_dma2 semaphore(%arg11 : memref<!tpu.dma_semaphore, #tpu.memory_space<semaphore_mem>>) src(%dma_wait3A_303 : memref<5x768xf32, #tpu.memory_space<hbm>>) dst(%dma_wait3A_299 : memref<5x768xf32, #tpu.memory_space<vmem>>)
    %dma_wait3A_304 = arith.constant 5 : i32
    %dma_wait3A_305 = arith.constant 0 : i32
    %dma_wait3A_306 = arith.constant 0 : i32
    %dma_wait3A_307 = tpu.memref_slice %arg7[%dma_wait3A_304, %dma_wait3A_305, %dma_wait3A_306] : memref<8x5x768xf32, #tpu.memory_space<vmem>> -> memref<1x5x768xf32, #tpu.memory_space<vmem>>
    %dma_wait3A_308 = tpu.memref_squeeze %dma_wait3A_307 : memref<1x5x768xf32, #tpu.memory_space<vmem>> -> memref<5x768xf32, #tpu.memory_space<vmem>>
    %dma_wait3A_309 = arith.constant 0 : i32
    %dma_wait3A_310 = arith.constant 0 : i32
    %dma_wait3A_311 = tpu.memref_slice %arg2[%squeeze3A_100, %dma_wait3A_309, %dma_wait3A_310] : memref<50x5x768xf32, #tpu.memory_space<hbm>> -> memref<1x5x768xf32, #tpu.memory_space<hbm>>
    %dma_wait3A_312 = tpu.memref_squeeze %dma_wait3A_311 : memref<1x5x768xf32, #tpu.memory_space<hbm>> -> memref<5x768xf32, #tpu.memory_space<hbm>>
    %dma_wait3A_313 = arith.constant 0 : i32
    %dma_wait3A_314 = arith.constant 0 : i32
    %dma_wait3A_315 = tpu.memref_slice %arg7[%dma_wait3A_304, %dma_wait3A_313, %dma_wait3A_314] : memref<8x5x768xf32, #tpu.memory_space<vmem>> -> memref<1x5x768xf32, #tpu.memory_space<vmem>>
    %dma_wait3A_316 = tpu.memref_squeeze %dma_wait3A_315 : memref<1x5x768xf32, #tpu.memory_space<vmem>> -> memref<5x768xf32, #tpu.memory_space<vmem>>
    %dma_wait3A_317 = arith.constant 0 : i32
    %dma_wait3A_318 = arith.constant 0 : i32
    %dma_wait3A_319 = tpu.memref_slice %arg2[%squeeze3A_100, %dma_wait3A_317, %dma_wait3A_318] : memref<50x5x768xf32, #tpu.memory_space<hbm>> -> memref<1x5x768xf32, #tpu.memory_space<hbm>>
    %dma_wait3A_320 = tpu.memref_squeeze %dma_wait3A_319 : memref<1x5x768xf32, #tpu.memory_space<hbm>> -> memref<5x768xf32, #tpu.memory_space<hbm>>
    tpu.wait_dma2 semaphore(%arg11 : memref<!tpu.dma_semaphore, #tpu.memory_space<semaphore_mem>>) src(%dma_wait3A_320 : memref<5x768xf32, #tpu.memory_space<hbm>>) dst(%dma_wait3A_316 : memref<5x768xf32, #tpu.memory_space<vmem>>)
    %dma_wait3A_321 = arith.constant 6 : i32
    %dma_wait3A_322 = arith.constant 0 : i32
    %dma_wait3A_323 = arith.constant 0 : i32
    %dma_wait3A_324 = tpu.memref_slice %arg7[%dma_wait3A_321, %dma_wait3A_322, %dma_wait3A_323] : memref<8x5x768xf32, #tpu.memory_space<vmem>> -> memref<1x5x768xf32, #tpu.memory_space<vmem>>
    %dma_wait3A_325 = tpu.memref_squeeze %dma_wait3A_324 : memref<1x5x768xf32, #tpu.memory_space<vmem>> -> memref<5x768xf32, #tpu.memory_space<vmem>>
    %dma_wait3A_326 = arith.constant 0 : i32
    %dma_wait3A_327 = arith.constant 0 : i32
    %dma_wait3A_328 = tpu.memref_slice %arg2[%squeeze3A_119, %dma_wait3A_326, %dma_wait3A_327] : memref<50x5x768xf32, #tpu.memory_space<hbm>> -> memref<1x5x768xf32, #tpu.memory_space<hbm>>
    %dma_wait3A_329 = tpu.memref_squeeze %dma_wait3A_328 : memref<1x5x768xf32, #tpu.memory_space<hbm>> -> memref<5x768xf32, #tpu.memory_space<hbm>>
    %dma_wait3A_330 = arith.constant 0 : i32
    %dma_wait3A_331 = arith.constant 0 : i32
    %dma_wait3A_332 = tpu.memref_slice %arg7[%dma_wait3A_321, %dma_wait3A_330, %dma_wait3A_331] : memref<8x5x768xf32, #tpu.memory_space<vmem>> -> memref<1x5x768xf32, #tpu.memory_space<vmem>>
    %dma_wait3A_333 = tpu.memref_squeeze %dma_wait3A_332 : memref<1x5x768xf32, #tpu.memory_space<vmem>> -> memref<5x768xf32, #tpu.memory_space<vmem>>
    %dma_wait3A_334 = arith.constant 0 : i32
    %dma_wait3A_335 = arith.constant 0 : i32
    %dma_wait3A_336 = tpu.memref_slice %arg2[%squeeze3A_119, %dma_wait3A_334, %dma_wait3A_335] : memref<50x5x768xf32, #tpu.memory_space<hbm>> -> memref<1x5x768xf32, #tpu.memory_space<hbm>>
    %dma_wait3A_337 = tpu.memref_squeeze %dma_wait3A_336 : memref<1x5x768xf32, #tpu.memory_space<hbm>> -> memref<5x768xf32, #tpu.memory_space<hbm>>
    tpu.wait_dma2 semaphore(%arg11 : memref<!tpu.dma_semaphore, #tpu.memory_space<semaphore_mem>>) src(%dma_wait3A_337 : memref<5x768xf32, #tpu.memory_space<hbm>>) dst(%dma_wait3A_333 : memref<5x768xf32, #tpu.memory_space<vmem>>)
    %dma_wait3A_338 = arith.constant 7 : i32
    %dma_wait3A_339 = arith.constant 0 : i32
    %dma_wait3A_340 = arith.constant 0 : i32
    %dma_wait3A_341 = tpu.memref_slice %arg7[%dma_wait3A_338, %dma_wait3A_339, %dma_wait3A_340] : memref<8x5x768xf32, #tpu.memory_space<vmem>> -> memref<1x5x768xf32, #tpu.memory_space<vmem>>
    %dma_wait3A_342 = tpu.memref_squeeze %dma_wait3A_341 : memref<1x5x768xf32, #tpu.memory_space<vmem>> -> memref<5x768xf32, #tpu.memory_space<vmem>>
    %dma_wait3A_343 = arith.constant 0 : i32
    %dma_wait3A_344 = arith.constant 0 : i32
    %dma_wait3A_345 = tpu.memref_slice %arg2[%squeeze3A_138, %dma_wait3A_343, %dma_wait3A_344] : memref<50x5x768xf32, #tpu.memory_space<hbm>> -> memref<1x5x768xf32, #tpu.memory_space<hbm>>
    %dma_wait3A_346 = tpu.memref_squeeze %dma_wait3A_345 : memref<1x5x768xf32, #tpu.memory_space<hbm>> -> memref<5x768xf32, #tpu.memory_space<hbm>>
    %dma_wait3A_347 = arith.constant 0 : i32
    %dma_wait3A_348 = arith.constant 0 : i32
    %dma_wait3A_349 = tpu.memref_slice %arg7[%dma_wait3A_338, %dma_wait3A_347, %dma_wait3A_348] : memref<8x5x768xf32, #tpu.memory_space<vmem>> -> memref<1x5x768xf32, #tpu.memory_space<vmem>>
    %dma_wait3A_350 = tpu.memref_squeeze %dma_wait3A_349 : memref<1x5x768xf32, #tpu.memory_space<vmem>> -> memref<5x768xf32, #tpu.memory_space<vmem>>
    %dma_wait3A_351 = arith.constant 0 : i32
    %dma_wait3A_352 = arith.constant 0 : i32
    %dma_wait3A_353 = tpu.memref_slice %arg2[%squeeze3A_138, %dma_wait3A_351, %dma_wait3A_352] : memref<50x5x768xf32, #tpu.memory_space<hbm>> -> memref<1x5x768xf32, #tpu.memory_space<hbm>>
    %dma_wait3A_354 = tpu.memref_squeeze %dma_wait3A_353 : memref<1x5x768xf32, #tpu.memory_space<hbm>> -> memref<5x768xf32, #tpu.memory_space<hbm>>
    tpu.wait_dma2 semaphore(%arg11 : memref<!tpu.dma_semaphore, #tpu.memory_space<semaphore_mem>>) src(%dma_wait3A_354 : memref<5x768xf32, #tpu.memory_space<hbm>>) dst(%dma_wait3A_350 : memref<5x768xf32, #tpu.memory_space<vmem>>)
    %dma_wait3A_355 = arith.constant 0 : i32
    %dma_wait3A_356 = arith.constant 0 : i32
    %dma_wait3A_357 = tpu.memref_slice %arg8[%dma_wait3A_355, %dma_wait3A_356] : memref<4x768xf32, #tpu.memory_space<vmem>> -> memref<1x768xf32, #tpu.memory_space<vmem>>
    %dma_wait3A_358 = arith.constant 0 : i32
    %dma_wait3A_359 = arith.constant 0 : i32
    %dma_wait3A_360 = tpu.memref_slice %arg4[%add3A_157, %dma_wait3A_358, %dma_wait3A_359] : memref<128x1x768xf32, #tpu.memory_space<hbm>> -> memref<1x1x768xf32, #tpu.memory_space<hbm>>
    %dma_wait3A_361 = tpu.memref_squeeze %dma_wait3A_360 : memref<1x1x768xf32, #tpu.memory_space<hbm>> -> memref<1x768xf32, #tpu.memory_space<hbm>>
    %dma_wait3A_362 = arith.constant 0 : i32
    %dma_wait3A_363 = arith.constant 0 : i32
    %dma_wait3A_364 = tpu.memref_slice %arg8[%dma_wait3A_362, %dma_wait3A_363] : memref<4x768xf32, #tpu.memory_space<vmem>> -> memref<1x768xf32, #tpu.memory_space<vmem>>
    %dma_wait3A_365 = arith.constant 0 : i32
    %dma_wait3A_366 = arith.constant 0 : i32
    %dma_wait3A_367 = tpu.memref_slice %arg4[%add3A_157, %dma_wait3A_365, %dma_wait3A_366] : memref<128x1x768xf32, #tpu.memory_space<hbm>> -> memref<1x1x768xf32, #tpu.memory_space<hbm>>
    %dma_wait3A_368 = tpu.memref_squeeze %dma_wait3A_367 : memref<1x1x768xf32, #tpu.memory_space<hbm>> -> memref<1x768xf32, #tpu.memory_space<hbm>>
    tpu.wait_dma2 semaphore(%arg12 : memref<!tpu.dma_semaphore, #tpu.memory_space<semaphore_mem>>) src(%dma_wait3A_368 : memref<1x768xf32, #tpu.memory_space<hbm>>) dst(%dma_wait3A_364 : memref<1x768xf32, #tpu.memory_space<vmem>>)
    %dma_wait3A_369 = arith.constant 1 : i32
    %dma_wait3A_370 = arith.constant 0 : i32
    %dma_wait3A_371 = tpu.memref_slice %arg8[%dma_wait3A_369, %dma_wait3A_370] : memref<4x768xf32, #tpu.memory_space<vmem>> -> memref<1x768xf32, #tpu.memory_space<vmem>>
    %dma_wait3A_372 = arith.constant 0 : i32
    %dma_wait3A_373 = arith.constant 0 : i32
    %dma_wait3A_374 = tpu.memref_slice %arg4[%add3A_173, %dma_wait3A_372, %dma_wait3A_373] : memref<128x1x768xf32, #tpu.memory_space<hbm>> -> memref<1x1x768xf32, #tpu.memory_space<hbm>>
    %dma_wait3A_375 = tpu.memref_squeeze %dma_wait3A_374 : memref<1x1x768xf32, #tpu.memory_space<hbm>> -> memref<1x768xf32, #tpu.memory_space<hbm>>
    %dma_wait3A_376 = arith.constant 1 : i32
    %dma_wait3A_377 = arith.constant 0 : i32
    %dma_wait3A_378 = tpu.memref_slice %arg8[%dma_wait3A_376, %dma_wait3A_377] : memref<4x768xf32, #tpu.memory_space<vmem>> -> memref<1x768xf32, #tpu.memory_space<vmem>>
    %dma_wait3A_379 = arith.constant 0 : i32
    %dma_wait3A_380 = arith.constant 0 : i32
    %dma_wait3A_381 = tpu.memref_slice %arg4[%add3A_173, %dma_wait3A_379, %dma_wait3A_380] : memref<128x1x768xf32, #tpu.memory_space<hbm>> -> memref<1x1x768xf32, #tpu.memory_space<hbm>>
    %dma_wait3A_382 = tpu.memref_squeeze %dma_wait3A_381 : memref<1x1x768xf32, #tpu.memory_space<hbm>> -> memref<1x768xf32, #tpu.memory_space<hbm>>
    tpu.wait_dma2 semaphore(%arg12 : memref<!tpu.dma_semaphore, #tpu.memory_space<semaphore_mem>>) src(%dma_wait3A_382 : memref<1x768xf32, #tpu.memory_space<hbm>>) dst(%dma_wait3A_378 : memref<1x768xf32, #tpu.memory_space<vmem>>)
    %dma_wait3A_383 = arith.constant 2 : i32
    %dma_wait3A_384 = arith.constant 0 : i32
    %dma_wait3A_385 = tpu.memref_slice %arg8[%dma_wait3A_383, %dma_wait3A_384] : memref<4x768xf32, #tpu.memory_space<vmem>> -> memref<1x768xf32, #tpu.memory_space<vmem>>
    %dma_wait3A_386 = arith.constant 0 : i32
    %dma_wait3A_387 = arith.constant 0 : i32
    %dma_wait3A_388 = tpu.memref_slice %arg4[%add3A_189, %dma_wait3A_386, %dma_wait3A_387] : memref<128x1x768xf32, #tpu.memory_space<hbm>> -> memref<1x1x768xf32, #tpu.memory_space<hbm>>
    %dma_wait3A_389 = tpu.memref_squeeze %dma_wait3A_388 : memref<1x1x768xf32, #tpu.memory_space<hbm>> -> memref<1x768xf32, #tpu.memory_space<hbm>>
    %dma_wait3A_390 = arith.constant 2 : i32
    %dma_wait3A_391 = arith.constant 0 : i32
    %dma_wait3A_392 = tpu.memref_slice %arg8[%dma_wait3A_390, %dma_wait3A_391] : memref<4x768xf32, #tpu.memory_space<vmem>> -> memref<1x768xf32, #tpu.memory_space<vmem>>
    %dma_wait3A_393 = arith.constant 0 : i32
    %dma_wait3A_394 = arith.constant 0 : i32
    %dma_wait3A_395 = tpu.memref_slice %arg4[%add3A_189, %dma_wait3A_393, %dma_wait3A_394] : memref<128x1x768xf32, #tpu.memory_space<hbm>> -> memref<1x1x768xf32, #tpu.memory_space<hbm>>
    %dma_wait3A_396 = tpu.memref_squeeze %dma_wait3A_395 : memref<1x1x768xf32, #tpu.memory_space<hbm>> -> memref<1x768xf32, #tpu.memory_space<hbm>>
    tpu.wait_dma2 semaphore(%arg12 : memref<!tpu.dma_semaphore, #tpu.memory_space<semaphore_mem>>) src(%dma_wait3A_396 : memref<1x768xf32, #tpu.memory_space<hbm>>) dst(%dma_wait3A_392 : memref<1x768xf32, #tpu.memory_space<vmem>>)
    %dma_wait3A_397 = arith.constant 3 : i32
    %dma_wait3A_398 = arith.constant 0 : i32
    %dma_wait3A_399 = tpu.memref_slice %arg8[%dma_wait3A_397, %dma_wait3A_398] : memref<4x768xf32, #tpu.memory_space<vmem>> -> memref<1x768xf32, #tpu.memory_space<vmem>>
    %dma_wait3A_400 = arith.constant 0 : i32
    %dma_wait3A_401 = arith.constant 0 : i32
    %dma_wait3A_402 = tpu.memref_slice %arg4[%add3A_205, %dma_wait3A_400, %dma_wait3A_401] : memref<128x1x768xf32, #tpu.memory_space<hbm>> -> memref<1x1x768xf32, #tpu.memory_space<hbm>>
    %dma_wait3A_403 = tpu.memref_squeeze %dma_wait3A_402 : memref<1x1x768xf32, #tpu.memory_space<hbm>> -> memref<1x768xf32, #tpu.memory_space<hbm>>
    %dma_wait3A_404 = arith.constant 3 : i32
    %dma_wait3A_405 = arith.constant 0 : i32
    %dma_wait3A_406 = tpu.memref_slice %arg8[%dma_wait3A_404, %dma_wait3A_405] : memref<4x768xf32, #tpu.memory_space<vmem>> -> memref<1x768xf32, #tpu.memory_space<vmem>>
    %dma_wait3A_407 = arith.constant 0 : i32
    %dma_wait3A_408 = arith.constant 0 : i32
    %dma_wait3A_409 = tpu.memref_slice %arg4[%add3A_205, %dma_wait3A_407, %dma_wait3A_408] : memref<128x1x768xf32, #tpu.memory_space<hbm>> -> memref<1x1x768xf32, #tpu.memory_space<hbm>>
    %dma_wait3A_410 = tpu.memref_squeeze %dma_wait3A_409 : memref<1x1x768xf32, #tpu.memory_space<hbm>> -> memref<1x768xf32, #tpu.memory_space<hbm>>
    tpu.wait_dma2 semaphore(%arg12 : memref<!tpu.dma_semaphore, #tpu.memory_space<semaphore_mem>>) src(%dma_wait3A_410 : memref<1x768xf32, #tpu.memory_space<hbm>>) dst(%dma_wait3A_406 : memref<1x768xf32, #tpu.memory_space<vmem>>)
    %scan3A = arith.constant 0 : i32
    %scan3A_411 = arith.constant 0 : i32
    %scan3A_412 = arith.constant 48 : i32
    %scan3A_413 = arith.addi %scan3A_411, %scan3A_412 : i32
    %scan3A_414 = arith.constant 1 : i32
    scf.for %scan3A_506 = %scan3A_411 to %scan3A_413 step %scan3A_414  : i32 {
      %mul3A_507 = arith.constant 16 : i32
      %mul3A_508 = arith.muli %scan3A_506, %mul3A_507 : i32
      %get3A_509 = arith.constant 0 : i32
      %get3A_510 = arith.index_cast %get3A_509 : i32 to index
      %get3A_511 = arith.index_cast %mul3A_508 : i32 to index
      %get3A_512 = tpu.vector_load %arg8[%get3A_510, %get3A_511] {strides = array<i32>} : memref<4x768xf32, #tpu.memory_space<vmem>>, vector<1x16xf32>,
      %get3A_513 = vector.shape_cast %get3A_512 : vector<1x16xf32> to vector<16xf32>
      %get3A_514 = arith.constant 0 : i32
      %get3A_515 = arith.constant 0 : i32
      %get3A_516 = arith.index_cast %get3A_514 : i32 to index
      %get3A_517 = arith.index_cast %get3A_515 : i32 to index
      %get3A_518 = arith.index_cast %mul3A_508 : i32 to index
      %get3A_519 = tpu.vector_load %arg7[%get3A_516, %get3A_517, %get3A_518] {strides = array<i32>} : memref<8x5x768xf32, #tpu.memory_space<vmem>>, vector<1x1x16xf32>,
      %get3A_520 = vector.shape_cast %get3A_519 : vector<1x1x16xf32> to vector<16xf32>
      %add3A_521 = arith.addf %get3A_520, %get3A_513 : vector<16xf32>
      %swap3A = arith.constant 0 : i32
      %swap3A_522 = arith.index_cast %swap3A : i32 to index
      %swap3A_523 = arith.index_cast %mul3A_508 : i32 to index
      %swap3A_524 = tpu.vector_load %arg9[%swap3A_522, %swap3A_523] {strides = array<i32>} : memref<25x768xf32, #tpu.memory_space<vmem>>, vector<1x16xf32>,
      %swap3A_525 = vector.shape_cast %swap3A_524 : vector<1x16xf32> to vector<16xf32>
      %swap3A_526 = vector.shape_cast %add3A_521 : vector<16xf32> to vector<1x16xf32>
      tpu.vector_store %arg9[%swap3A_522, %swap3A_523], %swap3A_526 {strides = array<i32>} : memref<25x768xf32, #tpu.memory_space<vmem>>, vector<1x16xf32>,
      %get3A_527 = arith.constant 0 : i32
      %get3A_528 = arith.constant 1 : i32
      %get3A_529 = arith.index_cast %get3A_527 : i32 to index
      %get3A_530 = arith.index_cast %get3A_528 : i32 to index
      %get3A_531 = arith.index_cast %mul3A_508 : i32 to index
      %get3A_532 = tpu.vector_load %arg7[%get3A_529, %get3A_530, %get3A_531] {strides = array<i32>} : memref<8x5x768xf32, #tpu.memory_space<vmem>>, vector<1x1x16xf32>,
      %get3A_533 = vector.shape_cast %get3A_532 : vector<1x1x16xf32> to vector<16xf32>
      %add3A_534 = arith.addf %get3A_533, %get3A_513 : vector<16xf32>
      %swap3A_535 = arith.constant 1 : i32
      %swap3A_536 = arith.index_cast %swap3A_535 : i32 to index
      %swap3A_537 = arith.index_cast %mul3A_508 : i32 to index
      %swap3A_538 = tpu.vector_load %arg9[%swap3A_536, %swap3A_537] {strides = array<i32>} : memref<25x768xf32, #tpu.memory_space<vmem>>, vector<1x16xf32>,
      %swap3A_539 = vector.shape_cast %swap3A_538 : vector<1x16xf32> to vector<16xf32>
      %swap3A_540 = vector.shape_cast %add3A_534 : vector<16xf32> to vector<1x16xf32>
      tpu.vector_store %arg9[%swap3A_536, %swap3A_537], %swap3A_540 {strides = array<i32>} : memref<25x768xf32, #tpu.memory_space<vmem>>, vector<1x16xf32>,
      %get3A_541 = arith.constant 0 : i32
      %get3A_542 = arith.constant 2 : i32
      %get3A_543 = arith.index_cast %get3A_541 : i32 to index
      %get3A_544 = arith.index_cast %get3A_542 : i32 to index
      %get3A_545 = arith.index_cast %mul3A_508 : i32 to index
      %get3A_546 = tpu.vector_load %arg7[%get3A_543, %get3A_544, %get3A_545] {strides = array<i32>} : memref<8x5x768xf32, #tpu.memory_space<vmem>>, vector<1x1x16xf32>,
      %get3A_547 = vector.shape_cast %get3A_546 : vector<1x1x16xf32> to vector<16xf32>
      %add3A_548 = arith.addf %get3A_547, %get3A_513 : vector<16xf32>
      %swap3A_549 = arith.constant 2 : i32
      %swap3A_550 = arith.index_cast %swap3A_549 : i32 to index
      %swap3A_551 = arith.index_cast %mul3A_508 : i32 to index
      %swap3A_552 = tpu.vector_load %arg9[%swap3A_550, %swap3A_551] {strides = array<i32>} : memref<25x768xf32, #tpu.memory_space<vmem>>, vector<1x16xf32>,
      %swap3A_553 = vector.shape_cast %swap3A_552 : vector<1x16xf32> to vector<16xf32>
      %swap3A_554 = vector.shape_cast %add3A_548 : vector<16xf32> to vector<1x16xf32>
      tpu.vector_store %arg9[%swap3A_550, %swap3A_551], %swap3A_554 {strides = array<i32>} : memref<25x768xf32, #tpu.memory_space<vmem>>, vector<1x16xf32>,
      %get3A_555 = arith.constant 0 : i32
      %get3A_556 = arith.constant 3 : i32
      %get3A_557 = arith.index_cast %get3A_555 : i32 to index
      %get3A_558 = arith.index_cast %get3A_556 : i32 to index
      %get3A_559 = arith.index_cast %mul3A_508 : i32 to index
      %get3A_560 = tpu.vector_load %arg7[%get3A_557, %get3A_558, %get3A_559] {strides = array<i32>} : memref<8x5x768xf32, #tpu.memory_space<vmem>>, vector<1x1x16xf32>,
      %get3A_561 = vector.shape_cast %get3A_560 : vector<1x1x16xf32> to vector<16xf32>
      %add3A_562 = arith.addf %get3A_561, %get3A_513 : vector<16xf32>
      %swap3A_563 = arith.constant 3 : i32
      %swap3A_564 = arith.index_cast %swap3A_563 : i32 to index
      %swap3A_565 = arith.index_cast %mul3A_508 : i32 to index
      %swap3A_566 = tpu.vector_load %arg9[%swap3A_564, %swap3A_565] {strides = array<i32>} : memref<25x768xf32, #tpu.memory_space<vmem>>, vector<1x16xf32>,
      %swap3A_567 = vector.shape_cast %swap3A_566 : vector<1x16xf32> to vector<16xf32>
      %swap3A_568 = vector.shape_cast %add3A_562 : vector<16xf32> to vector<1x16xf32>
      tpu.vector_store %arg9[%swap3A_564, %swap3A_565], %swap3A_568 {strides = array<i32>} : memref<25x768xf32, #tpu.memory_space<vmem>>, vector<1x16xf32>,
      %get3A_569 = arith.constant 0 : i32
      %get3A_570 = arith.constant 4 : i32
      %get3A_571 = arith.index_cast %get3A_569 : i32 to index
      %get3A_572 = arith.index_cast %get3A_570 : i32 to index
      %get3A_573 = arith.index_cast %mul3A_508 : i32 to index
      %get3A_574 = tpu.vector_load %arg7[%get3A_571, %get3A_572, %get3A_573] {strides = array<i32>} : memref<8x5x768xf32, #tpu.memory_space<vmem>>, vector<1x1x16xf32>,
      %get3A_575 = vector.shape_cast %get3A_574 : vector<1x1x16xf32> to vector<16xf32>
      %add3A_576 = arith.addf %get3A_575, %get3A_513 : vector<16xf32>
      %swap3A_577 = arith.constant 4 : i32
      %swap3A_578 = arith.index_cast %swap3A_577 : i32 to index
      %swap3A_579 = arith.index_cast %mul3A_508 : i32 to index
      %swap3A_580 = tpu.vector_load %arg9[%swap3A_578, %swap3A_579] {strides = array<i32>} : memref<25x768xf32, #tpu.memory_space<vmem>>, vector<1x16xf32>,
      %swap3A_581 = vector.shape_cast %swap3A_580 : vector<1x16xf32> to vector<16xf32>
      %swap3A_582 = vector.shape_cast %add3A_576 : vector<16xf32> to vector<1x16xf32>
      tpu.vector_store %arg9[%swap3A_578, %swap3A_579], %swap3A_582 {strides = array<i32>} : memref<25x768xf32, #tpu.memory_space<vmem>>, vector<1x16xf32>,
      %get3A_583 = arith.constant 4 : i32
      %get3A_584 = arith.constant 0 : i32
      %get3A_585 = arith.index_cast %get3A_583 : i32 to index
      %get3A_586 = arith.index_cast %get3A_584 : i32 to index
      %get3A_587 = arith.index_cast %mul3A_508 : i32 to index
      %get3A_588 = tpu.vector_load %arg7[%get3A_585, %get3A_586, %get3A_587] {strides = array<i32>} : memref<8x5x768xf32, #tpu.memory_space<vmem>>, vector<1x1x16xf32>,
      %get3A_589 = vector.shape_cast %get3A_588 : vector<1x1x16xf32> to vector<16xf32>
      %add3A_590 = arith.addf %get3A_589, %get3A_513 : vector<16xf32>
      %swap3A_591 = arith.constant 5 : i32
      %swap3A_592 = arith.index_cast %swap3A_591 : i32 to index
      %swap3A_593 = arith.index_cast %mul3A_508 : i32 to index
      %swap3A_594 = tpu.vector_load %arg9[%swap3A_592, %swap3A_593] {strides = array<i32>} : memref<25x768xf32, #tpu.memory_space<vmem>>, vector<1x16xf32>,
      %swap3A_595 = vector.shape_cast %swap3A_594 : vector<1x16xf32> to vector<16xf32>
      %swap3A_596 = vector.shape_cast %add3A_590 : vector<16xf32> to vector<1x16xf32>
      tpu.vector_store %arg9[%swap3A_592, %swap3A_593], %swap3A_596 {strides = array<i32>} : memref<25x768xf32, #tpu.memory_space<vmem>>, vector<1x16xf32>,
      %get3A_597 = arith.constant 4 : i32
      %get3A_598 = arith.constant 1 : i32
      %get3A_599 = arith.index_cast %get3A_597 : i32 to index
      %get3A_600 = arith.index_cast %get3A_598 : i32 to index
      %get3A_601 = arith.index_cast %mul3A_508 : i32 to index
      %get3A_602 = tpu.vector_load %arg7[%get3A_599, %get3A_600, %get3A_601] {strides = array<i32>} : memref<8x5x768xf32, #tpu.memory_space<vmem>>, vector<1x1x16xf32>,
      %get3A_603 = vector.shape_cast %get3A_602 : vector<1x1x16xf32> to vector<16xf32>
      %add3A_604 = arith.addf %get3A_603, %get3A_513 : vector<16xf32>
      %swap3A_605 = arith.constant 6 : i32
      %swap3A_606 = arith.index_cast %swap3A_605 : i32 to index
      %swap3A_607 = arith.index_cast %mul3A_508 : i32 to index
      %swap3A_608 = tpu.vector_load %arg9[%swap3A_606, %swap3A_607] {strides = array<i32>} : memref<25x768xf32, #tpu.memory_space<vmem>>, vector<1x16xf32>,
      %swap3A_609 = vector.shape_cast %swap3A_608 : vector<1x16xf32> to vector<16xf32>
      %swap3A_610 = vector.shape_cast %add3A_604 : vector<16xf32> to vector<1x16xf32>
      tpu.vector_store %arg9[%swap3A_606, %swap3A_607], %swap3A_610 {strides = array<i32>} : memref<25x768xf32, #tpu.memory_space<vmem>>, vector<1x16xf32>,
      %get3A_611 = arith.constant 4 : i32
      %get3A_612 = arith.constant 2 : i32
      %get3A_613 = arith.index_cast %get3A_611 : i32 to index
      %get3A_614 = arith.index_cast %get3A_612 : i32 to index
      %get3A_615 = arith.index_cast %mul3A_508 : i32 to index
      %get3A_616 = tpu.vector_load %arg7[%get3A_613, %get3A_614, %get3A_615] {strides = array<i32>} : memref<8x5x768xf32, #tpu.memory_space<vmem>>, vector<1x1x16xf32>,
      %get3A_617 = vector.shape_cast %get3A_616 : vector<1x1x16xf32> to vector<16xf32>
      %add3A_618 = arith.addf %get3A_617, %get3A_513 : vector<16xf32>
      %swap3A_619 = arith.constant 7 : i32
      %swap3A_620 = arith.index_cast %swap3A_619 : i32 to index
      %swap3A_621 = arith.index_cast %mul3A_508 : i32 to index
      %swap3A_622 = tpu.vector_load %arg9[%swap3A_620, %swap3A_621] {strides = array<i32>} : memref<25x768xf32, #tpu.memory_space<vmem>>, vector<1x16xf32>,
      %swap3A_623 = vector.shape_cast %swap3A_622 : vector<1x16xf32> to vector<16xf32>
      %swap3A_624 = vector.shape_cast %add3A_618 : vector<16xf32> to vector<1x16xf32>
      tpu.vector_store %arg9[%swap3A_620, %swap3A_621], %swap3A_624 {strides = array<i32>} : memref<25x768xf32, #tpu.memory_space<vmem>>, vector<1x16xf32>,
      %get3A_625 = arith.constant 4 : i32
      %get3A_626 = arith.constant 3 : i32
      %get3A_627 = arith.index_cast %get3A_625 : i32 to index
      %get3A_628 = arith.index_cast %get3A_626 : i32 to index
      %get3A_629 = arith.index_cast %mul3A_508 : i32 to index
      %get3A_630 = tpu.vector_load %arg7[%get3A_627, %get3A_628, %get3A_629] {strides = array<i32>} : memref<8x5x768xf32, #tpu.memory_space<vmem>>, vector<1x1x16xf32>,
      %get3A_631 = vector.shape_cast %get3A_630 : vector<1x1x16xf32> to vector<16xf32>
      %add3A_632 = arith.addf %get3A_631, %get3A_513 : vector<16xf32>
      %swap3A_633 = arith.constant 8 : i32
      %swap3A_634 = arith.index_cast %swap3A_633 : i32 to index
      %swap3A_635 = arith.index_cast %mul3A_508 : i32 to index
      %swap3A_636 = tpu.vector_load %arg9[%swap3A_634, %swap3A_635] {strides = array<i32>} : memref<25x768xf32, #tpu.memory_space<vmem>>, vector<1x16xf32>,
      %swap3A_637 = vector.shape_cast %swap3A_636 : vector<1x16xf32> to vector<16xf32>
      %swap3A_638 = vector.shape_cast %add3A_632 : vector<16xf32> to vector<1x16xf32>
      tpu.vector_store %arg9[%swap3A_634, %swap3A_635], %swap3A_638 {strides = array<i32>} : memref<25x768xf32, #tpu.memory_space<vmem>>, vector<1x16xf32>,
      %get3A_639 = arith.constant 4 : i32
      %get3A_640 = arith.constant 4 : i32
      %get3A_641 = arith.index_cast %get3A_639 : i32 to index
      %get3A_642 = arith.index_cast %get3A_640 : i32 to index
      %get3A_643 = arith.index_cast %mul3A_508 : i32 to index
      %get3A_644 = tpu.vector_load %arg7[%get3A_641, %get3A_642, %get3A_643] {strides = array<i32>} : memref<8x5x768xf32, #tpu.memory_space<vmem>>, vector<1x1x16xf32>,
      %get3A_645 = vector.shape_cast %get3A_644 : vector<1x1x16xf32> to vector<16xf32>
      %add3A_646 = arith.addf %get3A_645, %get3A_513 : vector<16xf32>
      %swap3A_647 = arith.constant 9 : i32
      %swap3A_648 = arith.index_cast %swap3A_647 : i32 to index
      %swap3A_649 = arith.index_cast %mul3A_508 : i32 to index
      %swap3A_650 = tpu.vector_load %arg9[%swap3A_648, %swap3A_649] {strides = array<i32>} : memref<25x768xf32, #tpu.memory_space<vmem>>, vector<1x16xf32>,
      %swap3A_651 = vector.shape_cast %swap3A_650 : vector<1x16xf32> to vector<16xf32>
      %swap3A_652 = vector.shape_cast %add3A_646 : vector<16xf32> to vector<1x16xf32>
      tpu.vector_store %arg9[%swap3A_648, %swap3A_649], %swap3A_652 {strides = array<i32>} : memref<25x768xf32, #tpu.memory_space<vmem>>, vector<1x16xf32>,
      %get3A_653 = arith.constant 5 : i32
      %get3A_654 = arith.constant 0 : i32
      %get3A_655 = arith.index_cast %get3A_653 : i32 to index
      %get3A_656 = arith.index_cast %get3A_654 : i32 to index
      %get3A_657 = arith.index_cast %mul3A_508 : i32 to index
      %get3A_658 = tpu.vector_load %arg7[%get3A_655, %get3A_656, %get3A_657] {strides = array<i32>} : memref<8x5x768xf32, #tpu.memory_space<vmem>>, vector<1x1x16xf32>,
      %get3A_659 = vector.shape_cast %get3A_658 : vector<1x1x16xf32> to vector<16xf32>
      %add3A_660 = arith.addf %get3A_659, %get3A_513 : vector<16xf32>
      %swap3A_661 = arith.constant 10 : i32
      %swap3A_662 = arith.index_cast %swap3A_661 : i32 to index
      %swap3A_663 = arith.index_cast %mul3A_508 : i32 to index
      %swap3A_664 = tpu.vector_load %arg9[%swap3A_662, %swap3A_663] {strides = array<i32>} : memref<25x768xf32, #tpu.memory_space<vmem>>, vector<1x16xf32>,
      %swap3A_665 = vector.shape_cast %swap3A_664 : vector<1x16xf32> to vector<16xf32>
      %swap3A_666 = vector.shape_cast %add3A_660 : vector<16xf32> to vector<1x16xf32>
      tpu.vector_store %arg9[%swap3A_662, %swap3A_663], %swap3A_666 {strides = array<i32>} : memref<25x768xf32, #tpu.memory_space<vmem>>, vector<1x16xf32>,
      %get3A_667 = arith.constant 5 : i32
      %get3A_668 = arith.constant 1 : i32
      %get3A_669 = arith.index_cast %get3A_667 : i32 to index
      %get3A_670 = arith.index_cast %get3A_668 : i32 to index
      %get3A_671 = arith.index_cast %mul3A_508 : i32 to index
      %get3A_672 = tpu.vector_load %arg7[%get3A_669, %get3A_670, %get3A_671] {strides = array<i32>} : memref<8x5x768xf32, #tpu.memory_space<vmem>>, vector<1x1x16xf32>,
      %get3A_673 = vector.shape_cast %get3A_672 : vector<1x1x16xf32> to vector<16xf32>
      %add3A_674 = arith.addf %get3A_673, %get3A_513 : vector<16xf32>
      %swap3A_675 = arith.constant 11 : i32
      %swap3A_676 = arith.index_cast %swap3A_675 : i32 to index
      %swap3A_677 = arith.index_cast %mul3A_508 : i32 to index
      %swap3A_678 = tpu.vector_load %arg9[%swap3A_676, %swap3A_677] {strides = array<i32>} : memref<25x768xf32, #tpu.memory_space<vmem>>, vector<1x16xf32>,
      %swap3A_679 = vector.shape_cast %swap3A_678 : vector<1x16xf32> to vector<16xf32>
      %swap3A_680 = vector.shape_cast %add3A_674 : vector<16xf32> to vector<1x16xf32>
      tpu.vector_store %arg9[%swap3A_676, %swap3A_677], %swap3A_680 {strides = array<i32>} : memref<25x768xf32, #tpu.memory_space<vmem>>, vector<1x16xf32>,
      %get3A_681 = arith.constant 5 : i32
      %get3A_682 = arith.constant 2 : i32
      %get3A_683 = arith.index_cast %get3A_681 : i32 to index
      %get3A_684 = arith.index_cast %get3A_682 : i32 to index
      %get3A_685 = arith.index_cast %mul3A_508 : i32 to index
      %get3A_686 = tpu.vector_load %arg7[%get3A_683, %get3A_684, %get3A_685] {strides = array<i32>} : memref<8x5x768xf32, #tpu.memory_space<vmem>>, vector<1x1x16xf32>,
      %get3A_687 = vector.shape_cast %get3A_686 : vector<1x1x16xf32> to vector<16xf32>
      %add3A_688 = arith.addf %get3A_687, %get3A_513 : vector<16xf32>
      %swap3A_689 = arith.constant 12 : i32
      %swap3A_690 = arith.index_cast %swap3A_689 : i32 to index
      %swap3A_691 = arith.index_cast %mul3A_508 : i32 to index
      %swap3A_692 = tpu.vector_load %arg9[%swap3A_690, %swap3A_691] {strides = array<i32>} : memref<25x768xf32, #tpu.memory_space<vmem>>, vector<1x16xf32>,
      %swap3A_693 = vector.shape_cast %swap3A_692 : vector<1x16xf32> to vector<16xf32>
      %swap3A_694 = vector.shape_cast %add3A_688 : vector<16xf32> to vector<1x16xf32>
      tpu.vector_store %arg9[%swap3A_690, %swap3A_691], %swap3A_694 {strides = array<i32>} : memref<25x768xf32, #tpu.memory_space<vmem>>, vector<1x16xf32>,
      %get3A_695 = arith.constant 5 : i32
      %get3A_696 = arith.constant 3 : i32
      %get3A_697 = arith.index_cast %get3A_695 : i32 to index
      %get3A_698 = arith.index_cast %get3A_696 : i32 to index
      %get3A_699 = arith.index_cast %mul3A_508 : i32 to index
      %get3A_700 = tpu.vector_load %arg7[%get3A_697, %get3A_698, %get3A_699] {strides = array<i32>} : memref<8x5x768xf32, #tpu.memory_space<vmem>>, vector<1x1x16xf32>,
      %get3A_701 = vector.shape_cast %get3A_700 : vector<1x1x16xf32> to vector<16xf32>
      %add3A_702 = arith.addf %get3A_701, %get3A_513 : vector<16xf32>
      %swap3A_703 = arith.constant 13 : i32
      %swap3A_704 = arith.index_cast %swap3A_703 : i32 to index
      %swap3A_705 = arith.index_cast %mul3A_508 : i32 to index
      %swap3A_706 = tpu.vector_load %arg9[%swap3A_704, %swap3A_705] {strides = array<i32>} : memref<25x768xf32, #tpu.memory_space<vmem>>, vector<1x16xf32>,
      %swap3A_707 = vector.shape_cast %swap3A_706 : vector<1x16xf32> to vector<16xf32>
      %swap3A_708 = vector.shape_cast %add3A_702 : vector<16xf32> to vector<1x16xf32>
      tpu.vector_store %arg9[%swap3A_704, %swap3A_705], %swap3A_708 {strides = array<i32>} : memref<25x768xf32, #tpu.memory_space<vmem>>, vector<1x16xf32>,
      %get3A_709 = arith.constant 5 : i32
      %get3A_710 = arith.constant 4 : i32
      %get3A_711 = arith.index_cast %get3A_709 : i32 to index
      %get3A_712 = arith.index_cast %get3A_710 : i32 to index
      %get3A_713 = arith.index_cast %mul3A_508 : i32 to index
      %get3A_714 = tpu.vector_load %arg7[%get3A_711, %get3A_712, %get3A_713] {strides = array<i32>} : memref<8x5x768xf32, #tpu.memory_space<vmem>>, vector<1x1x16xf32>,
      %get3A_715 = vector.shape_cast %get3A_714 : vector<1x1x16xf32> to vector<16xf32>
      %add3A_716 = arith.addf %get3A_715, %get3A_513 : vector<16xf32>
      %swap3A_717 = arith.constant 14 : i32
      %swap3A_718 = arith.index_cast %swap3A_717 : i32 to index
      %swap3A_719 = arith.index_cast %mul3A_508 : i32 to index
      %swap3A_720 = tpu.vector_load %arg9[%swap3A_718, %swap3A_719] {strides = array<i32>} : memref<25x768xf32, #tpu.memory_space<vmem>>, vector<1x16xf32>,
      %swap3A_721 = vector.shape_cast %swap3A_720 : vector<1x16xf32> to vector<16xf32>
      %swap3A_722 = vector.shape_cast %add3A_716 : vector<16xf32> to vector<1x16xf32>
      tpu.vector_store %arg9[%swap3A_718, %swap3A_719], %swap3A_722 {strides = array<i32>} : memref<25x768xf32, #tpu.memory_space<vmem>>, vector<1x16xf32>,
      %get3A_723 = arith.constant 6 : i32
      %get3A_724 = arith.constant 0 : i32
      %get3A_725 = arith.index_cast %get3A_723 : i32 to index
      %get3A_726 = arith.index_cast %get3A_724 : i32 to index
      %get3A_727 = arith.index_cast %mul3A_508 : i32 to index
      %get3A_728 = tpu.vector_load %arg7[%get3A_725, %get3A_726, %get3A_727] {strides = array<i32>} : memref<8x5x768xf32, #tpu.memory_space<vmem>>, vector<1x1x16xf32>,
      %get3A_729 = vector.shape_cast %get3A_728 : vector<1x1x16xf32> to vector<16xf32>
      %add3A_730 = arith.addf %get3A_729, %get3A_513 : vector<16xf32>
      %swap3A_731 = arith.constant 15 : i32
      %swap3A_732 = arith.index_cast %swap3A_731 : i32 to index
      %swap3A_733 = arith.index_cast %mul3A_508 : i32 to index
      %swap3A_734 = tpu.vector_load %arg9[%swap3A_732, %swap3A_733] {strides = array<i32>} : memref<25x768xf32, #tpu.memory_space<vmem>>, vector<1x16xf32>,
      %swap3A_735 = vector.shape_cast %swap3A_734 : vector<1x16xf32> to vector<16xf32>
      %swap3A_736 = vector.shape_cast %add3A_730 : vector<16xf32> to vector<1x16xf32>
      tpu.vector_store %arg9[%swap3A_732, %swap3A_733], %swap3A_736 {strides = array<i32>} : memref<25x768xf32, #tpu.memory_space<vmem>>, vector<1x16xf32>,
      %get3A_737 = arith.constant 6 : i32
      %get3A_738 = arith.constant 1 : i32
      %get3A_739 = arith.index_cast %get3A_737 : i32 to index
      %get3A_740 = arith.index_cast %get3A_738 : i32 to index
      %get3A_741 = arith.index_cast %mul3A_508 : i32 to index
      %get3A_742 = tpu.vector_load %arg7[%get3A_739, %get3A_740, %get3A_741] {strides = array<i32>} : memref<8x5x768xf32, #tpu.memory_space<vmem>>, vector<1x1x16xf32>,
      %get3A_743 = vector.shape_cast %get3A_742 : vector<1x1x16xf32> to vector<16xf32>
      %add3A_744 = arith.addf %get3A_743, %get3A_513 : vector<16xf32>
      %swap3A_745 = arith.constant 16 : i32
      %swap3A_746 = arith.index_cast %swap3A_745 : i32 to index
      %swap3A_747 = arith.index_cast %mul3A_508 : i32 to index
      %swap3A_748 = tpu.vector_load %arg9[%swap3A_746, %swap3A_747] {strides = array<i32>} : memref<25x768xf32, #tpu.memory_space<vmem>>, vector<1x16xf32>,
      %swap3A_749 = vector.shape_cast %swap3A_748 : vector<1x16xf32> to vector<16xf32>
      %swap3A_750 = vector.shape_cast %add3A_744 : vector<16xf32> to vector<1x16xf32>
      tpu.vector_store %arg9[%swap3A_746, %swap3A_747], %swap3A_750 {strides = array<i32>} : memref<25x768xf32, #tpu.memory_space<vmem>>, vector<1x16xf32>,
      %get3A_751 = arith.constant 6 : i32
      %get3A_752 = arith.constant 2 : i32
      %get3A_753 = arith.index_cast %get3A_751 : i32 to index
      %get3A_754 = arith.index_cast %get3A_752 : i32 to index
      %get3A_755 = arith.index_cast %mul3A_508 : i32 to index
      %get3A_756 = tpu.vector_load %arg7[%get3A_753, %get3A_754, %get3A_755] {strides = array<i32>} : memref<8x5x768xf32, #tpu.memory_space<vmem>>, vector<1x1x16xf32>,
      %get3A_757 = vector.shape_cast %get3A_756 : vector<1x1x16xf32> to vector<16xf32>
      %add3A_758 = arith.addf %get3A_757, %get3A_513 : vector<16xf32>
      %swap3A_759 = arith.constant 17 : i32
      %swap3A_760 = arith.index_cast %swap3A_759 : i32 to index
      %swap3A_761 = arith.index_cast %mul3A_508 : i32 to index
      %swap3A_762 = tpu.vector_load %arg9[%swap3A_760, %swap3A_761] {strides = array<i32>} : memref<25x768xf32, #tpu.memory_space<vmem>>, vector<1x16xf32>,
      %swap3A_763 = vector.shape_cast %swap3A_762 : vector<1x16xf32> to vector<16xf32>
      %swap3A_764 = vector.shape_cast %add3A_758 : vector<16xf32> to vector<1x16xf32>
      tpu.vector_store %arg9[%swap3A_760, %swap3A_761], %swap3A_764 {strides = array<i32>} : memref<25x768xf32, #tpu.memory_space<vmem>>, vector<1x16xf32>,
      %get3A_765 = arith.constant 6 : i32
      %get3A_766 = arith.constant 3 : i32
      %get3A_767 = arith.index_cast %get3A_765 : i32 to index
      %get3A_768 = arith.index_cast %get3A_766 : i32 to index
      %get3A_769 = arith.index_cast %mul3A_508 : i32 to index
      %get3A_770 = tpu.vector_load %arg7[%get3A_767, %get3A_768, %get3A_769] {strides = array<i32>} : memref<8x5x768xf32, #tpu.memory_space<vmem>>, vector<1x1x16xf32>,
      %get3A_771 = vector.shape_cast %get3A_770 : vector<1x1x16xf32> to vector<16xf32>
      %add3A_772 = arith.addf %get3A_771, %get3A_513 : vector<16xf32>
      %swap3A_773 = arith.constant 18 : i32
      %swap3A_774 = arith.index_cast %swap3A_773 : i32 to index
      %swap3A_775 = arith.index_cast %mul3A_508 : i32 to index
      %swap3A_776 = tpu.vector_load %arg9[%swap3A_774, %swap3A_775] {strides = array<i32>} : memref<25x768xf32, #tpu.memory_space<vmem>>, vector<1x16xf32>,
      %swap3A_777 = vector.shape_cast %swap3A_776 : vector<1x16xf32> to vector<16xf32>
      %swap3A_778 = vector.shape_cast %add3A_772 : vector<16xf32> to vector<1x16xf32>
      tpu.vector_store %arg9[%swap3A_774, %swap3A_775], %swap3A_778 {strides = array<i32>} : memref<25x768xf32, #tpu.memory_space<vmem>>, vector<1x16xf32>,
      %get3A_779 = arith.constant 6 : i32
      %get3A_780 = arith.constant 4 : i32
      %get3A_781 = arith.index_cast %get3A_779 : i32 to index
      %get3A_782 = arith.index_cast %get3A_780 : i32 to index
      %get3A_783 = arith.index_cast %mul3A_508 : i32 to index
      %get3A_784 = tpu.vector_load %arg7[%get3A_781, %get3A_782, %get3A_783] {strides = array<i32>} : memref<8x5x768xf32, #tpu.memory_space<vmem>>, vector<1x1x16xf32>,
      %get3A_785 = vector.shape_cast %get3A_784 : vector<1x1x16xf32> to vector<16xf32>
      %add3A_786 = arith.addf %get3A_785, %get3A_513 : vector<16xf32>
      %swap3A_787 = arith.constant 19 : i32
      %swap3A_788 = arith.index_cast %swap3A_787 : i32 to index
      %swap3A_789 = arith.index_cast %mul3A_508 : i32 to index
      %swap3A_790 = tpu.vector_load %arg9[%swap3A_788, %swap3A_789] {strides = array<i32>} : memref<25x768xf32, #tpu.memory_space<vmem>>, vector<1x16xf32>,
      %swap3A_791 = vector.shape_cast %swap3A_790 : vector<1x16xf32> to vector<16xf32>
      %swap3A_792 = vector.shape_cast %add3A_786 : vector<16xf32> to vector<1x16xf32>
      tpu.vector_store %arg9[%swap3A_788, %swap3A_789], %swap3A_792 {strides = array<i32>} : memref<25x768xf32, #tpu.memory_space<vmem>>, vector<1x16xf32>,
      %get3A_793 = arith.constant 7 : i32
      %get3A_794 = arith.constant 0 : i32
      %get3A_795 = arith.index_cast %get3A_793 : i32 to index
      %get3A_796 = arith.index_cast %get3A_794 : i32 to index
      %get3A_797 = arith.index_cast %mul3A_508 : i32 to index
      %get3A_798 = tpu.vector_load %arg7[%get3A_795, %get3A_796, %get3A_797] {strides = array<i32>} : memref<8x5x768xf32, #tpu.memory_space<vmem>>, vector<1x1x16xf32>,
      %get3A_799 = vector.shape_cast %get3A_798 : vector<1x1x16xf32> to vector<16xf32>
      %add3A_800 = arith.addf %get3A_799, %get3A_513 : vector<16xf32>
      %swap3A_801 = arith.constant 20 : i32
      %swap3A_802 = arith.index_cast %swap3A_801 : i32 to index
      %swap3A_803 = arith.index_cast %mul3A_508 : i32 to index
      %swap3A_804 = tpu.vector_load %arg9[%swap3A_802, %swap3A_803] {strides = array<i32>} : memref<25x768xf32, #tpu.memory_space<vmem>>, vector<1x16xf32>,
      %swap3A_805 = vector.shape_cast %swap3A_804 : vector<1x16xf32> to vector<16xf32>
      %swap3A_806 = vector.shape_cast %add3A_800 : vector<16xf32> to vector<1x16xf32>
      tpu.vector_store %arg9[%swap3A_802, %swap3A_803], %swap3A_806 {strides = array<i32>} : memref<25x768xf32, #tpu.memory_space<vmem>>, vector<1x16xf32>,
      %get3A_807 = arith.constant 7 : i32
      %get3A_808 = arith.constant 1 : i32
      %get3A_809 = arith.index_cast %get3A_807 : i32 to index
      %get3A_810 = arith.index_cast %get3A_808 : i32 to index
      %get3A_811 = arith.index_cast %mul3A_508 : i32 to index
      %get3A_812 = tpu.vector_load %arg7[%get3A_809, %get3A_810, %get3A_811] {strides = array<i32>} : memref<8x5x768xf32, #tpu.memory_space<vmem>>, vector<1x1x16xf32>,
      %get3A_813 = vector.shape_cast %get3A_812 : vector<1x1x16xf32> to vector<16xf32>
      %add3A_814 = arith.addf %get3A_813, %get3A_513 : vector<16xf32>
      %swap3A_815 = arith.constant 21 : i32
      %swap3A_816 = arith.index_cast %swap3A_815 : i32 to index
      %swap3A_817 = arith.index_cast %mul3A_508 : i32 to index
      %swap3A_818 = tpu.vector_load %arg9[%swap3A_816, %swap3A_817] {strides = array<i32>} : memref<25x768xf32, #tpu.memory_space<vmem>>, vector<1x16xf32>,
      %swap3A_819 = vector.shape_cast %swap3A_818 : vector<1x16xf32> to vector<16xf32>
      %swap3A_820 = vector.shape_cast %add3A_814 : vector<16xf32> to vector<1x16xf32>
      tpu.vector_store %arg9[%swap3A_816, %swap3A_817], %swap3A_820 {strides = array<i32>} : memref<25x768xf32, #tpu.memory_space<vmem>>, vector<1x16xf32>,
      %get3A_821 = arith.constant 7 : i32
      %get3A_822 = arith.constant 2 : i32
      %get3A_823 = arith.index_cast %get3A_821 : i32 to index
      %get3A_824 = arith.index_cast %get3A_822 : i32 to index
      %get3A_825 = arith.index_cast %mul3A_508 : i32 to index
      %get3A_826 = tpu.vector_load %arg7[%get3A_823, %get3A_824, %get3A_825] {strides = array<i32>} : memref<8x5x768xf32, #tpu.memory_space<vmem>>, vector<1x1x16xf32>,
      %get3A_827 = vector.shape_cast %get3A_826 : vector<1x1x16xf32> to vector<16xf32>
      %add3A_828 = arith.addf %get3A_827, %get3A_513 : vector<16xf32>
      %swap3A_829 = arith.constant 22 : i32
      %swap3A_830 = arith.index_cast %swap3A_829 : i32 to index
      %swap3A_831 = arith.index_cast %mul3A_508 : i32 to index
      %swap3A_832 = tpu.vector_load %arg9[%swap3A_830, %swap3A_831] {strides = array<i32>} : memref<25x768xf32, #tpu.memory_space<vmem>>, vector<1x16xf32>,
      %swap3A_833 = vector.shape_cast %swap3A_832 : vector<1x16xf32> to vector<16xf32>
      %swap3A_834 = vector.shape_cast %add3A_828 : vector<16xf32> to vector<1x16xf32>
      tpu.vector_store %arg9[%swap3A_830, %swap3A_831], %swap3A_834 {strides = array<i32>} : memref<25x768xf32, #tpu.memory_space<vmem>>, vector<1x16xf32>,
      %get3A_835 = arith.constant 7 : i32
      %get3A_836 = arith.constant 3 : i32
      %get3A_837 = arith.index_cast %get3A_835 : i32 to index
      %get3A_838 = arith.index_cast %get3A_836 : i32 to index
      %get3A_839 = arith.index_cast %mul3A_508 : i32 to index
      %get3A_840 = tpu.vector_load %arg7[%get3A_837, %get3A_838, %get3A_839] {strides = array<i32>} : memref<8x5x768xf32, #tpu.memory_space<vmem>>, vector<1x1x16xf32>,
      %get3A_841 = vector.shape_cast %get3A_840 : vector<1x1x16xf32> to vector<16xf32>
      %add3A_842 = arith.addf %get3A_841, %get3A_513 : vector<16xf32>
      %swap3A_843 = arith.constant 23 : i32
      %swap3A_844 = arith.index_cast %swap3A_843 : i32 to index
      %swap3A_845 = arith.index_cast %mul3A_508 : i32 to index
      %swap3A_846 = tpu.vector_load %arg9[%swap3A_844, %swap3A_845] {strides = array<i32>} : memref<25x768xf32, #tpu.memory_space<vmem>>, vector<1x16xf32>,
      %swap3A_847 = vector.shape_cast %swap3A_846 : vector<1x16xf32> to vector<16xf32>
      %swap3A_848 = vector.shape_cast %add3A_842 : vector<16xf32> to vector<1x16xf32>
      tpu.vector_store %arg9[%swap3A_844, %swap3A_845], %swap3A_848 {strides = array<i32>} : memref<25x768xf32, #tpu.memory_space<vmem>>, vector<1x16xf32>,
      %get3A_849 = arith.constant 7 : i32
      %get3A_850 = arith.constant 4 : i32
      %get3A_851 = arith.index_cast %get3A_849 : i32 to index
      %get3A_852 = arith.index_cast %get3A_850 : i32 to index
      %get3A_853 = arith.index_cast %mul3A_508 : i32 to index
      %get3A_854 = tpu.vector_load %arg7[%get3A_851, %get3A_852, %get3A_853] {strides = array<i32>} : memref<8x5x768xf32, #tpu.memory_space<vmem>>, vector<1x1x16xf32>,
      %get3A_855 = vector.shape_cast %get3A_854 : vector<1x1x16xf32> to vector<16xf32>
      %add3A_856 = arith.addf %get3A_855, %get3A_513 : vector<16xf32>
      %swap3A_857 = arith.constant 24 : i32
      %swap3A_858 = arith.index_cast %swap3A_857 : i32 to index
      %swap3A_859 = arith.index_cast %mul3A_508 : i32 to index
      %swap3A_860 = tpu.vector_load %arg9[%swap3A_858, %swap3A_859] {strides = array<i32>} : memref<25x768xf32, #tpu.memory_space<vmem>>, vector<1x16xf32>,
      %swap3A_861 = vector.shape_cast %swap3A_860 : vector<1x16xf32> to vector<16xf32>
      %swap3A_862 = vector.shape_cast %add3A_856 : vector<16xf32> to vector<1x16xf32>
      tpu.vector_store %arg9[%swap3A_858, %swap3A_859], %swap3A_862 {strides = array<i32>} : memref<25x768xf32, #tpu.memory_space<vmem>>, vector<1x16xf32>,
    }
    %scan3A_415 = arith.constant 48 : i32
    %add3A_416 = arith.constant 0 : i32
    %add3A_417 = arith.addi %mul3A_2, %add3A_416 : i32
    %dma_start3A_418 = arith.constant 0 : i32
    %dma_start3A_419 = arith.constant 0 : i32
    %dma_start3A_420 = tpu.memref_slice %arg5[%add3A_417, %dma_start3A_418, %dma_start3A_419] : memref<128x25x768xf32, #tpu.memory_space<hbm>> -> memref<1x25x768xf32, #tpu.memory_space<hbm>>
    %dma_start3A_421 = tpu.memref_squeeze %dma_start3A_420 : memref<1x25x768xf32, #tpu.memory_space<hbm>> -> memref<25x768xf32, #tpu.memory_space<hbm>>
    %dma_start3A_422 = arith.constant 0 : i32
    %dma_start3A_423 = arith.constant 0 : i32
    %dma_start3A_424 = tpu.memref_slice %arg5[%add3A_417, %dma_start3A_422, %dma_start3A_423] : memref<128x25x768xf32, #tpu.memory_space<hbm>> -> memref<1x25x768xf32, #tpu.memory_space<hbm>>
    %dma_start3A_425 = tpu.memref_squeeze %dma_start3A_424 : memref<1x25x768xf32, #tpu.memory_space<hbm>> -> memref<25x768xf32, #tpu.memory_space<hbm>>
    tpu.enqueue_dma source(%arg9 : memref<25x768xf32, #tpu.memory_space<vmem>>) target(%dma_start3A_425 : memref<25x768xf32, #tpu.memory_space<hbm>>) target_semaphore(%arg13 : memref<!tpu.dma_semaphore, #tpu.memory_space<semaphore_mem>>)
    %scan3A_426 = arith.constant 0 : i32
    %scan3A_427 = arith.constant 0 : i32
    %scan3A_428 = arith.constant 48 : i32
    %scan3A_429 = arith.addi %scan3A_427, %scan3A_428 : i32
    %scan3A_430 = arith.constant 1 : i32
    scf.for %scan3A_506 = %scan3A_427 to %scan3A_429 step %scan3A_430  : i32 {
      %mul3A_507 = arith.constant 16 : i32
      %mul3A_508 = arith.muli %scan3A_506, %mul3A_507 : i32
      %get3A_509 = arith.constant 1 : i32
      %get3A_510 = arith.index_cast %get3A_509 : i32 to index
      %get3A_511 = arith.index_cast %mul3A_508 : i32 to index
      %get3A_512 = tpu.vector_load %arg8[%get3A_510, %get3A_511] {strides = array<i32>} : memref<4x768xf32, #tpu.memory_space<vmem>>, vector<1x16xf32>,
      %get3A_513 = vector.shape_cast %get3A_512 : vector<1x16xf32> to vector<16xf32>
      %get3A_514 = arith.constant 1 : i32
      %get3A_515 = arith.constant 0 : i32
      %get3A_516 = arith.index_cast %get3A_514 : i32 to index
      %get3A_517 = arith.index_cast %get3A_515 : i32 to index
      %get3A_518 = arith.index_cast %mul3A_508 : i32 to index
      %get3A_519 = tpu.vector_load %arg7[%get3A_516, %get3A_517, %get3A_518] {strides = array<i32>} : memref<8x5x768xf32, #tpu.memory_space<vmem>>, vector<1x1x16xf32>,
      %get3A_520 = vector.shape_cast %get3A_519 : vector<1x1x16xf32> to vector<16xf32>
      %add3A_521 = arith.addf %get3A_520, %get3A_513 : vector<16xf32>
      %swap3A = arith.constant 0 : i32
      %swap3A_522 = arith.index_cast %swap3A : i32 to index
      %swap3A_523 = arith.index_cast %mul3A_508 : i32 to index
      %swap3A_524 = tpu.vector_load %arg10[%swap3A_522, %swap3A_523] {strides = array<i32>} : memref<25x768xf32, #tpu.memory_space<vmem>>, vector<1x16xf32>,
      %swap3A_525 = vector.shape_cast %swap3A_524 : vector<1x16xf32> to vector<16xf32>
      %swap3A_526 = vector.shape_cast %add3A_521 : vector<16xf32> to vector<1x16xf32>
      tpu.vector_store %arg10[%swap3A_522, %swap3A_523], %swap3A_526 {strides = array<i32>} : memref<25x768xf32, #tpu.memory_space<vmem>>, vector<1x16xf32>,
      %get3A_527 = arith.constant 1 : i32
      %get3A_528 = arith.constant 1 : i32
      %get3A_529 = arith.index_cast %get3A_527 : i32 to index
      %get3A_530 = arith.index_cast %get3A_528 : i32 to index
      %get3A_531 = arith.index_cast %mul3A_508 : i32 to index
      %get3A_532 = tpu.vector_load %arg7[%get3A_529, %get3A_530, %get3A_531] {strides = array<i32>} : memref<8x5x768xf32, #tpu.memory_space<vmem>>, vector<1x1x16xf32>,
      %get3A_533 = vector.shape_cast %get3A_532 : vector<1x1x16xf32> to vector<16xf32>
      %add3A_534 = arith.addf %get3A_533, %get3A_513 : vector<16xf32>
      %swap3A_535 = arith.constant 1 : i32
      %swap3A_536 = arith.index_cast %swap3A_535 : i32 to index
      %swap3A_537 = arith.index_cast %mul3A_508 : i32 to index
      %swap3A_538 = tpu.vector_load %arg10[%swap3A_536, %swap3A_537] {strides = array<i32>} : memref<25x768xf32, #tpu.memory_space<vmem>>, vector<1x16xf32>,
      %swap3A_539 = vector.shape_cast %swap3A_538 : vector<1x16xf32> to vector<16xf32>
      %swap3A_540 = vector.shape_cast %add3A_534 : vector<16xf32> to vector<1x16xf32>
      tpu.vector_store %arg10[%swap3A_536, %swap3A_537], %swap3A_540 {strides = array<i32>} : memref<25x768xf32, #tpu.memory_space<vmem>>, vector<1x16xf32>,
      %get3A_541 = arith.constant 1 : i32
      %get3A_542 = arith.constant 2 : i32
      %get3A_543 = arith.index_cast %get3A_541 : i32 to index
      %get3A_544 = arith.index_cast %get3A_542 : i32 to index
      %get3A_545 = arith.index_cast %mul3A_508 : i32 to index
      %get3A_546 = tpu.vector_load %arg7[%get3A_543, %get3A_544, %get3A_545] {strides = array<i32>} : memref<8x5x768xf32, #tpu.memory_space<vmem>>, vector<1x1x16xf32>,
      %get3A_547 = vector.shape_cast %get3A_546 : vector<1x1x16xf32> to vector<16xf32>
      %add3A_548 = arith.addf %get3A_547, %get3A_513 : vector<16xf32>
      %swap3A_549 = arith.constant 2 : i32
      %swap3A_550 = arith.index_cast %swap3A_549 : i32 to index
      %swap3A_551 = arith.index_cast %mul3A_508 : i32 to index
      %swap3A_552 = tpu.vector_load %arg10[%swap3A_550, %swap3A_551] {strides = array<i32>} : memref<25x768xf32, #tpu.memory_space<vmem>>, vector<1x16xf32>,
      %swap3A_553 = vector.shape_cast %swap3A_552 : vector<1x16xf32> to vector<16xf32>
      %swap3A_554 = vector.shape_cast %add3A_548 : vector<16xf32> to vector<1x16xf32>
      tpu.vector_store %arg10[%swap3A_550, %swap3A_551], %swap3A_554 {strides = array<i32>} : memref<25x768xf32, #tpu.memory_space<vmem>>, vector<1x16xf32>,
      %get3A_555 = arith.constant 1 : i32
      %get3A_556 = arith.constant 3 : i32
      %get3A_557 = arith.index_cast %get3A_555 : i32 to index
      %get3A_558 = arith.index_cast %get3A_556 : i32 to index
      %get3A_559 = arith.index_cast %mul3A_508 : i32 to index
      %get3A_560 = tpu.vector_load %arg7[%get3A_557, %get3A_558, %get3A_559] {strides = array<i32>} : memref<8x5x768xf32, #tpu.memory_space<vmem>>, vector<1x1x16xf32>,
      %get3A_561 = vector.shape_cast %get3A_560 : vector<1x1x16xf32> to vector<16xf32>
      %add3A_562 = arith.addf %get3A_561, %get3A_513 : vector<16xf32>
      %swap3A_563 = arith.constant 3 : i32
      %swap3A_564 = arith.index_cast %swap3A_563 : i32 to index
      %swap3A_565 = arith.index_cast %mul3A_508 : i32 to index
      %swap3A_566 = tpu.vector_load %arg10[%swap3A_564, %swap3A_565] {strides = array<i32>} : memref<25x768xf32, #tpu.memory_space<vmem>>, vector<1x16xf32>,
      %swap3A_567 = vector.shape_cast %swap3A_566 : vector<1x16xf32> to vector<16xf32>
      %swap3A_568 = vector.shape_cast %add3A_562 : vector<16xf32> to vector<1x16xf32>
      tpu.vector_store %arg10[%swap3A_564, %swap3A_565], %swap3A_568 {strides = array<i32>} : memref<25x768xf32, #tpu.memory_space<vmem>>, vector<1x16xf32>,
      %get3A_569 = arith.constant 1 : i32
      %get3A_570 = arith.constant 4 : i32
      %get3A_571 = arith.index_cast %get3A_569 : i32 to index
      %get3A_572 = arith.index_cast %get3A_570 : i32 to index
      %get3A_573 = arith.index_cast %mul3A_508 : i32 to index
      %get3A_574 = tpu.vector_load %arg7[%get3A_571, %get3A_572, %get3A_573] {strides = array<i32>} : memref<8x5x768xf32, #tpu.memory_space<vmem>>, vector<1x1x16xf32>,
      %get3A_575 = vector.shape_cast %get3A_574 : vector<1x1x16xf32> to vector<16xf32>
      %add3A_576 = arith.addf %get3A_575, %get3A_513 : vector<16xf32>
      %swap3A_577 = arith.constant 4 : i32
      %swap3A_578 = arith.index_cast %swap3A_577 : i32 to index
      %swap3A_579 = arith.index_cast %mul3A_508 : i32 to index
      %swap3A_580 = tpu.vector_load %arg10[%swap3A_578, %swap3A_579] {strides = array<i32>} : memref<25x768xf32, #tpu.memory_space<vmem>>, vector<1x16xf32>,
      %swap3A_581 = vector.shape_cast %swap3A_580 : vector<1x16xf32> to vector<16xf32>
      %swap3A_582 = vector.shape_cast %add3A_576 : vector<16xf32> to vector<1x16xf32>
      tpu.vector_store %arg10[%swap3A_578, %swap3A_579], %swap3A_582 {strides = array<i32>} : memref<25x768xf32, #tpu.memory_space<vmem>>, vector<1x16xf32>,
      %get3A_583 = arith.constant 4 : i32
      %get3A_584 = arith.constant 0 : i32
      %get3A_585 = arith.index_cast %get3A_583 : i32 to index
      %get3A_586 = arith.index_cast %get3A_584 : i32 to index
      %get3A_587 = arith.index_cast %mul3A_508 : i32 to index
      %get3A_588 = tpu.vector_load %arg7[%get3A_585, %get3A_586, %get3A_587] {strides = array<i32>} : memref<8x5x768xf32, #tpu.memory_space<vmem>>, vector<1x1x16xf32>,
      %get3A_589 = vector.shape_cast %get3A_588 : vector<1x1x16xf32> to vector<16xf32>
      %add3A_590 = arith.addf %get3A_589, %get3A_513 : vector<16xf32>
      %swap3A_591 = arith.constant 5 : i32
      %swap3A_592 = arith.index_cast %swap3A_591 : i32 to index
      %swap3A_593 = arith.index_cast %mul3A_508 : i32 to index
      %swap3A_594 = tpu.vector_load %arg10[%swap3A_592, %swap3A_593] {strides = array<i32>} : memref<25x768xf32, #tpu.memory_space<vmem>>, vector<1x16xf32>,
      %swap3A_595 = vector.shape_cast %swap3A_594 : vector<1x16xf32> to vector<16xf32>
      %swap3A_596 = vector.shape_cast %add3A_590 : vector<16xf32> to vector<1x16xf32>
      tpu.vector_store %arg10[%swap3A_592, %swap3A_593], %swap3A_596 {strides = array<i32>} : memref<25x768xf32, #tpu.memory_space<vmem>>, vector<1x16xf32>,
      %get3A_597 = arith.constant 4 : i32
      %get3A_598 = arith.constant 1 : i32
      %get3A_599 = arith.index_cast %get3A_597 : i32 to index
      %get3A_600 = arith.index_cast %get3A_598 : i32 to index
      %get3A_601 = arith.index_cast %mul3A_508 : i32 to index
      %get3A_602 = tpu.vector_load %arg7[%get3A_599, %get3A_600, %get3A_601] {strides = array<i32>} : memref<8x5x768xf32, #tpu.memory_space<vmem>>, vector<1x1x16xf32>,
      %get3A_603 = vector.shape_cast %get3A_602 : vector<1x1x16xf32> to vector<16xf32>
      %add3A_604 = arith.addf %get3A_603, %get3A_513 : vector<16xf32>
      %swap3A_605 = arith.constant 6 : i32
      %swap3A_606 = arith.index_cast %swap3A_605 : i32 to index
      %swap3A_607 = arith.index_cast %mul3A_508 : i32 to index
      %swap3A_608 = tpu.vector_load %arg10[%swap3A_606, %swap3A_607] {strides = array<i32>} : memref<25x768xf32, #tpu.memory_space<vmem>>, vector<1x16xf32>,
      %swap3A_609 = vector.shape_cast %swap3A_608 : vector<1x16xf32> to vector<16xf32>
      %swap3A_610 = vector.shape_cast %add3A_604 : vector<16xf32> to vector<1x16xf32>
      tpu.vector_store %arg10[%swap3A_606, %swap3A_607], %swap3A_610 {strides = array<i32>} : memref<25x768xf32, #tpu.memory_space<vmem>>, vector<1x16xf32>,
      %get3A_611 = arith.constant 4 : i32
      %get3A_612 = arith.constant 2 : i32
      %get3A_613 = arith.index_cast %get3A_611 : i32 to index
      %get3A_614 = arith.index_cast %get3A_612 : i32 to index
      %get3A_615 = arith.index_cast %mul3A_508 : i32 to index
      %get3A_616 = tpu.vector_load %arg7[%get3A_613, %get3A_614, %get3A_615] {strides = array<i32>} : memref<8x5x768xf32, #tpu.memory_space<vmem>>, vector<1x1x16xf32>,
      %get3A_617 = vector.shape_cast %get3A_616 : vector<1x1x16xf32> to vector<16xf32>
      %add3A_618 = arith.addf %get3A_617, %get3A_513 : vector<16xf32>
      %swap3A_619 = arith.constant 7 : i32
      %swap3A_620 = arith.index_cast %swap3A_619 : i32 to index
      %swap3A_621 = arith.index_cast %mul3A_508 : i32 to index
      %swap3A_622 = tpu.vector_load %arg10[%swap3A_620, %swap3A_621] {strides = array<i32>} : memref<25x768xf32, #tpu.memory_space<vmem>>, vector<1x16xf32>,
      %swap3A_623 = vector.shape_cast %swap3A_622 : vector<1x16xf32> to vector<16xf32>
      %swap3A_624 = vector.shape_cast %add3A_618 : vector<16xf32> to vector<1x16xf32>
      tpu.vector_store %arg10[%swap3A_620, %swap3A_621], %swap3A_624 {strides = array<i32>} : memref<25x768xf32, #tpu.memory_space<vmem>>, vector<1x16xf32>,
      %get3A_625 = arith.constant 4 : i32
      %get3A_626 = arith.constant 3 : i32
      %get3A_627 = arith.index_cast %get3A_625 : i32 to index
      %get3A_628 = arith.index_cast %get3A_626 : i32 to index
      %get3A_629 = arith.index_cast %mul3A_508 : i32 to index
      %get3A_630 = tpu.vector_load %arg7[%get3A_627, %get3A_628, %get3A_629] {strides = array<i32>} : memref<8x5x768xf32, #tpu.memory_space<vmem>>, vector<1x1x16xf32>,
      %get3A_631 = vector.shape_cast %get3A_630 : vector<1x1x16xf32> to vector<16xf32>
      %add3A_632 = arith.addf %get3A_631, %get3A_513 : vector<16xf32>
      %swap3A_633 = arith.constant 8 : i32
      %swap3A_634 = arith.index_cast %swap3A_633 : i32 to index
      %swap3A_635 = arith.index_cast %mul3A_508 : i32 to index
      %swap3A_636 = tpu.vector_load %arg10[%swap3A_634, %swap3A_635] {strides = array<i32>} : memref<25x768xf32, #tpu.memory_space<vmem>>, vector<1x16xf32>,
      %swap3A_637 = vector.shape_cast %swap3A_636 : vector<1x16xf32> to vector<16xf32>
      %swap3A_638 = vector.shape_cast %add3A_632 : vector<16xf32> to vector<1x16xf32>
      tpu.vector_store %arg10[%swap3A_634, %swap3A_635], %swap3A_638 {strides = array<i32>} : memref<25x768xf32, #tpu.memory_space<vmem>>, vector<1x16xf32>,
      %get3A_639 = arith.constant 4 : i32
      %get3A_640 = arith.constant 4 : i32
      %get3A_641 = arith.index_cast %get3A_639 : i32 to index
      %get3A_642 = arith.index_cast %get3A_640 : i32 to index
      %get3A_643 = arith.index_cast %mul3A_508 : i32 to index
      %get3A_644 = tpu.vector_load %arg7[%get3A_641, %get3A_642, %get3A_643] {strides = array<i32>} : memref<8x5x768xf32, #tpu.memory_space<vmem>>, vector<1x1x16xf32>,
      %get3A_645 = vector.shape_cast %get3A_644 : vector<1x1x16xf32> to vector<16xf32>
      %add3A_646 = arith.addf %get3A_645, %get3A_513 : vector<16xf32>
      %swap3A_647 = arith.constant 9 : i32
      %swap3A_648 = arith.index_cast %swap3A_647 : i32 to index
      %swap3A_649 = arith.index_cast %mul3A_508 : i32 to index
      %swap3A_650 = tpu.vector_load %arg10[%swap3A_648, %swap3A_649] {strides = array<i32>} : memref<25x768xf32, #tpu.memory_space<vmem>>, vector<1x16xf32>,
      %swap3A_651 = vector.shape_cast %swap3A_650 : vector<1x16xf32> to vector<16xf32>
      %swap3A_652 = vector.shape_cast %add3A_646 : vector<16xf32> to vector<1x16xf32>
      tpu.vector_store %arg10[%swap3A_648, %swap3A_649], %swap3A_652 {strides = array<i32>} : memref<25x768xf32, #tpu.memory_space<vmem>>, vector<1x16xf32>,
      %get3A_653 = arith.constant 5 : i32
      %get3A_654 = arith.constant 0 : i32
      %get3A_655 = arith.index_cast %get3A_653 : i32 to index
      %get3A_656 = arith.index_cast %get3A_654 : i32 to index
      %get3A_657 = arith.index_cast %mul3A_508 : i32 to index
      %get3A_658 = tpu.vector_load %arg7[%get3A_655, %get3A_656, %get3A_657] {strides = array<i32>} : memref<8x5x768xf32, #tpu.memory_space<vmem>>, vector<1x1x16xf32>,
      %get3A_659 = vector.shape_cast %get3A_658 : vector<1x1x16xf32> to vector<16xf32>
      %add3A_660 = arith.addf %get3A_659, %get3A_513 : vector<16xf32>
      %swap3A_661 = arith.constant 10 : i32
      %swap3A_662 = arith.index_cast %swap3A_661 : i32 to index
      %swap3A_663 = arith.index_cast %mul3A_508 : i32 to index
      %swap3A_664 = tpu.vector_load %arg10[%swap3A_662, %swap3A_663] {strides = array<i32>} : memref<25x768xf32, #tpu.memory_space<vmem>>, vector<1x16xf32>,
      %swap3A_665 = vector.shape_cast %swap3A_664 : vector<1x16xf32> to vector<16xf32>
      %swap3A_666 = vector.shape_cast %add3A_660 : vector<16xf32> to vector<1x16xf32>
      tpu.vector_store %arg10[%swap3A_662, %swap3A_663], %swap3A_666 {strides = array<i32>} : memref<25x768xf32, #tpu.memory_space<vmem>>, vector<1x16xf32>,
      %get3A_667 = arith.constant 5 : i32
      %get3A_668 = arith.constant 1 : i32
      %get3A_669 = arith.index_cast %get3A_667 : i32 to index
      %get3A_670 = arith.index_cast %get3A_668 : i32 to index
      %get3A_671 = arith.index_cast %mul3A_508 : i32 to index
      %get3A_672 = tpu.vector_load %arg7[%get3A_669, %get3A_670, %get3A_671] {strides = array<i32>} : memref<8x5x768xf32, #tpu.memory_space<vmem>>, vector<1x1x16xf32>,
      %get3A_673 = vector.shape_cast %get3A_672 : vector<1x1x16xf32> to vector<16xf32>
      %add3A_674 = arith.addf %get3A_673, %get3A_513 : vector<16xf32>
      %swap3A_675 = arith.constant 11 : i32
      %swap3A_676 = arith.index_cast %swap3A_675 : i32 to index
      %swap3A_677 = arith.index_cast %mul3A_508 : i32 to index
      %swap3A_678 = tpu.vector_load %arg10[%swap3A_676, %swap3A_677] {strides = array<i32>} : memref<25x768xf32, #tpu.memory_space<vmem>>, vector<1x16xf32>,
      %swap3A_679 = vector.shape_cast %swap3A_678 : vector<1x16xf32> to vector<16xf32>
      %swap3A_680 = vector.shape_cast %add3A_674 : vector<16xf32> to vector<1x16xf32>
      tpu.vector_store %arg10[%swap3A_676, %swap3A_677], %swap3A_680 {strides = array<i32>} : memref<25x768xf32, #tpu.memory_space<vmem>>, vector<1x16xf32>,
      %get3A_681 = arith.constant 5 : i32
      %get3A_682 = arith.constant 2 : i32
      %get3A_683 = arith.index_cast %get3A_681 : i32 to index
      %get3A_684 = arith.index_cast %get3A_682 : i32 to index
      %get3A_685 = arith.index_cast %mul3A_508 : i32 to index
      %get3A_686 = tpu.vector_load %arg7[%get3A_683, %get3A_684, %get3A_685] {strides = array<i32>} : memref<8x5x768xf32, #tpu.memory_space<vmem>>, vector<1x1x16xf32>,
      %get3A_687 = vector.shape_cast %get3A_686 : vector<1x1x16xf32> to vector<16xf32>
      %add3A_688 = arith.addf %get3A_687, %get3A_513 : vector<16xf32>
      %swap3A_689 = arith.constant 12 : i32
      %swap3A_690 = arith.index_cast %swap3A_689 : i32 to index
      %swap3A_691 = arith.index_cast %mul3A_508 : i32 to index
      %swap3A_692 = tpu.vector_load %arg10[%swap3A_690, %swap3A_691] {strides = array<i32>} : memref<25x768xf32, #tpu.memory_space<vmem>>, vector<1x16xf32>,
      %swap3A_693 = vector.shape_cast %swap3A_692 : vector<1x16xf32> to vector<16xf32>
      %swap3A_694 = vector.shape_cast %add3A_688 : vector<16xf32> to vector<1x16xf32>
      tpu.vector_store %arg10[%swap3A_690, %swap3A_691], %swap3A_694 {strides = array<i32>} : memref<25x768xf32, #tpu.memory_space<vmem>>, vector<1x16xf32>,
      %get3A_695 = arith.constant 5 : i32
      %get3A_696 = arith.constant 3 : i32
      %get3A_697 = arith.index_cast %get3A_695 : i32 to index
      %get3A_698 = arith.index_cast %get3A_696 : i32 to index
      %get3A_699 = arith.index_cast %mul3A_508 : i32 to index
      %get3A_700 = tpu.vector_load %arg7[%get3A_697, %get3A_698, %get3A_699] {strides = array<i32>} : memref<8x5x768xf32, #tpu.memory_space<vmem>>, vector<1x1x16xf32>,
      %get3A_701 = vector.shape_cast %get3A_700 : vector<1x1x16xf32> to vector<16xf32>
      %add3A_702 = arith.addf %get3A_701, %get3A_513 : vector<16xf32>
      %swap3A_703 = arith.constant 13 : i32
      %swap3A_704 = arith.index_cast %swap3A_703 : i32 to index
      %swap3A_705 = arith.index_cast %mul3A_508 : i32 to index
      %swap3A_706 = tpu.vector_load %arg10[%swap3A_704, %swap3A_705] {strides = array<i32>} : memref<25x768xf32, #tpu.memory_space<vmem>>, vector<1x16xf32>,
      %swap3A_707 = vector.shape_cast %swap3A_706 : vector<1x16xf32> to vector<16xf32>
      %swap3A_708 = vector.shape_cast %add3A_702 : vector<16xf32> to vector<1x16xf32>
      tpu.vector_store %arg10[%swap3A_704, %swap3A_705], %swap3A_708 {strides = array<i32>} : memref<25x768xf32, #tpu.memory_space<vmem>>, vector<1x16xf32>,
      %get3A_709 = arith.constant 5 : i32
      %get3A_710 = arith.constant 4 : i32
      %get3A_711 = arith.index_cast %get3A_709 : i32 to index
      %get3A_712 = arith.index_cast %get3A_710 : i32 to index
      %get3A_713 = arith.index_cast %mul3A_508 : i32 to index
      %get3A_714 = tpu.vector_load %arg7[%get3A_711, %get3A_712, %get3A_713] {strides = array<i32>} : memref<8x5x768xf32, #tpu.memory_space<vmem>>, vector<1x1x16xf32>,
      %get3A_715 = vector.shape_cast %get3A_714 : vector<1x1x16xf32> to vector<16xf32>
      %add3A_716 = arith.addf %get3A_715, %get3A_513 : vector<16xf32>
      %swap3A_717 = arith.constant 14 : i32
      %swap3A_718 = arith.index_cast %swap3A_717 : i32 to index
      %swap3A_719 = arith.index_cast %mul3A_508 : i32 to index
      %swap3A_720 = tpu.vector_load %arg10[%swap3A_718, %swap3A_719] {strides = array<i32>} : memref<25x768xf32, #tpu.memory_space<vmem>>, vector<1x16xf32>,
      %swap3A_721 = vector.shape_cast %swap3A_720 : vector<1x16xf32> to vector<16xf32>
      %swap3A_722 = vector.shape_cast %add3A_716 : vector<16xf32> to vector<1x16xf32>
      tpu.vector_store %arg10[%swap3A_718, %swap3A_719], %swap3A_722 {strides = array<i32>} : memref<25x768xf32, #tpu.memory_space<vmem>>, vector<1x16xf32>,
      %get3A_723 = arith.constant 6 : i32
      %get3A_724 = arith.constant 0 : i32
      %get3A_725 = arith.index_cast %get3A_723 : i32 to index
      %get3A_726 = arith.index_cast %get3A_724 : i32 to index
      %get3A_727 = arith.index_cast %mul3A_508 : i32 to index
      %get3A_728 = tpu.vector_load %arg7[%get3A_725, %get3A_726, %get3A_727] {strides = array<i32>} : memref<8x5x768xf32, #tpu.memory_space<vmem>>, vector<1x1x16xf32>,
      %get3A_729 = vector.shape_cast %get3A_728 : vector<1x1x16xf32> to vector<16xf32>
      %add3A_730 = arith.addf %get3A_729, %get3A_513 : vector<16xf32>
      %swap3A_731 = arith.constant 15 : i32
      %swap3A_732 = arith.index_cast %swap3A_731 : i32 to index
      %swap3A_733 = arith.index_cast %mul3A_508 : i32 to index
      %swap3A_734 = tpu.vector_load %arg10[%swap3A_732, %swap3A_733] {strides = array<i32>} : memref<25x768xf32, #tpu.memory_space<vmem>>, vector<1x16xf32>,
      %swap3A_735 = vector.shape_cast %swap3A_734 : vector<1x16xf32> to vector<16xf32>
      %swap3A_736 = vector.shape_cast %add3A_730 : vector<16xf32> to vector<1x16xf32>
      tpu.vector_store %arg10[%swap3A_732, %swap3A_733], %swap3A_736 {strides = array<i32>} : memref<25x768xf32, #tpu.memory_space<vmem>>, vector<1x16xf32>,
      %get3A_737 = arith.constant 6 : i32
      %get3A_738 = arith.constant 1 : i32
      %get3A_739 = arith.index_cast %get3A_737 : i32 to index
      %get3A_740 = arith.index_cast %get3A_738 : i32 to index
      %get3A_741 = arith.index_cast %mul3A_508 : i32 to index
      %get3A_742 = tpu.vector_load %arg7[%get3A_739, %get3A_740, %get3A_741] {strides = array<i32>} : memref<8x5x768xf32, #tpu.memory_space<vmem>>, vector<1x1x16xf32>,
      %get3A_743 = vector.shape_cast %get3A_742 : vector<1x1x16xf32> to vector<16xf32>
      %add3A_744 = arith.addf %get3A_743, %get3A_513 : vector<16xf32>
      %swap3A_745 = arith.constant 16 : i32
      %swap3A_746 = arith.index_cast %swap3A_745 : i32 to index
      %swap3A_747 = arith.index_cast %mul3A_508 : i32 to index
      %swap3A_748 = tpu.vector_load %arg10[%swap3A_746, %swap3A_747] {strides = array<i32>} : memref<25x768xf32, #tpu.memory_space<vmem>>, vector<1x16xf32>,
      %swap3A_749 = vector.shape_cast %swap3A_748 : vector<1x16xf32> to vector<16xf32>
      %swap3A_750 = vector.shape_cast %add3A_744 : vector<16xf32> to vector<1x16xf32>
      tpu.vector_store %arg10[%swap3A_746, %swap3A_747], %swap3A_750 {strides = array<i32>} : memref<25x768xf32, #tpu.memory_space<vmem>>, vector<1x16xf32>,
      %get3A_751 = arith.constant 6 : i32
      %get3A_752 = arith.constant 2 : i32
      %get3A_753 = arith.index_cast %get3A_751 : i32 to index
      %get3A_754 = arith.index_cast %get3A_752 : i32 to index
      %get3A_755 = arith.index_cast %mul3A_508 : i32 to index
      %get3A_756 = tpu.vector_load %arg7[%get3A_753, %get3A_754, %get3A_755] {strides = array<i32>} : memref<8x5x768xf32, #tpu.memory_space<vmem>>, vector<1x1x16xf32>,
      %get3A_757 = vector.shape_cast %get3A_756 : vector<1x1x16xf32> to vector<16xf32>
      %add3A_758 = arith.addf %get3A_757, %get3A_513 : vector<16xf32>
      %swap3A_759 = arith.constant 17 : i32
      %swap3A_760 = arith.index_cast %swap3A_759 : i32 to index
      %swap3A_761 = arith.index_cast %mul3A_508 : i32 to index
      %swap3A_762 = tpu.vector_load %arg10[%swap3A_760, %swap3A_761] {strides = array<i32>} : memref<25x768xf32, #tpu.memory_space<vmem>>, vector<1x16xf32>,
      %swap3A_763 = vector.shape_cast %swap3A_762 : vector<1x16xf32> to vector<16xf32>
      %swap3A_764 = vector.shape_cast %add3A_758 : vector<16xf32> to vector<1x16xf32>
      tpu.vector_store %arg10[%swap3A_760, %swap3A_761], %swap3A_764 {strides = array<i32>} : memref<25x768xf32, #tpu.memory_space<vmem>>, vector<1x16xf32>,
      %get3A_765 = arith.constant 6 : i32
      %get3A_766 = arith.constant 3 : i32
      %get3A_767 = arith.index_cast %get3A_765 : i32 to index
      %get3A_768 = arith.index_cast %get3A_766 : i32 to index
      %get3A_769 = arith.index_cast %mul3A_508 : i32 to index
      %get3A_770 = tpu.vector_load %arg7[%get3A_767, %get3A_768, %get3A_769] {strides = array<i32>} : memref<8x5x768xf32, #tpu.memory_space<vmem>>, vector<1x1x16xf32>,
      %get3A_771 = vector.shape_cast %get3A_770 : vector<1x1x16xf32> to vector<16xf32>
      %add3A_772 = arith.addf %get3A_771, %get3A_513 : vector<16xf32>
      %swap3A_773 = arith.constant 18 : i32
      %swap3A_774 = arith.index_cast %swap3A_773 : i32 to index
      %swap3A_775 = arith.index_cast %mul3A_508 : i32 to index
      %swap3A_776 = tpu.vector_load %arg10[%swap3A_774, %swap3A_775] {strides = array<i32>} : memref<25x768xf32, #tpu.memory_space<vmem>>, vector<1x16xf32>,
      %swap3A_777 = vector.shape_cast %swap3A_776 : vector<1x16xf32> to vector<16xf32>
      %swap3A_778 = vector.shape_cast %add3A_772 : vector<16xf32> to vector<1x16xf32>
      tpu.vector_store %arg10[%swap3A_774, %swap3A_775], %swap3A_778 {strides = array<i32>} : memref<25x768xf32, #tpu.memory_space<vmem>>, vector<1x16xf32>,
      %get3A_779 = arith.constant 6 : i32
      %get3A_780 = arith.constant 4 : i32
      %get3A_781 = arith.index_cast %get3A_779 : i32 to index
      %get3A_782 = arith.index_cast %get3A_780 : i32 to index
      %get3A_783 = arith.index_cast %mul3A_508 : i32 to index
      %get3A_784 = tpu.vector_load %arg7[%get3A_781, %get3A_782, %get3A_783] {strides = array<i32>} : memref<8x5x768xf32, #tpu.memory_space<vmem>>, vector<1x1x16xf32>,
      %get3A_785 = vector.shape_cast %get3A_784 : vector<1x1x16xf32> to vector<16xf32>
      %add3A_786 = arith.addf %get3A_785, %get3A_513 : vector<16xf32>
      %swap3A_787 = arith.constant 19 : i32
      %swap3A_788 = arith.index_cast %swap3A_787 : i32 to index
      %swap3A_789 = arith.index_cast %mul3A_508 : i32 to index
      %swap3A_790 = tpu.vector_load %arg10[%swap3A_788, %swap3A_789] {strides = array<i32>} : memref<25x768xf32, #tpu.memory_space<vmem>>, vector<1x16xf32>,
      %swap3A_791 = vector.shape_cast %swap3A_790 : vector<1x16xf32> to vector<16xf32>
      %swap3A_792 = vector.shape_cast %add3A_786 : vector<16xf32> to vector<1x16xf32>
      tpu.vector_store %arg10[%swap3A_788, %swap3A_789], %swap3A_792 {strides = array<i32>} : memref<25x768xf32, #tpu.memory_space<vmem>>, vector<1x16xf32>,
      %get3A_793 = arith.constant 7 : i32
      %get3A_794 = arith.constant 0 : i32
      %get3A_795 = arith.index_cast %get3A_793 : i32 to index
      %get3A_796 = arith.index_cast %get3A_794 : i32 to index
      %get3A_797 = arith.index_cast %mul3A_508 : i32 to index
      %get3A_798 = tpu.vector_load %arg7[%get3A_795, %get3A_796, %get3A_797] {strides = array<i32>} : memref<8x5x768xf32, #tpu.memory_space<vmem>>, vector<1x1x16xf32>,
      %get3A_799 = vector.shape_cast %get3A_798 : vector<1x1x16xf32> to vector<16xf32>
      %add3A_800 = arith.addf %get3A_799, %get3A_513 : vector<16xf32>
      %swap3A_801 = arith.constant 20 : i32
      %swap3A_802 = arith.index_cast %swap3A_801 : i32 to index
      %swap3A_803 = arith.index_cast %mul3A_508 : i32 to index
      %swap3A_804 = tpu.vector_load %arg10[%swap3A_802, %swap3A_803] {strides = array<i32>} : memref<25x768xf32, #tpu.memory_space<vmem>>, vector<1x16xf32>,
      %swap3A_805 = vector.shape_cast %swap3A_804 : vector<1x16xf32> to vector<16xf32>
      %swap3A_806 = vector.shape_cast %add3A_800 : vector<16xf32> to vector<1x16xf32>
      tpu.vector_store %arg10[%swap3A_802, %swap3A_803], %swap3A_806 {strides = array<i32>} : memref<25x768xf32, #tpu.memory_space<vmem>>, vector<1x16xf32>,
      %get3A_807 = arith.constant 7 : i32
      %get3A_808 = arith.constant 1 : i32
      %get3A_809 = arith.index_cast %get3A_807 : i32 to index
      %get3A_810 = arith.index_cast %get3A_808 : i32 to index
      %get3A_811 = arith.index_cast %mul3A_508 : i32 to index
      %get3A_812 = tpu.vector_load %arg7[%get3A_809, %get3A_810, %get3A_811] {strides = array<i32>} : memref<8x5x768xf32, #tpu.memory_space<vmem>>, vector<1x1x16xf32>,
      %get3A_813 = vector.shape_cast %get3A_812 : vector<1x1x16xf32> to vector<16xf32>
      %add3A_814 = arith.addf %get3A_813, %get3A_513 : vector<16xf32>
      %swap3A_815 = arith.constant 21 : i32
      %swap3A_816 = arith.index_cast %swap3A_815 : i32 to index
      %swap3A_817 = arith.index_cast %mul3A_508 : i32 to index
      %swap3A_818 = tpu.vector_load %arg10[%swap3A_816, %swap3A_817] {strides = array<i32>} : memref<25x768xf32, #tpu.memory_space<vmem>>, vector<1x16xf32>,
      %swap3A_819 = vector.shape_cast %swap3A_818 : vector<1x16xf32> to vector<16xf32>
      %swap3A_820 = vector.shape_cast %add3A_814 : vector<16xf32> to vector<1x16xf32>
      tpu.vector_store %arg10[%swap3A_816, %swap3A_817], %swap3A_820 {strides = array<i32>} : memref<25x768xf32, #tpu.memory_space<vmem>>, vector<1x16xf32>,
      %get3A_821 = arith.constant 7 : i32
      %get3A_822 = arith.constant 2 : i32
      %get3A_823 = arith.index_cast %get3A_821 : i32 to index
      %get3A_824 = arith.index_cast %get3A_822 : i32 to index
      %get3A_825 = arith.index_cast %mul3A_508 : i32 to index
      %get3A_826 = tpu.vector_load %arg7[%get3A_823, %get3A_824, %get3A_825] {strides = array<i32>} : memref<8x5x768xf32, #tpu.memory_space<vmem>>, vector<1x1x16xf32>,
      %get3A_827 = vector.shape_cast %get3A_826 : vector<1x1x16xf32> to vector<16xf32>
      %add3A_828 = arith.addf %get3A_827, %get3A_513 : vector<16xf32>
      %swap3A_829 = arith.constant 22 : i32
      %swap3A_830 = arith.index_cast %swap3A_829 : i32 to index
      %swap3A_831 = arith.index_cast %mul3A_508 : i32 to index
      %swap3A_832 = tpu.vector_load %arg10[%swap3A_830, %swap3A_831] {strides = array<i32>} : memref<25x768xf32, #tpu.memory_space<vmem>>, vector<1x16xf32>,
      %swap3A_833 = vector.shape_cast %swap3A_832 : vector<1x16xf32> to vector<16xf32>
      %swap3A_834 = vector.shape_cast %add3A_828 : vector<16xf32> to vector<1x16xf32>
      tpu.vector_store %arg10[%swap3A_830, %swap3A_831], %swap3A_834 {strides = array<i32>} : memref<25x768xf32, #tpu.memory_space<vmem>>, vector<1x16xf32>,
      %get3A_835 = arith.constant 7 : i32
      %get3A_836 = arith.constant 3 : i32
      %get3A_837 = arith.index_cast %get3A_835 : i32 to index
      %get3A_838 = arith.index_cast %get3A_836 : i32 to index
      %get3A_839 = arith.index_cast %mul3A_508 : i32 to index
      %get3A_840 = tpu.vector_load %arg7[%get3A_837, %get3A_838, %get3A_839] {strides = array<i32>} : memref<8x5x768xf32, #tpu.memory_space<vmem>>, vector<1x1x16xf32>,
      %get3A_841 = vector.shape_cast %get3A_840 : vector<1x1x16xf32> to vector<16xf32>
      %add3A_842 = arith.addf %get3A_841, %get3A_513 : vector<16xf32>
      %swap3A_843 = arith.constant 23 : i32
      %swap3A_844 = arith.index_cast %swap3A_843 : i32 to index
      %swap3A_845 = arith.index_cast %mul3A_508 : i32 to index
      %swap3A_846 = tpu.vector_load %arg10[%swap3A_844, %swap3A_845] {strides = array<i32>} : memref<25x768xf32, #tpu.memory_space<vmem>>, vector<1x16xf32>,
      %swap3A_847 = vector.shape_cast %swap3A_846 : vector<1x16xf32> to vector<16xf32>
      %swap3A_848 = vector.shape_cast %add3A_842 : vector<16xf32> to vector<1x16xf32>
      tpu.vector_store %arg10[%swap3A_844, %swap3A_845], %swap3A_848 {strides = array<i32>} : memref<25x768xf32, #tpu.memory_space<vmem>>, vector<1x16xf32>,
      %get3A_849 = arith.constant 7 : i32
      %get3A_850 = arith.constant 4 : i32
      %get3A_851 = arith.index_cast %get3A_849 : i32 to index
      %get3A_852 = arith.index_cast %get3A_850 : i32 to index
      %get3A_853 = arith.index_cast %mul3A_508 : i32 to index
      %get3A_854 = tpu.vector_load %arg7[%get3A_851, %get3A_852, %get3A_853] {strides = array<i32>} : memref<8x5x768xf32, #tpu.memory_space<vmem>>, vector<1x1x16xf32>,
      %get3A_855 = vector.shape_cast %get3A_854 : vector<1x1x16xf32> to vector<16xf32>
      %add3A_856 = arith.addf %get3A_855, %get3A_513 : vector<16xf32>
      %swap3A_857 = arith.constant 24 : i32
      %swap3A_858 = arith.index_cast %swap3A_857 : i32 to index
      %swap3A_859 = arith.index_cast %mul3A_508 : i32 to index
      %swap3A_860 = tpu.vector_load %arg10[%swap3A_858, %swap3A_859] {strides = array<i32>} : memref<25x768xf32, #tpu.memory_space<vmem>>, vector<1x16xf32>,
      %swap3A_861 = vector.shape_cast %swap3A_860 : vector<1x16xf32> to vector<16xf32>
      %swap3A_862 = vector.shape_cast %add3A_856 : vector<16xf32> to vector<1x16xf32>
      tpu.vector_store %arg10[%swap3A_858, %swap3A_859], %swap3A_862 {strides = array<i32>} : memref<25x768xf32, #tpu.memory_space<vmem>>, vector<1x16xf32>,
    }
    %scan3A_431 = arith.constant 48 : i32
    %add3A_432 = arith.constant 1 : i32
    %add3A_433 = arith.addi %mul3A_2, %add3A_432 : i32
    %dma_start3A_434 = arith.constant 0 : i32
    %dma_start3A_435 = arith.constant 0 : i32
    %dma_start3A_436 = tpu.memref_slice %arg5[%add3A_433, %dma_start3A_434, %dma_start3A_435] : memref<128x25x768xf32, #tpu.memory_space<hbm>> -> memref<1x25x768xf32, #tpu.memory_space<hbm>>
    %dma_start3A_437 = tpu.memref_squeeze %dma_start3A_436 : memref<1x25x768xf32, #tpu.memory_space<hbm>> -> memref<25x768xf32, #tpu.memory_space<hbm>>
    %dma_start3A_438 = arith.constant 0 : i32
    %dma_start3A_439 = arith.constant 0 : i32
    %dma_start3A_440 = tpu.memref_slice %arg5[%add3A_433, %dma_start3A_438, %dma_start3A_439] : memref<128x25x768xf32, #tpu.memory_space<hbm>> -> memref<1x25x768xf32, #tpu.memory_space<hbm>>
    %dma_start3A_441 = tpu.memref_squeeze %dma_start3A_440 : memref<1x25x768xf32, #tpu.memory_space<hbm>> -> memref<25x768xf32, #tpu.memory_space<hbm>>
    tpu.enqueue_dma source(%arg10 : memref<25x768xf32, #tpu.memory_space<vmem>>) target(%dma_start3A_441 : memref<25x768xf32, #tpu.memory_space<hbm>>) target_semaphore(%arg14 : memref<!tpu.dma_semaphore, #tpu.memory_space<semaphore_mem>>)
    %dma_wait3A_442 = arith.constant 0 : i32
    %dma_wait3A_443 = arith.constant 0 : i32
    %dma_wait3A_444 = tpu.memref_slice %arg5[%add3A_417, %dma_wait3A_442, %dma_wait3A_443] : memref<128x25x768xf32, #tpu.memory_space<hbm>> -> memref<1x25x768xf32, #tpu.memory_space<hbm>>
    %dma_wait3A_445 = tpu.memref_squeeze %dma_wait3A_444 : memref<1x25x768xf32, #tpu.memory_space<hbm>> -> memref<25x768xf32, #tpu.memory_space<hbm>>
    %dma_wait3A_446 = arith.constant 0 : i32
    %dma_wait3A_447 = arith.constant 0 : i32
    %dma_wait3A_448 = tpu.memref_slice %arg5[%add3A_417, %dma_wait3A_446, %dma_wait3A_447] : memref<128x25x768xf32, #tpu.memory_space<hbm>> -> memref<1x25x768xf32, #tpu.memory_space<hbm>>
    %dma_wait3A_449 = tpu.memref_squeeze %dma_wait3A_448 : memref<1x25x768xf32, #tpu.memory_space<hbm>> -> memref<25x768xf32, #tpu.memory_space<hbm>>
    tpu.wait_dma2 semaphore(%arg13 : memref<!tpu.dma_semaphore, #tpu.memory_space<semaphore_mem>>) src(%arg9 : memref<25x768xf32, #tpu.memory_space<vmem>>) dst(%dma_wait3A_449 : memref<25x768xf32, #tpu.memory_space<hbm>>)
    %scan3A_450 = arith.constant 0 : i32
    %scan3A_451 = arith.constant 0 : i32
    %scan3A_452 = arith.constant 48 : i32
    %scan3A_453 = arith.addi %scan3A_451, %scan3A_452 : i32
    %scan3A_454 = arith.constant 1 : i32
    scf.for %scan3A_506 = %scan3A_451 to %scan3A_453 step %scan3A_454  : i32 {
      %mul3A_507 = arith.constant 16 : i32
      %mul3A_508 = arith.muli %scan3A_506, %mul3A_507 : i32
      %get3A_509 = arith.constant 2 : i32
      %get3A_510 = arith.index_cast %get3A_509 : i32 to index
      %get3A_511 = arith.index_cast %mul3A_508 : i32 to index
      %get3A_512 = tpu.vector_load %arg8[%get3A_510, %get3A_511] {strides = array<i32>} : memref<4x768xf32, #tpu.memory_space<vmem>>, vector<1x16xf32>,
      %get3A_513 = vector.shape_cast %get3A_512 : vector<1x16xf32> to vector<16xf32>
      %get3A_514 = arith.constant 2 : i32
      %get3A_515 = arith.constant 0 : i32
      %get3A_516 = arith.index_cast %get3A_514 : i32 to index
      %get3A_517 = arith.index_cast %get3A_515 : i32 to index
      %get3A_518 = arith.index_cast %mul3A_508 : i32 to index
      %get3A_519 = tpu.vector_load %arg7[%get3A_516, %get3A_517, %get3A_518] {strides = array<i32>} : memref<8x5x768xf32, #tpu.memory_space<vmem>>, vector<1x1x16xf32>,
      %get3A_520 = vector.shape_cast %get3A_519 : vector<1x1x16xf32> to vector<16xf32>
      %add3A_521 = arith.addf %get3A_520, %get3A_513 : vector<16xf32>
      %swap3A = arith.constant 0 : i32
      %swap3A_522 = arith.index_cast %swap3A : i32 to index
      %swap3A_523 = arith.index_cast %mul3A_508 : i32 to index
      %swap3A_524 = tpu.vector_load %arg9[%swap3A_522, %swap3A_523] {strides = array<i32>} : memref<25x768xf32, #tpu.memory_space<vmem>>, vector<1x16xf32>,
      %swap3A_525 = vector.shape_cast %swap3A_524 : vector<1x16xf32> to vector<16xf32>
      %swap3A_526 = vector.shape_cast %add3A_521 : vector<16xf32> to vector<1x16xf32>
      tpu.vector_store %arg9[%swap3A_522, %swap3A_523], %swap3A_526 {strides = array<i32>} : memref<25x768xf32, #tpu.memory_space<vmem>>, vector<1x16xf32>,
      %get3A_527 = arith.constant 2 : i32
      %get3A_528 = arith.constant 1 : i32
      %get3A_529 = arith.index_cast %get3A_527 : i32 to index
      %get3A_530 = arith.index_cast %get3A_528 : i32 to index
      %get3A_531 = arith.index_cast %mul3A_508 : i32 to index
      %get3A_532 = tpu.vector_load %arg7[%get3A_529, %get3A_530, %get3A_531] {strides = array<i32>} : memref<8x5x768xf32, #tpu.memory_space<vmem>>, vector<1x1x16xf32>,
      %get3A_533 = vector.shape_cast %get3A_532 : vector<1x1x16xf32> to vector<16xf32>
      %add3A_534 = arith.addf %get3A_533, %get3A_513 : vector<16xf32>
      %swap3A_535 = arith.constant 1 : i32
      %swap3A_536 = arith.index_cast %swap3A_535 : i32 to index
      %swap3A_537 = arith.index_cast %mul3A_508 : i32 to index
      %swap3A_538 = tpu.vector_load %arg9[%swap3A_536, %swap3A_537] {strides = array<i32>} : memref<25x768xf32, #tpu.memory_space<vmem>>, vector<1x16xf32>,
      %swap3A_539 = vector.shape_cast %swap3A_538 : vector<1x16xf32> to vector<16xf32>
      %swap3A_540 = vector.shape_cast %add3A_534 : vector<16xf32> to vector<1x16xf32>
      tpu.vector_store %arg9[%swap3A_536, %swap3A_537], %swap3A_540 {strides = array<i32>} : memref<25x768xf32, #tpu.memory_space<vmem>>, vector<1x16xf32>,
      %get3A_541 = arith.constant 2 : i32
      %get3A_542 = arith.constant 2 : i32
      %get3A_543 = arith.index_cast %get3A_541 : i32 to index
      %get3A_544 = arith.index_cast %get3A_542 : i32 to index
      %get3A_545 = arith.index_cast %mul3A_508 : i32 to index
      %get3A_546 = tpu.vector_load %arg7[%get3A_543, %get3A_544, %get3A_545] {strides = array<i32>} : memref<8x5x768xf32, #tpu.memory_space<vmem>>, vector<1x1x16xf32>,
      %get3A_547 = vector.shape_cast %get3A_546 : vector<1x1x16xf32> to vector<16xf32>
      %add3A_548 = arith.addf %get3A_547, %get3A_513 : vector<16xf32>
      %swap3A_549 = arith.constant 2 : i32
      %swap3A_550 = arith.index_cast %swap3A_549 : i32 to index
      %swap3A_551 = arith.index_cast %mul3A_508 : i32 to index
      %swap3A_552 = tpu.vector_load %arg9[%swap3A_550, %swap3A_551] {strides = array<i32>} : memref<25x768xf32, #tpu.memory_space<vmem>>, vector<1x16xf32>,
      %swap3A_553 = vector.shape_cast %swap3A_552 : vector<1x16xf32> to vector<16xf32>
      %swap3A_554 = vector.shape_cast %add3A_548 : vector<16xf32> to vector<1x16xf32>
      tpu.vector_store %arg9[%swap3A_550, %swap3A_551], %swap3A_554 {strides = array<i32>} : memref<25x768xf32, #tpu.memory_space<vmem>>, vector<1x16xf32>,
      %get3A_555 = arith.constant 2 : i32
      %get3A_556 = arith.constant 3 : i32
      %get3A_557 = arith.index_cast %get3A_555 : i32 to index
      %get3A_558 = arith.index_cast %get3A_556 : i32 to index
      %get3A_559 = arith.index_cast %mul3A_508 : i32 to index
      %get3A_560 = tpu.vector_load %arg7[%get3A_557, %get3A_558, %get3A_559] {strides = array<i32>} : memref<8x5x768xf32, #tpu.memory_space<vmem>>, vector<1x1x16xf32>,
      %get3A_561 = vector.shape_cast %get3A_560 : vector<1x1x16xf32> to vector<16xf32>
      %add3A_562 = arith.addf %get3A_561, %get3A_513 : vector<16xf32>
      %swap3A_563 = arith.constant 3 : i32
      %swap3A_564 = arith.index_cast %swap3A_563 : i32 to index
      %swap3A_565 = arith.index_cast %mul3A_508 : i32 to index
      %swap3A_566 = tpu.vector_load %arg9[%swap3A_564, %swap3A_565] {strides = array<i32>} : memref<25x768xf32, #tpu.memory_space<vmem>>, vector<1x16xf32>,
      %swap3A_567 = vector.shape_cast %swap3A_566 : vector<1x16xf32> to vector<16xf32>
      %swap3A_568 = vector.shape_cast %add3A_562 : vector<16xf32> to vector<1x16xf32>
      tpu.vector_store %arg9[%swap3A_564, %swap3A_565], %swap3A_568 {strides = array<i32>} : memref<25x768xf32, #tpu.memory_space<vmem>>, vector<1x16xf32>,
      %get3A_569 = arith.constant 2 : i32
      %get3A_570 = arith.constant 4 : i32
      %get3A_571 = arith.index_cast %get3A_569 : i32 to index
      %get3A_572 = arith.index_cast %get3A_570 : i32 to index
      %get3A_573 = arith.index_cast %mul3A_508 : i32 to index
      %get3A_574 = tpu.vector_load %arg7[%get3A_571, %get3A_572, %get3A_573] {strides = array<i32>} : memref<8x5x768xf32, #tpu.memory_space<vmem>>, vector<1x1x16xf32>,
      %get3A_575 = vector.shape_cast %get3A_574 : vector<1x1x16xf32> to vector<16xf32>
      %add3A_576 = arith.addf %get3A_575, %get3A_513 : vector<16xf32>
      %swap3A_577 = arith.constant 4 : i32
      %swap3A_578 = arith.index_cast %swap3A_577 : i32 to index
      %swap3A_579 = arith.index_cast %mul3A_508 : i32 to index
      %swap3A_580 = tpu.vector_load %arg9[%swap3A_578, %swap3A_579] {strides = array<i32>} : memref<25x768xf32, #tpu.memory_space<vmem>>, vector<1x16xf32>,
      %swap3A_581 = vector.shape_cast %swap3A_580 : vector<1x16xf32> to vector<16xf32>
      %swap3A_582 = vector.shape_cast %add3A_576 : vector<16xf32> to vector<1x16xf32>
      tpu.vector_store %arg9[%swap3A_578, %swap3A_579], %swap3A_582 {strides = array<i32>} : memref<25x768xf32, #tpu.memory_space<vmem>>, vector<1x16xf32>,
      %get3A_583 = arith.constant 4 : i32
      %get3A_584 = arith.constant 0 : i32
      %get3A_585 = arith.index_cast %get3A_583 : i32 to index
      %get3A_586 = arith.index_cast %get3A_584 : i32 to index
      %get3A_587 = arith.index_cast %mul3A_508 : i32 to index
      %get3A_588 = tpu.vector_load %arg7[%get3A_585, %get3A_586, %get3A_587] {strides = array<i32>} : memref<8x5x768xf32, #tpu.memory_space<vmem>>, vector<1x1x16xf32>,
      %get3A_589 = vector.shape_cast %get3A_588 : vector<1x1x16xf32> to vector<16xf32>
      %add3A_590 = arith.addf %get3A_589, %get3A_513 : vector<16xf32>
      %swap3A_591 = arith.constant 5 : i32
      %swap3A_592 = arith.index_cast %swap3A_591 : i32 to index
      %swap3A_593 = arith.index_cast %mul3A_508 : i32 to index
      %swap3A_594 = tpu.vector_load %arg9[%swap3A_592, %swap3A_593] {strides = array<i32>} : memref<25x768xf32, #tpu.memory_space<vmem>>, vector<1x16xf32>,
      %swap3A_595 = vector.shape_cast %swap3A_594 : vector<1x16xf32> to vector<16xf32>
      %swap3A_596 = vector.shape_cast %add3A_590 : vector<16xf32> to vector<1x16xf32>
      tpu.vector_store %arg9[%swap3A_592, %swap3A_593], %swap3A_596 {strides = array<i32>} : memref<25x768xf32, #tpu.memory_space<vmem>>, vector<1x16xf32>,
      %get3A_597 = arith.constant 4 : i32
      %get3A_598 = arith.constant 1 : i32
      %get3A_599 = arith.index_cast %get3A_597 : i32 to index
      %get3A_600 = arith.index_cast %get3A_598 : i32 to index
      %get3A_601 = arith.index_cast %mul3A_508 : i32 to index
      %get3A_602 = tpu.vector_load %arg7[%get3A_599, %get3A_600, %get3A_601] {strides = array<i32>} : memref<8x5x768xf32, #tpu.memory_space<vmem>>, vector<1x1x16xf32>,
      %get3A_603 = vector.shape_cast %get3A_602 : vector<1x1x16xf32> to vector<16xf32>
      %add3A_604 = arith.addf %get3A_603, %get3A_513 : vector<16xf32>
      %swap3A_605 = arith.constant 6 : i32
      %swap3A_606 = arith.index_cast %swap3A_605 : i32 to index
      %swap3A_607 = arith.index_cast %mul3A_508 : i32 to index
      %swap3A_608 = tpu.vector_load %arg9[%swap3A_606, %swap3A_607] {strides = array<i32>} : memref<25x768xf32, #tpu.memory_space<vmem>>, vector<1x16xf32>,
      %swap3A_609 = vector.shape_cast %swap3A_608 : vector<1x16xf32> to vector<16xf32>
      %swap3A_610 = vector.shape_cast %add3A_604 : vector<16xf32> to vector<1x16xf32>
      tpu.vector_store %arg9[%swap3A_606, %swap3A_607], %swap3A_610 {strides = array<i32>} : memref<25x768xf32, #tpu.memory_space<vmem>>, vector<1x16xf32>,
      %get3A_611 = arith.constant 4 : i32
      %get3A_612 = arith.constant 2 : i32
      %get3A_613 = arith.index_cast %get3A_611 : i32 to index
      %get3A_614 = arith.index_cast %get3A_612 : i32 to index
      %get3A_615 = arith.index_cast %mul3A_508 : i32 to index
      %get3A_616 = tpu.vector_load %arg7[%get3A_613, %get3A_614, %get3A_615] {strides = array<i32>} : memref<8x5x768xf32, #tpu.memory_space<vmem>>, vector<1x1x16xf32>,
      %get3A_617 = vector.shape_cast %get3A_616 : vector<1x1x16xf32> to vector<16xf32>
      %add3A_618 = arith.addf %get3A_617, %get3A_513 : vector<16xf32>
      %swap3A_619 = arith.constant 7 : i32
      %swap3A_620 = arith.index_cast %swap3A_619 : i32 to index
      %swap3A_621 = arith.index_cast %mul3A_508 : i32 to index
      %swap3A_622 = tpu.vector_load %arg9[%swap3A_620, %swap3A_621] {strides = array<i32>} : memref<25x768xf32, #tpu.memory_space<vmem>>, vector<1x16xf32>,
      %swap3A_623 = vector.shape_cast %swap3A_622 : vector<1x16xf32> to vector<16xf32>
      %swap3A_624 = vector.shape_cast %add3A_618 : vector<16xf32> to vector<1x16xf32>
      tpu.vector_store %arg9[%swap3A_620, %swap3A_621], %swap3A_624 {strides = array<i32>} : memref<25x768xf32, #tpu.memory_space<vmem>>, vector<1x16xf32>,
      %get3A_625 = arith.constant 4 : i32
      %get3A_626 = arith.constant 3 : i32
      %get3A_627 = arith.index_cast %get3A_625 : i32 to index
      %get3A_628 = arith.index_cast %get3A_626 : i32 to index
      %get3A_629 = arith.index_cast %mul3A_508 : i32 to index
      %get3A_630 = tpu.vector_load %arg7[%get3A_627, %get3A_628, %get3A_629] {strides = array<i32>} : memref<8x5x768xf32, #tpu.memory_space<vmem>>, vector<1x1x16xf32>,
      %get3A_631 = vector.shape_cast %get3A_630 : vector<1x1x16xf32> to vector<16xf32>
      %add3A_632 = arith.addf %get3A_631, %get3A_513 : vector<16xf32>
      %swap3A_633 = arith.constant 8 : i32
      %swap3A_634 = arith.index_cast %swap3A_633 : i32 to index
      %swap3A_635 = arith.index_cast %mul3A_508 : i32 to index
      %swap3A_636 = tpu.vector_load %arg9[%swap3A_634, %swap3A_635] {strides = array<i32>} : memref<25x768xf32, #tpu.memory_space<vmem>>, vector<1x16xf32>,
      %swap3A_637 = vector.shape_cast %swap3A_636 : vector<1x16xf32> to vector<16xf32>
      %swap3A_638 = vector.shape_cast %add3A_632 : vector<16xf32> to vector<1x16xf32>
      tpu.vector_store %arg9[%swap3A_634, %swap3A_635], %swap3A_638 {strides = array<i32>} : memref<25x768xf32, #tpu.memory_space<vmem>>, vector<1x16xf32>,
      %get3A_639 = arith.constant 4 : i32
      %get3A_640 = arith.constant 4 : i32
      %get3A_641 = arith.index_cast %get3A_639 : i32 to index
      %get3A_642 = arith.index_cast %get3A_640 : i32 to index
      %get3A_643 = arith.index_cast %mul3A_508 : i32 to index
      %get3A_644 = tpu.vector_load %arg7[%get3A_641, %get3A_642, %get3A_643] {strides = array<i32>} : memref<8x5x768xf32, #tpu.memory_space<vmem>>, vector<1x1x16xf32>,
      %get3A_645 = vector.shape_cast %get3A_644 : vector<1x1x16xf32> to vector<16xf32>
      %add3A_646 = arith.addf %get3A_645, %get3A_513 : vector<16xf32>
      %swap3A_647 = arith.constant 9 : i32
      %swap3A_648 = arith.index_cast %swap3A_647 : i32 to index
      %swap3A_649 = arith.index_cast %mul3A_508 : i32 to index
      %swap3A_650 = tpu.vector_load %arg9[%swap3A_648, %swap3A_649] {strides = array<i32>} : memref<25x768xf32, #tpu.memory_space<vmem>>, vector<1x16xf32>,
      %swap3A_651 = vector.shape_cast %swap3A_650 : vector<1x16xf32> to vector<16xf32>
      %swap3A_652 = vector.shape_cast %add3A_646 : vector<16xf32> to vector<1x16xf32>
      tpu.vector_store %arg9[%swap3A_648, %swap3A_649], %swap3A_652 {strides = array<i32>} : memref<25x768xf32, #tpu.memory_space<vmem>>, vector<1x16xf32>,
      %get3A_653 = arith.constant 5 : i32
      %get3A_654 = arith.constant 0 : i32
      %get3A_655 = arith.index_cast %get3A_653 : i32 to index
      %get3A_656 = arith.index_cast %get3A_654 : i32 to index
      %get3A_657 = arith.index_cast %mul3A_508 : i32 to index
      %get3A_658 = tpu.vector_load %arg7[%get3A_655, %get3A_656, %get3A_657] {strides = array<i32>} : memref<8x5x768xf32, #tpu.memory_space<vmem>>, vector<1x1x16xf32>,
      %get3A_659 = vector.shape_cast %get3A_658 : vector<1x1x16xf32> to vector<16xf32>
      %add3A_660 = arith.addf %get3A_659, %get3A_513 : vector<16xf32>
      %swap3A_661 = arith.constant 10 : i32
      %swap3A_662 = arith.index_cast %swap3A_661 : i32 to index
      %swap3A_663 = arith.index_cast %mul3A_508 : i32 to index
      %swap3A_664 = tpu.vector_load %arg9[%swap3A_662, %swap3A_663] {strides = array<i32>} : memref<25x768xf32, #tpu.memory_space<vmem>>, vector<1x16xf32>,
      %swap3A_665 = vector.shape_cast %swap3A_664 : vector<1x16xf32> to vector<16xf32>
      %swap3A_666 = vector.shape_cast %add3A_660 : vector<16xf32> to vector<1x16xf32>
      tpu.vector_store %arg9[%swap3A_662, %swap3A_663], %swap3A_666 {strides = array<i32>} : memref<25x768xf32, #tpu.memory_space<vmem>>, vector<1x16xf32>,
      %get3A_667 = arith.constant 5 : i32
      %get3A_668 = arith.constant 1 : i32
      %get3A_669 = arith.index_cast %get3A_667 : i32 to index
      %get3A_670 = arith.index_cast %get3A_668 : i32 to index
      %get3A_671 = arith.index_cast %mul3A_508 : i32 to index
      %get3A_672 = tpu.vector_load %arg7[%get3A_669, %get3A_670, %get3A_671] {strides = array<i32>} : memref<8x5x768xf32, #tpu.memory_space<vmem>>, vector<1x1x16xf32>,
      %get3A_673 = vector.shape_cast %get3A_672 : vector<1x1x16xf32> to vector<16xf32>
      %add3A_674 = arith.addf %get3A_673, %get3A_513 : vector<16xf32>
      %swap3A_675 = arith.constant 11 : i32
      %swap3A_676 = arith.index_cast %swap3A_675 : i32 to index
      %swap3A_677 = arith.index_cast %mul3A_508 : i32 to index
      %swap3A_678 = tpu.vector_load %arg9[%swap3A_676, %swap3A_677] {strides = array<i32>} : memref<25x768xf32, #tpu.memory_space<vmem>>, vector<1x16xf32>,
      %swap3A_679 = vector.shape_cast %swap3A_678 : vector<1x16xf32> to vector<16xf32>
      %swap3A_680 = vector.shape_cast %add3A_674 : vector<16xf32> to vector<1x16xf32>
      tpu.vector_store %arg9[%swap3A_676, %swap3A_677], %swap3A_680 {strides = array<i32>} : memref<25x768xf32, #tpu.memory_space<vmem>>, vector<1x16xf32>,
      %get3A_681 = arith.constant 5 : i32
      %get3A_682 = arith.constant 2 : i32
      %get3A_683 = arith.index_cast %get3A_681 : i32 to index
      %get3A_684 = arith.index_cast %get3A_682 : i32 to index
      %get3A_685 = arith.index_cast %mul3A_508 : i32 to index
      %get3A_686 = tpu.vector_load %arg7[%get3A_683, %get3A_684, %get3A_685] {strides = array<i32>} : memref<8x5x768xf32, #tpu.memory_space<vmem>>, vector<1x1x16xf32>,
      %get3A_687 = vector.shape_cast %get3A_686 : vector<1x1x16xf32> to vector<16xf32>
      %add3A_688 = arith.addf %get3A_687, %get3A_513 : vector<16xf32>
      %swap3A_689 = arith.constant 12 : i32
      %swap3A_690 = arith.index_cast %swap3A_689 : i32 to index
      %swap3A_691 = arith.index_cast %mul3A_508 : i32 to index
      %swap3A_692 = tpu.vector_load %arg9[%swap3A_690, %swap3A_691] {strides = array<i32>} : memref<25x768xf32, #tpu.memory_space<vmem>>, vector<1x16xf32>,
      %swap3A_693 = vector.shape_cast %swap3A_692 : vector<1x16xf32> to vector<16xf32>
      %swap3A_694 = vector.shape_cast %add3A_688 : vector<16xf32> to vector<1x16xf32>
      tpu.vector_store %arg9[%swap3A_690, %swap3A_691], %swap3A_694 {strides = array<i32>} : memref<25x768xf32, #tpu.memory_space<vmem>>, vector<1x16xf32>,
      %get3A_695 = arith.constant 5 : i32
      %get3A_696 = arith.constant 3 : i32
      %get3A_697 = arith.index_cast %get3A_695 : i32 to index
      %get3A_698 = arith.index_cast %get3A_696 : i32 to index
      %get3A_699 = arith.index_cast %mul3A_508 : i32 to index
      %get3A_700 = tpu.vector_load %arg7[%get3A_697, %get3A_698, %get3A_699] {strides = array<i32>} : memref<8x5x768xf32, #tpu.memory_space<vmem>>, vector<1x1x16xf32>,
      %get3A_701 = vector.shape_cast %get3A_700 : vector<1x1x16xf32> to vector<16xf32>
      %add3A_702 = arith.addf %get3A_701, %get3A_513 : vector<16xf32>
      %swap3A_703 = arith.constant 13 : i32
      %swap3A_704 = arith.index_cast %swap3A_703 : i32 to index
      %swap3A_705 = arith.index_cast %mul3A_508 : i32 to index
      %swap3A_706 = tpu.vector_load %arg9[%swap3A_704, %swap3A_705] {strides = array<i32>} : memref<25x768xf32, #tpu.memory_space<vmem>>, vector<1x16xf32>,
      %swap3A_707 = vector.shape_cast %swap3A_706 : vector<1x16xf32> to vector<16xf32>
      %swap3A_708 = vector.shape_cast %add3A_702 : vector<16xf32> to vector<1x16xf32>
      tpu.vector_store %arg9[%swap3A_704, %swap3A_705], %swap3A_708 {strides = array<i32>} : memref<25x768xf32, #tpu.memory_space<vmem>>, vector<1x16xf32>,
      %get3A_709 = arith.constant 5 : i32
      %get3A_710 = arith.constant 4 : i32
      %get3A_711 = arith.index_cast %get3A_709 : i32 to index
      %get3A_712 = arith.index_cast %get3A_710 : i32 to index
      %get3A_713 = arith.index_cast %mul3A_508 : i32 to index
      %get3A_714 = tpu.vector_load %arg7[%get3A_711, %get3A_712, %get3A_713] {strides = array<i32>} : memref<8x5x768xf32, #tpu.memory_space<vmem>>, vector<1x1x16xf32>,
      %get3A_715 = vector.shape_cast %get3A_714 : vector<1x1x16xf32> to vector<16xf32>
      %add3A_716 = arith.addf %get3A_715, %get3A_513 : vector<16xf32>
      %swap3A_717 = arith.constant 14 : i32
      %swap3A_718 = arith.index_cast %swap3A_717 : i32 to index
      %swap3A_719 = arith.index_cast %mul3A_508 : i32 to index
      %swap3A_720 = tpu.vector_load %arg9[%swap3A_718, %swap3A_719] {strides = array<i32>} : memref<25x768xf32, #tpu.memory_space<vmem>>, vector<1x16xf32>,
      %swap3A_721 = vector.shape_cast %swap3A_720 : vector<1x16xf32> to vector<16xf32>
      %swap3A_722 = vector.shape_cast %add3A_716 : vector<16xf32> to vector<1x16xf32>
      tpu.vector_store %arg9[%swap3A_718, %swap3A_719], %swap3A_722 {strides = array<i32>} : memref<25x768xf32, #tpu.memory_space<vmem>>, vector<1x16xf32>,
      %get3A_723 = arith.constant 6 : i32
      %get3A_724 = arith.constant 0 : i32
      %get3A_725 = arith.index_cast %get3A_723 : i32 to index
      %get3A_726 = arith.index_cast %get3A_724 : i32 to index
      %get3A_727 = arith.index_cast %mul3A_508 : i32 to index
      %get3A_728 = tpu.vector_load %arg7[%get3A_725, %get3A_726, %get3A_727] {strides = array<i32>} : memref<8x5x768xf32, #tpu.memory_space<vmem>>, vector<1x1x16xf32>,
      %get3A_729 = vector.shape_cast %get3A_728 : vector<1x1x16xf32> to vector<16xf32>
      %add3A_730 = arith.addf %get3A_729, %get3A_513 : vector<16xf32>
      %swap3A_731 = arith.constant 15 : i32
      %swap3A_732 = arith.index_cast %swap3A_731 : i32 to index
      %swap3A_733 = arith.index_cast %mul3A_508 : i32 to index
      %swap3A_734 = tpu.vector_load %arg9[%swap3A_732, %swap3A_733] {strides = array<i32>} : memref<25x768xf32, #tpu.memory_space<vmem>>, vector<1x16xf32>,
      %swap3A_735 = vector.shape_cast %swap3A_734 : vector<1x16xf32> to vector<16xf32>
      %swap3A_736 = vector.shape_cast %add3A_730 : vector<16xf32> to vector<1x16xf32>
      tpu.vector_store %arg9[%swap3A_732, %swap3A_733], %swap3A_736 {strides = array<i32>} : memref<25x768xf32, #tpu.memory_space<vmem>>, vector<1x16xf32>,
      %get3A_737 = arith.constant 6 : i32
      %get3A_738 = arith.constant 1 : i32
      %get3A_739 = arith.index_cast %get3A_737 : i32 to index
      %get3A_740 = arith.index_cast %get3A_738 : i32 to index
      %get3A_741 = arith.index_cast %mul3A_508 : i32 to index
      %get3A_742 = tpu.vector_load %arg7[%get3A_739, %get3A_740, %get3A_741] {strides = array<i32>} : memref<8x5x768xf32, #tpu.memory_space<vmem>>, vector<1x1x16xf32>,
      %get3A_743 = vector.shape_cast %get3A_742 : vector<1x1x16xf32> to vector<16xf32>
      %add3A_744 = arith.addf %get3A_743, %get3A_513 : vector<16xf32>
      %swap3A_745 = arith.constant 16 : i32
      %swap3A_746 = arith.index_cast %swap3A_745 : i32 to index
      %swap3A_747 = arith.index_cast %mul3A_508 : i32 to index
      %swap3A_748 = tpu.vector_load %arg9[%swap3A_746, %swap3A_747] {strides = array<i32>} : memref<25x768xf32, #tpu.memory_space<vmem>>, vector<1x16xf32>,
      %swap3A_749 = vector.shape_cast %swap3A_748 : vector<1x16xf32> to vector<16xf32>
      %swap3A_750 = vector.shape_cast %add3A_744 : vector<16xf32> to vector<1x16xf32>
      tpu.vector_store %arg9[%swap3A_746, %swap3A_747], %swap3A_750 {strides = array<i32>} : memref<25x768xf32, #tpu.memory_space<vmem>>, vector<1x16xf32>,
      %get3A_751 = arith.constant 6 : i32
      %get3A_752 = arith.constant 2 : i32
      %get3A_753 = arith.index_cast %get3A_751 : i32 to index
      %get3A_754 = arith.index_cast %get3A_752 : i32 to index
      %get3A_755 = arith.index_cast %mul3A_508 : i32 to index
      %get3A_756 = tpu.vector_load %arg7[%get3A_753, %get3A_754, %get3A_755] {strides = array<i32>} : memref<8x5x768xf32, #tpu.memory_space<vmem>>, vector<1x1x16xf32>,
      %get3A_757 = vector.shape_cast %get3A_756 : vector<1x1x16xf32> to vector<16xf32>
      %add3A_758 = arith.addf %get3A_757, %get3A_513 : vector<16xf32>
      %swap3A_759 = arith.constant 17 : i32
      %swap3A_760 = arith.index_cast %swap3A_759 : i32 to index
      %swap3A_761 = arith.index_cast %mul3A_508 : i32 to index
      %swap3A_762 = tpu.vector_load %arg9[%swap3A_760, %swap3A_761] {strides = array<i32>} : memref<25x768xf32, #tpu.memory_space<vmem>>, vector<1x16xf32>,
      %swap3A_763 = vector.shape_cast %swap3A_762 : vector<1x16xf32> to vector<16xf32>
      %swap3A_764 = vector.shape_cast %add3A_758 : vector<16xf32> to vector<1x16xf32>
      tpu.vector_store %arg9[%swap3A_760, %swap3A_761], %swap3A_764 {strides = array<i32>} : memref<25x768xf32, #tpu.memory_space<vmem>>, vector<1x16xf32>,
      %get3A_765 = arith.constant 6 : i32
      %get3A_766 = arith.constant 3 : i32
      %get3A_767 = arith.index_cast %get3A_765 : i32 to index
      %get3A_768 = arith.index_cast %get3A_766 : i32 to index
      %get3A_769 = arith.index_cast %mul3A_508 : i32 to index
      %get3A_770 = tpu.vector_load %arg7[%get3A_767, %get3A_768, %get3A_769] {strides = array<i32>} : memref<8x5x768xf32, #tpu.memory_space<vmem>>, vector<1x1x16xf32>,
      %get3A_771 = vector.shape_cast %get3A_770 : vector<1x1x16xf32> to vector<16xf32>
      %add3A_772 = arith.addf %get3A_771, %get3A_513 : vector<16xf32>
      %swap3A_773 = arith.constant 18 : i32
      %swap3A_774 = arith.index_cast %swap3A_773 : i32 to index
      %swap3A_775 = arith.index_cast %mul3A_508 : i32 to index
      %swap3A_776 = tpu.vector_load %arg9[%swap3A_774, %swap3A_775] {strides = array<i32>} : memref<25x768xf32, #tpu.memory_space<vmem>>, vector<1x16xf32>,
      %swap3A_777 = vector.shape_cast %swap3A_776 : vector<1x16xf32> to vector<16xf32>
      %swap3A_778 = vector.shape_cast %add3A_772 : vector<16xf32> to vector<1x16xf32>
      tpu.vector_store %arg9[%swap3A_774, %swap3A_775], %swap3A_778 {strides = array<i32>} : memref<25x768xf32, #tpu.memory_space<vmem>>, vector<1x16xf32>,
      %get3A_779 = arith.constant 6 : i32
      %get3A_780 = arith.constant 4 : i32
      %get3A_781 = arith.index_cast %get3A_779 : i32 to index
      %get3A_782 = arith.index_cast %get3A_780 : i32 to index
      %get3A_783 = arith.index_cast %mul3A_508 : i32 to index
      %get3A_784 = tpu.vector_load %arg7[%get3A_781, %get3A_782, %get3A_783] {strides = array<i32>} : memref<8x5x768xf32, #tpu.memory_space<vmem>>, vector<1x1x16xf32>,
      %get3A_785 = vector.shape_cast %get3A_784 : vector<1x1x16xf32> to vector<16xf32>
      %add3A_786 = arith.addf %get3A_785, %get3A_513 : vector<16xf32>
      %swap3A_787 = arith.constant 19 : i32
      %swap3A_788 = arith.index_cast %swap3A_787 : i32 to index
      %swap3A_789 = arith.index_cast %mul3A_508 : i32 to index
      %swap3A_790 = tpu.vector_load %arg9[%swap3A_788, %swap3A_789] {strides = array<i32>} : memref<25x768xf32, #tpu.memory_space<vmem>>, vector<1x16xf32>,
      %swap3A_791 = vector.shape_cast %swap3A_790 : vector<1x16xf32> to vector<16xf32>
      %swap3A_792 = vector.shape_cast %add3A_786 : vector<16xf32> to vector<1x16xf32>
      tpu.vector_store %arg9[%swap3A_788, %swap3A_789], %swap3A_792 {strides = array<i32>} : memref<25x768xf32, #tpu.memory_space<vmem>>, vector<1x16xf32>,
      %get3A_793 = arith.constant 7 : i32
      %get3A_794 = arith.constant 0 : i32
      %get3A_795 = arith.index_cast %get3A_793 : i32 to index
      %get3A_796 = arith.index_cast %get3A_794 : i32 to index
      %get3A_797 = arith.index_cast %mul3A_508 : i32 to index
      %get3A_798 = tpu.vector_load %arg7[%get3A_795, %get3A_796, %get3A_797] {strides = array<i32>} : memref<8x5x768xf32, #tpu.memory_space<vmem>>, vector<1x1x16xf32>,
      %get3A_799 = vector.shape_cast %get3A_798 : vector<1x1x16xf32> to vector<16xf32>
      %add3A_800 = arith.addf %get3A_799, %get3A_513 : vector<16xf32>
      %swap3A_801 = arith.constant 20 : i32
      %swap3A_802 = arith.index_cast %swap3A_801 : i32 to index
      %swap3A_803 = arith.index_cast %mul3A_508 : i32 to index
      %swap3A_804 = tpu.vector_load %arg9[%swap3A_802, %swap3A_803] {strides = array<i32>} : memref<25x768xf32, #tpu.memory_space<vmem>>, vector<1x16xf32>,
      %swap3A_805 = vector.shape_cast %swap3A_804 : vector<1x16xf32> to vector<16xf32>
      %swap3A_806 = vector.shape_cast %add3A_800 : vector<16xf32> to vector<1x16xf32>
      tpu.vector_store %arg9[%swap3A_802, %swap3A_803], %swap3A_806 {strides = array<i32>} : memref<25x768xf32, #tpu.memory_space<vmem>>, vector<1x16xf32>,
      %get3A_807 = arith.constant 7 : i32
      %get3A_808 = arith.constant 1 : i32
      %get3A_809 = arith.index_cast %get3A_807 : i32 to index
      %get3A_810 = arith.index_cast %get3A_808 : i32 to index
      %get3A_811 = arith.index_cast %mul3A_508 : i32 to index
      %get3A_812 = tpu.vector_load %arg7[%get3A_809, %get3A_810, %get3A_811] {strides = array<i32>} : memref<8x5x768xf32, #tpu.memory_space<vmem>>, vector<1x1x16xf32>,
      %get3A_813 = vector.shape_cast %get3A_812 : vector<1x1x16xf32> to vector<16xf32>
      %add3A_814 = arith.addf %get3A_813, %get3A_513 : vector<16xf32>
      %swap3A_815 = arith.constant 21 : i32
      %swap3A_816 = arith.index_cast %swap3A_815 : i32 to index
      %swap3A_817 = arith.index_cast %mul3A_508 : i32 to index
      %swap3A_818 = tpu.vector_load %arg9[%swap3A_816, %swap3A_817] {strides = array<i32>} : memref<25x768xf32, #tpu.memory_space<vmem>>, vector<1x16xf32>,
      %swap3A_819 = vector.shape_cast %swap3A_818 : vector<1x16xf32> to vector<16xf32>
      %swap3A_820 = vector.shape_cast %add3A_814 : vector<16xf32> to vector<1x16xf32>
      tpu.vector_store %arg9[%swap3A_816, %swap3A_817], %swap3A_820 {strides = array<i32>} : memref<25x768xf32, #tpu.memory_space<vmem>>, vector<1x16xf32>,
      %get3A_821 = arith.constant 7 : i32
      %get3A_822 = arith.constant 2 : i32
      %get3A_823 = arith.index_cast %get3A_821 : i32 to index
      %get3A_824 = arith.index_cast %get3A_822 : i32 to index
      %get3A_825 = arith.index_cast %mul3A_508 : i32 to index
      %get3A_826 = tpu.vector_load %arg7[%get3A_823, %get3A_824, %get3A_825] {strides = array<i32>} : memref<8x5x768xf32, #tpu.memory_space<vmem>>, vector<1x1x16xf32>,
      %get3A_827 = vector.shape_cast %get3A_826 : vector<1x1x16xf32> to vector<16xf32>
      %add3A_828 = arith.addf %get3A_827, %get3A_513 : vector<16xf32>
      %swap3A_829 = arith.constant 22 : i32
      %swap3A_830 = arith.index_cast %swap3A_829 : i32 to index
      %swap3A_831 = arith.index_cast %mul3A_508 : i32 to index
      %swap3A_832 = tpu.vector_load %arg9[%swap3A_830, %swap3A_831] {strides = array<i32>} : memref<25x768xf32, #tpu.memory_space<vmem>>, vector<1x16xf32>,
      %swap3A_833 = vector.shape_cast %swap3A_832 : vector<1x16xf32> to vector<16xf32>
      %swap3A_834 = vector.shape_cast %add3A_828 : vector<16xf32> to vector<1x16xf32>
      tpu.vector_store %arg9[%swap3A_830, %swap3A_831], %swap3A_834 {strides = array<i32>} : memref<25x768xf32, #tpu.memory_space<vmem>>, vector<1x16xf32>,
      %get3A_835 = arith.constant 7 : i32
      %get3A_836 = arith.constant 3 : i32
      %get3A_837 = arith.index_cast %get3A_835 : i32 to index
      %get3A_838 = arith.index_cast %get3A_836 : i32 to index
      %get3A_839 = arith.index_cast %mul3A_508 : i32 to index
      %get3A_840 = tpu.vector_load %arg7[%get3A_837, %get3A_838, %get3A_839] {strides = array<i32>} : memref<8x5x768xf32, #tpu.memory_space<vmem>>, vector<1x1x16xf32>,
      %get3A_841 = vector.shape_cast %get3A_840 : vector<1x1x16xf32> to vector<16xf32>
      %add3A_842 = arith.addf %get3A_841, %get3A_513 : vector<16xf32>
      %swap3A_843 = arith.constant 23 : i32
      %swap3A_844 = arith.index_cast %swap3A_843 : i32 to index
      %swap3A_845 = arith.index_cast %mul3A_508 : i32 to index
      %swap3A_846 = tpu.vector_load %arg9[%swap3A_844, %swap3A_845] {strides = array<i32>} : memref<25x768xf32, #tpu.memory_space<vmem>>, vector<1x16xf32>,
      %swap3A_847 = vector.shape_cast %swap3A_846 : vector<1x16xf32> to vector<16xf32>
      %swap3A_848 = vector.shape_cast %add3A_842 : vector<16xf32> to vector<1x16xf32>
      tpu.vector_store %arg9[%swap3A_844, %swap3A_845], %swap3A_848 {strides = array<i32>} : memref<25x768xf32, #tpu.memory_space<vmem>>, vector<1x16xf32>,
      %get3A_849 = arith.constant 7 : i32
      %get3A_850 = arith.constant 4 : i32
      %get3A_851 = arith.index_cast %get3A_849 : i32 to index
      %get3A_852 = arith.index_cast %get3A_850 : i32 to index
      %get3A_853 = arith.index_cast %mul3A_508 : i32 to index
      %get3A_854 = tpu.vector_load %arg7[%get3A_851, %get3A_852, %get3A_853] {strides = array<i32>} : memref<8x5x768xf32, #tpu.memory_space<vmem>>, vector<1x1x16xf32>,
      %get3A_855 = vector.shape_cast %get3A_854 : vector<1x1x16xf32> to vector<16xf32>
      %add3A_856 = arith.addf %get3A_855, %get3A_513 : vector<16xf32>
      %swap3A_857 = arith.constant 24 : i32
      %swap3A_858 = arith.index_cast %swap3A_857 : i32 to index
      %swap3A_859 = arith.index_cast %mul3A_508 : i32 to index
      %swap3A_860 = tpu.vector_load %arg9[%swap3A_858, %swap3A_859] {strides = array<i32>} : memref<25x768xf32, #tpu.memory_space<vmem>>, vector<1x16xf32>,
      %swap3A_861 = vector.shape_cast %swap3A_860 : vector<1x16xf32> to vector<16xf32>
      %swap3A_862 = vector.shape_cast %add3A_856 : vector<16xf32> to vector<1x16xf32>
      tpu.vector_store %arg9[%swap3A_858, %swap3A_859], %swap3A_862 {strides = array<i32>} : memref<25x768xf32, #tpu.memory_space<vmem>>, vector<1x16xf32>,
    }
    %scan3A_455 = arith.constant 48 : i32
    %add3A_456 = arith.constant 2 : i32
    %add3A_457 = arith.addi %mul3A_2, %add3A_456 : i32
    %dma_start3A_458 = arith.constant 0 : i32
    %dma_start3A_459 = arith.constant 0 : i32
    %dma_start3A_460 = tpu.memref_slice %arg5[%add3A_457, %dma_start3A_458, %dma_start3A_459] : memref<128x25x768xf32, #tpu.memory_space<hbm>> -> memref<1x25x768xf32, #tpu.memory_space<hbm>>
    %dma_start3A_461 = tpu.memref_squeeze %dma_start3A_460 : memref<1x25x768xf32, #tpu.memory_space<hbm>> -> memref<25x768xf32, #tpu.memory_space<hbm>>
    %dma_start3A_462 = arith.constant 0 : i32
    %dma_start3A_463 = arith.constant 0 : i32
    %dma_start3A_464 = tpu.memref_slice %arg5[%add3A_457, %dma_start3A_462, %dma_start3A_463] : memref<128x25x768xf32, #tpu.memory_space<hbm>> -> memref<1x25x768xf32, #tpu.memory_space<hbm>>
    %dma_start3A_465 = tpu.memref_squeeze %dma_start3A_464 : memref<1x25x768xf32, #tpu.memory_space<hbm>> -> memref<25x768xf32, #tpu.memory_space<hbm>>
    tpu.enqueue_dma source(%arg9 : memref<25x768xf32, #tpu.memory_space<vmem>>) target(%dma_start3A_465 : memref<25x768xf32, #tpu.memory_space<hbm>>) target_semaphore(%arg13 : memref<!tpu.dma_semaphore, #tpu.memory_space<semaphore_mem>>)
    %dma_wait3A_466 = arith.constant 0 : i32
    %dma_wait3A_467 = arith.constant 0 : i32
    %dma_wait3A_468 = tpu.memref_slice %arg5[%add3A_433, %dma_wait3A_466, %dma_wait3A_467] : memref<128x25x768xf32, #tpu.memory_space<hbm>> -> memref<1x25x768xf32, #tpu.memory_space<hbm>>
    %dma_wait3A_469 = tpu.memref_squeeze %dma_wait3A_468 : memref<1x25x768xf32, #tpu.memory_space<hbm>> -> memref<25x768xf32, #tpu.memory_space<hbm>>
    %dma_wait3A_470 = arith.constant 0 : i32
    %dma_wait3A_471 = arith.constant 0 : i32
    %dma_wait3A_472 = tpu.memref_slice %arg5[%add3A_433, %dma_wait3A_470, %dma_wait3A_471] : memref<128x25x768xf32, #tpu.memory_space<hbm>> -> memref<1x25x768xf32, #tpu.memory_space<hbm>>
    %dma_wait3A_473 = tpu.memref_squeeze %dma_wait3A_472 : memref<1x25x768xf32, #tpu.memory_space<hbm>> -> memref<25x768xf32, #tpu.memory_space<hbm>>
    tpu.wait_dma2 semaphore(%arg14 : memref<!tpu.dma_semaphore, #tpu.memory_space<semaphore_mem>>) src(%arg10 : memref<25x768xf32, #tpu.memory_space<vmem>>) dst(%dma_wait3A_473 : memref<25x768xf32, #tpu.memory_space<hbm>>)
    %scan3A_474 = arith.constant 0 : i32
    %scan3A_475 = arith.constant 0 : i32
    %scan3A_476 = arith.constant 48 : i32
    %scan3A_477 = arith.addi %scan3A_475, %scan3A_476 : i32
    %scan3A_478 = arith.constant 1 : i32
    scf.for %scan3A_506 = %scan3A_475 to %scan3A_477 step %scan3A_478  : i32 {
      %mul3A_507 = arith.constant 16 : i32
      %mul3A_508 = arith.muli %scan3A_506, %mul3A_507 : i32
      %get3A_509 = arith.constant 3 : i32
      %get3A_510 = arith.index_cast %get3A_509 : i32 to index
      %get3A_511 = arith.index_cast %mul3A_508 : i32 to index
      %get3A_512 = tpu.vector_load %arg8[%get3A_510, %get3A_511] {strides = array<i32>} : memref<4x768xf32, #tpu.memory_space<vmem>>, vector<1x16xf32>,
      %get3A_513 = vector.shape_cast %get3A_512 : vector<1x16xf32> to vector<16xf32>
      %get3A_514 = arith.constant 3 : i32
      %get3A_515 = arith.constant 0 : i32
      %get3A_516 = arith.index_cast %get3A_514 : i32 to index
      %get3A_517 = arith.index_cast %get3A_515 : i32 to index
      %get3A_518 = arith.index_cast %mul3A_508 : i32 to index
      %get3A_519 = tpu.vector_load %arg7[%get3A_516, %get3A_517, %get3A_518] {strides = array<i32>} : memref<8x5x768xf32, #tpu.memory_space<vmem>>, vector<1x1x16xf32>,
      %get3A_520 = vector.shape_cast %get3A_519 : vector<1x1x16xf32> to vector<16xf32>
      %add3A_521 = arith.addf %get3A_520, %get3A_513 : vector<16xf32>
      %swap3A = arith.constant 0 : i32
      %swap3A_522 = arith.index_cast %swap3A : i32 to index
      %swap3A_523 = arith.index_cast %mul3A_508 : i32 to index
      %swap3A_524 = tpu.vector_load %arg10[%swap3A_522, %swap3A_523] {strides = array<i32>} : memref<25x768xf32, #tpu.memory_space<vmem>>, vector<1x16xf32>,
      %swap3A_525 = vector.shape_cast %swap3A_524 : vector<1x16xf32> to vector<16xf32>
      %swap3A_526 = vector.shape_cast %add3A_521 : vector<16xf32> to vector<1x16xf32>
      tpu.vector_store %arg10[%swap3A_522, %swap3A_523], %swap3A_526 {strides = array<i32>} : memref<25x768xf32, #tpu.memory_space<vmem>>, vector<1x16xf32>,
      %get3A_527 = arith.constant 3 : i32
      %get3A_528 = arith.constant 1 : i32
      %get3A_529 = arith.index_cast %get3A_527 : i32 to index
      %get3A_530 = arith.index_cast %get3A_528 : i32 to index
      %get3A_531 = arith.index_cast %mul3A_508 : i32 to index
      %get3A_532 = tpu.vector_load %arg7[%get3A_529, %get3A_530, %get3A_531] {strides = array<i32>} : memref<8x5x768xf32, #tpu.memory_space<vmem>>, vector<1x1x16xf32>,
      %get3A_533 = vector.shape_cast %get3A_532 : vector<1x1x16xf32> to vector<16xf32>
      %add3A_534 = arith.addf %get3A_533, %get3A_513 : vector<16xf32>
      %swap3A_535 = arith.constant 1 : i32
      %swap3A_536 = arith.index_cast %swap3A_535 : i32 to index
      %swap3A_537 = arith.index_cast %mul3A_508 : i32 to index
      %swap3A_538 = tpu.vector_load %arg10[%swap3A_536, %swap3A_537] {strides = array<i32>} : memref<25x768xf32, #tpu.memory_space<vmem>>, vector<1x16xf32>,
      %swap3A_539 = vector.shape_cast %swap3A_538 : vector<1x16xf32> to vector<16xf32>
      %swap3A_540 = vector.shape_cast %add3A_534 : vector<16xf32> to vector<1x16xf32>
      tpu.vector_store %arg10[%swap3A_536, %swap3A_537], %swap3A_540 {strides = array<i32>} : memref<25x768xf32, #tpu.memory_space<vmem>>, vector<1x16xf32>,
      %get3A_541 = arith.constant 3 : i32
      %get3A_542 = arith.constant 2 : i32
      %get3A_543 = arith.index_cast %get3A_541 : i32 to index
      %get3A_544 = arith.index_cast %get3A_542 : i32 to index
      %get3A_545 = arith.index_cast %mul3A_508 : i32 to index
      %get3A_546 = tpu.vector_load %arg7[%get3A_543, %get3A_544, %get3A_545] {strides = array<i32>} : memref<8x5x768xf32, #tpu.memory_space<vmem>>, vector<1x1x16xf32>,
      %get3A_547 = vector.shape_cast %get3A_546 : vector<1x1x16xf32> to vector<16xf32>
      %add3A_548 = arith.addf %get3A_547, %get3A_513 : vector<16xf32>
      %swap3A_549 = arith.constant 2 : i32
      %swap3A_550 = arith.index_cast %swap3A_549 : i32 to index
      %swap3A_551 = arith.index_cast %mul3A_508 : i32 to index
      %swap3A_552 = tpu.vector_load %arg10[%swap3A_550, %swap3A_551] {strides = array<i32>} : memref<25x768xf32, #tpu.memory_space<vmem>>, vector<1x16xf32>,
      %swap3A_553 = vector.shape_cast %swap3A_552 : vector<1x16xf32> to vector<16xf32>
      %swap3A_554 = vector.shape_cast %add3A_548 : vector<16xf32> to vector<1x16xf32>
      tpu.vector_store %arg10[%swap3A_550, %swap3A_551], %swap3A_554 {strides = array<i32>} : memref<25x768xf32, #tpu.memory_space<vmem>>, vector<1x16xf32>,
      %get3A_555 = arith.constant 3 : i32
      %get3A_556 = arith.constant 3 : i32
      %get3A_557 = arith.index_cast %get3A_555 : i32 to index
      %get3A_558 = arith.index_cast %get3A_556 : i32 to index
      %get3A_559 = arith.index_cast %mul3A_508 : i32 to index
      %get3A_560 = tpu.vector_load %arg7[%get3A_557, %get3A_558, %get3A_559] {strides = array<i32>} : memref<8x5x768xf32, #tpu.memory_space<vmem>>, vector<1x1x16xf32>,
      %get3A_561 = vector.shape_cast %get3A_560 : vector<1x1x16xf32> to vector<16xf32>
      %add3A_562 = arith.addf %get3A_561, %get3A_513 : vector<16xf32>
      %swap3A_563 = arith.constant 3 : i32
      %swap3A_564 = arith.index_cast %swap3A_563 : i32 to index
      %swap3A_565 = arith.index_cast %mul3A_508 : i32 to index
      %swap3A_566 = tpu.vector_load %arg10[%swap3A_564, %swap3A_565] {strides = array<i32>} : memref<25x768xf32, #tpu.memory_space<vmem>>, vector<1x16xf32>,
      %swap3A_567 = vector.shape_cast %swap3A_566 : vector<1x16xf32> to vector<16xf32>
      %swap3A_568 = vector.shape_cast %add3A_562 : vector<16xf32> to vector<1x16xf32>
      tpu.vector_store %arg10[%swap3A_564, %swap3A_565], %swap3A_568 {strides = array<i32>} : memref<25x768xf32, #tpu.memory_space<vmem>>, vector<1x16xf32>,
      %get3A_569 = arith.constant 3 : i32
      %get3A_570 = arith.constant 4 : i32
      %get3A_571 = arith.index_cast %get3A_569 : i32 to index
      %get3A_572 = arith.index_cast %get3A_570 : i32 to index
      %get3A_573 = arith.index_cast %mul3A_508 : i32 to index
      %get3A_574 = tpu.vector_load %arg7[%get3A_571, %get3A_572, %get3A_573] {strides = array<i32>} : memref<8x5x768xf32, #tpu.memory_space<vmem>>, vector<1x1x16xf32>,
      %get3A_575 = vector.shape_cast %get3A_574 : vector<1x1x16xf32> to vector<16xf32>
      %add3A_576 = arith.addf %get3A_575, %get3A_513 : vector<16xf32>
      %swap3A_577 = arith.constant 4 : i32
      %swap3A_578 = arith.index_cast %swap3A_577 : i32 to index
      %swap3A_579 = arith.index_cast %mul3A_508 : i32 to index
      %swap3A_580 = tpu.vector_load %arg10[%swap3A_578, %swap3A_579] {strides = array<i32>} : memref<25x768xf32, #tpu.memory_space<vmem>>, vector<1x16xf32>,
      %swap3A_581 = vector.shape_cast %swap3A_580 : vector<1x16xf32> to vector<16xf32>
      %swap3A_582 = vector.shape_cast %add3A_576 : vector<16xf32> to vector<1x16xf32>
      tpu.vector_store %arg10[%swap3A_578, %swap3A_579], %swap3A_582 {strides = array<i32>} : memref<25x768xf32, #tpu.memory_space<vmem>>, vector<1x16xf32>,
      %get3A_583 = arith.constant 4 : i32
      %get3A_584 = arith.constant 0 : i32
      %get3A_585 = arith.index_cast %get3A_583 : i32 to index
      %get3A_586 = arith.index_cast %get3A_584 : i32 to index
      %get3A_587 = arith.index_cast %mul3A_508 : i32 to index
      %get3A_588 = tpu.vector_load %arg7[%get3A_585, %get3A_586, %get3A_587] {strides = array<i32>} : memref<8x5x768xf32, #tpu.memory_space<vmem>>, vector<1x1x16xf32>,
      %get3A_589 = vector.shape_cast %get3A_588 : vector<1x1x16xf32> to vector<16xf32>
      %add3A_590 = arith.addf %get3A_589, %get3A_513 : vector<16xf32>
      %swap3A_591 = arith.constant 5 : i32
      %swap3A_592 = arith.index_cast %swap3A_591 : i32 to index
      %swap3A_593 = arith.index_cast %mul3A_508 : i32 to index
      %swap3A_594 = tpu.vector_load %arg10[%swap3A_592, %swap3A_593] {strides = array<i32>} : memref<25x768xf32, #tpu.memory_space<vmem>>, vector<1x16xf32>,
      %swap3A_595 = vector.shape_cast %swap3A_594 : vector<1x16xf32> to vector<16xf32>
      %swap3A_596 = vector.shape_cast %add3A_590 : vector<16xf32> to vector<1x16xf32>
      tpu.vector_store %arg10[%swap3A_592, %swap3A_593], %swap3A_596 {strides = array<i32>} : memref<25x768xf32, #tpu.memory_space<vmem>>, vector<1x16xf32>,
      %get3A_597 = arith.constant 4 : i32
      %get3A_598 = arith.constant 1 : i32
      %get3A_599 = arith.index_cast %get3A_597 : i32 to index
      %get3A_600 = arith.index_cast %get3A_598 : i32 to index
      %get3A_601 = arith.index_cast %mul3A_508 : i32 to index
      %get3A_602 = tpu.vector_load %arg7[%get3A_599, %get3A_600, %get3A_601] {strides = array<i32>} : memref<8x5x768xf32, #tpu.memory_space<vmem>>, vector<1x1x16xf32>,
      %get3A_603 = vector.shape_cast %get3A_602 : vector<1x1x16xf32> to vector<16xf32>
      %add3A_604 = arith.addf %get3A_603, %get3A_513 : vector<16xf32>
      %swap3A_605 = arith.constant 6 : i32
      %swap3A_606 = arith.index_cast %swap3A_605 : i32 to index
      %swap3A_607 = arith.index_cast %mul3A_508 : i32 to index
      %swap3A_608 = tpu.vector_load %arg10[%swap3A_606, %swap3A_607] {strides = array<i32>} : memref<25x768xf32, #tpu.memory_space<vmem>>, vector<1x16xf32>,
      %swap3A_609 = vector.shape_cast %swap3A_608 : vector<1x16xf32> to vector<16xf32>
      %swap3A_610 = vector.shape_cast %add3A_604 : vector<16xf32> to vector<1x16xf32>
      tpu.vector_store %arg10[%swap3A_606, %swap3A_607], %swap3A_610 {strides = array<i32>} : memref<25x768xf32, #tpu.memory_space<vmem>>, vector<1x16xf32>,
      %get3A_611 = arith.constant 4 : i32
      %get3A_612 = arith.constant 2 : i32
      %get3A_613 = arith.index_cast %get3A_611 : i32 to index
      %get3A_614 = arith.index_cast %get3A_612 : i32 to index
      %get3A_615 = arith.index_cast %mul3A_508 : i32 to index
      %get3A_616 = tpu.vector_load %arg7[%get3A_613, %get3A_614, %get3A_615] {strides = array<i32>} : memref<8x5x768xf32, #tpu.memory_space<vmem>>, vector<1x1x16xf32>,
      %get3A_617 = vector.shape_cast %get3A_616 : vector<1x1x16xf32> to vector<16xf32>
      %add3A_618 = arith.addf %get3A_617, %get3A_513 : vector<16xf32>
      %swap3A_619 = arith.constant 7 : i32
      %swap3A_620 = arith.index_cast %swap3A_619 : i32 to index
      %swap3A_621 = arith.index_cast %mul3A_508 : i32 to index
      %swap3A_622 = tpu.vector_load %arg10[%swap3A_620, %swap3A_621] {strides = array<i32>} : memref<25x768xf32, #tpu.memory_space<vmem>>, vector<1x16xf32>,
      %swap3A_623 = vector.shape_cast %swap3A_622 : vector<1x16xf32> to vector<16xf32>
      %swap3A_624 = vector.shape_cast %add3A_618 : vector<16xf32> to vector<1x16xf32>
      tpu.vector_store %arg10[%swap3A_620, %swap3A_621], %swap3A_624 {strides = array<i32>} : memref<25x768xf32, #tpu.memory_space<vmem>>, vector<1x16xf32>,
      %get3A_625 = arith.constant 4 : i32
      %get3A_626 = arith.constant 3 : i32
      %get3A_627 = arith.index_cast %get3A_625 : i32 to index
      %get3A_628 = arith.index_cast %get3A_626 : i32 to index
      %get3A_629 = arith.index_cast %mul3A_508 : i32 to index
      %get3A_630 = tpu.vector_load %arg7[%get3A_627, %get3A_628, %get3A_629] {strides = array<i32>} : memref<8x5x768xf32, #tpu.memory_space<vmem>>, vector<1x1x16xf32>,
      %get3A_631 = vector.shape_cast %get3A_630 : vector<1x1x16xf32> to vector<16xf32>
      %add3A_632 = arith.addf %get3A_631, %get3A_513 : vector<16xf32>
      %swap3A_633 = arith.constant 8 : i32
      %swap3A_634 = arith.index_cast %swap3A_633 : i32 to index
      %swap3A_635 = arith.index_cast %mul3A_508 : i32 to index
      %swap3A_636 = tpu.vector_load %arg10[%swap3A_634, %swap3A_635] {strides = array<i32>} : memref<25x768xf32, #tpu.memory_space<vmem>>, vector<1x16xf32>,
      %swap3A_637 = vector.shape_cast %swap3A_636 : vector<1x16xf32> to vector<16xf32>
      %swap3A_638 = vector.shape_cast %add3A_632 : vector<16xf32> to vector<1x16xf32>
      tpu.vector_store %arg10[%swap3A_634, %swap3A_635], %swap3A_638 {strides = array<i32>} : memref<25x768xf32, #tpu.memory_space<vmem>>, vector<1x16xf32>,
      %get3A_639 = arith.constant 4 : i32
      %get3A_640 = arith.constant 4 : i32
      %get3A_641 = arith.index_cast %get3A_639 : i32 to index
      %get3A_642 = arith.index_cast %get3A_640 : i32 to index
      %get3A_643 = arith.index_cast %mul3A_508 : i32 to index
      %get3A_644 = tpu.vector_load %arg7[%get3A_641, %get3A_642, %get3A_643] {strides = array<i32>} : memref<8x5x768xf32, #tpu.memory_space<vmem>>, vector<1x1x16xf32>,
      %get3A_645 = vector.shape_cast %get3A_644 : vector<1x1x16xf32> to vector<16xf32>
      %add3A_646 = arith.addf %get3A_645, %get3A_513 : vector<16xf32>
      %swap3A_647 = arith.constant 9 : i32
      %swap3A_648 = arith.index_cast %swap3A_647 : i32 to index
      %swap3A_649 = arith.index_cast %mul3A_508 : i32 to index
      %swap3A_650 = tpu.vector_load %arg10[%swap3A_648, %swap3A_649] {strides = array<i32>} : memref<25x768xf32, #tpu.memory_space<vmem>>, vector<1x16xf32>,
      %swap3A_651 = vector.shape_cast %swap3A_650 : vector<1x16xf32> to vector<16xf32>
      %swap3A_652 = vector.shape_cast %add3A_646 : vector<16xf32> to vector<1x16xf32>
      tpu.vector_store %arg10[%swap3A_648, %swap3A_649], %swap3A_652 {strides = array<i32>} : memref<25x768xf32, #tpu.memory_space<vmem>>, vector<1x16xf32>,
      %get3A_653 = arith.constant 5 : i32
      %get3A_654 = arith.constant 0 : i32
      %get3A_655 = arith.index_cast %get3A_653 : i32 to index
      %get3A_656 = arith.index_cast %get3A_654 : i32 to index
      %get3A_657 = arith.index_cast %mul3A_508 : i32 to index
      %get3A_658 = tpu.vector_load %arg7[%get3A_655, %get3A_656, %get3A_657] {strides = array<i32>} : memref<8x5x768xf32, #tpu.memory_space<vmem>>, vector<1x1x16xf32>,
      %get3A_659 = vector.shape_cast %get3A_658 : vector<1x1x16xf32> to vector<16xf32>
      %add3A_660 = arith.addf %get3A_659, %get3A_513 : vector<16xf32>
      %swap3A_661 = arith.constant 10 : i32
      %swap3A_662 = arith.index_cast %swap3A_661 : i32 to index
      %swap3A_663 = arith.index_cast %mul3A_508 : i32 to index
      %swap3A_664 = tpu.vector_load %arg10[%swap3A_662, %swap3A_663] {strides = array<i32>} : memref<25x768xf32, #tpu.memory_space<vmem>>, vector<1x16xf32>,
      %swap3A_665 = vector.shape_cast %swap3A_664 : vector<1x16xf32> to vector<16xf32>
      %swap3A_666 = vector.shape_cast %add3A_660 : vector<16xf32> to vector<1x16xf32>
      tpu.vector_store %arg10[%swap3A_662, %swap3A_663], %swap3A_666 {strides = array<i32>} : memref<25x768xf32, #tpu.memory_space<vmem>>, vector<1x16xf32>,
      %get3A_667 = arith.constant 5 : i32
      %get3A_668 = arith.constant 1 : i32
      %get3A_669 = arith.index_cast %get3A_667 : i32 to index
      %get3A_670 = arith.index_cast %get3A_668 : i32 to index
      %get3A_671 = arith.index_cast %mul3A_508 : i32 to index
      %get3A_672 = tpu.vector_load %arg7[%get3A_669, %get3A_670, %get3A_671] {strides = array<i32>} : memref<8x5x768xf32, #tpu.memory_space<vmem>>, vector<1x1x16xf32>,
      %get3A_673 = vector.shape_cast %get3A_672 : vector<1x1x16xf32> to vector<16xf32>
      %add3A_674 = arith.addf %get3A_673, %get3A_513 : vector<16xf32>
      %swap3A_675 = arith.constant 11 : i32
      %swap3A_676 = arith.index_cast %swap3A_675 : i32 to index
      %swap3A_677 = arith.index_cast %mul3A_508 : i32 to index
      %swap3A_678 = tpu.vector_load %arg10[%swap3A_676, %swap3A_677] {strides = array<i32>} : memref<25x768xf32, #tpu.memory_space<vmem>>, vector<1x16xf32>,
      %swap3A_679 = vector.shape_cast %swap3A_678 : vector<1x16xf32> to vector<16xf32>
      %swap3A_680 = vector.shape_cast %add3A_674 : vector<16xf32> to vector<1x16xf32>
      tpu.vector_store %arg10[%swap3A_676, %swap3A_677], %swap3A_680 {strides = array<i32>} : memref<25x768xf32, #tpu.memory_space<vmem>>, vector<1x16xf32>,
      %get3A_681 = arith.constant 5 : i32
      %get3A_682 = arith.constant 2 : i32
      %get3A_683 = arith.index_cast %get3A_681 : i32 to index
      %get3A_684 = arith.index_cast %get3A_682 : i32 to index
      %get3A_685 = arith.index_cast %mul3A_508 : i32 to index
      %get3A_686 = tpu.vector_load %arg7[%get3A_683, %get3A_684, %get3A_685] {strides = array<i32>} : memref<8x5x768xf32, #tpu.memory_space<vmem>>, vector<1x1x16xf32>,
      %get3A_687 = vector.shape_cast %get3A_686 : vector<1x1x16xf32> to vector<16xf32>
      %add3A_688 = arith.addf %get3A_687, %get3A_513 : vector<16xf32>
      %swap3A_689 = arith.constant 12 : i32
      %swap3A_690 = arith.index_cast %swap3A_689 : i32 to index
      %swap3A_691 = arith.index_cast %mul3A_508 : i32 to index
      %swap3A_692 = tpu.vector_load %arg10[%swap3A_690, %swap3A_691] {strides = array<i32>} : memref<25x768xf32, #tpu.memory_space<vmem>>, vector<1x16xf32>,
      %swap3A_693 = vector.shape_cast %swap3A_692 : vector<1x16xf32> to vector<16xf32>
      %swap3A_694 = vector.shape_cast %add3A_688 : vector<16xf32> to vector<1x16xf32>
      tpu.vector_store %arg10[%swap3A_690, %swap3A_691], %swap3A_694 {strides = array<i32>} : memref<25x768xf32, #tpu.memory_space<vmem>>, vector<1x16xf32>,
      %get3A_695 = arith.constant 5 : i32
      %get3A_696 = arith.constant 3 : i32
      %get3A_697 = arith.index_cast %get3A_695 : i32 to index
      %get3A_698 = arith.index_cast %get3A_696 : i32 to index
      %get3A_699 = arith.index_cast %mul3A_508 : i32 to index
      %get3A_700 = tpu.vector_load %arg7[%get3A_697, %get3A_698, %get3A_699] {strides = array<i32>} : memref<8x5x768xf32, #tpu.memory_space<vmem>>, vector<1x1x16xf32>,
      %get3A_701 = vector.shape_cast %get3A_700 : vector<1x1x16xf32> to vector<16xf32>
      %add3A_702 = arith.addf %get3A_701, %get3A_513 : vector<16xf32>
      %swap3A_703 = arith.constant 13 : i32
      %swap3A_704 = arith.index_cast %swap3A_703 : i32 to index
      %swap3A_705 = arith.index_cast %mul3A_508 : i32 to index
      %swap3A_706 = tpu.vector_load %arg10[%swap3A_704, %swap3A_705] {strides = array<i32>} : memref<25x768xf32, #tpu.memory_space<vmem>>, vector<1x16xf32>,
      %swap3A_707 = vector.shape_cast %swap3A_706 : vector<1x16xf32> to vector<16xf32>
      %swap3A_708 = vector.shape_cast %add3A_702 : vector<16xf32> to vector<1x16xf32>
      tpu.vector_store %arg10[%swap3A_704, %swap3A_705], %swap3A_708 {strides = array<i32>} : memref<25x768xf32, #tpu.memory_space<vmem>>, vector<1x16xf32>,
      %get3A_709 = arith.constant 5 : i32
      %get3A_710 = arith.constant 4 : i32
      %get3A_711 = arith.index_cast %get3A_709 : i32 to index
      %get3A_712 = arith.index_cast %get3A_710 : i32 to index
      %get3A_713 = arith.index_cast %mul3A_508 : i32 to index
      %get3A_714 = tpu.vector_load %arg7[%get3A_711, %get3A_712, %get3A_713] {strides = array<i32>} : memref<8x5x768xf32, #tpu.memory_space<vmem>>, vector<1x1x16xf32>,
      %get3A_715 = vector.shape_cast %get3A_714 : vector<1x1x16xf32> to vector<16xf32>
      %add3A_716 = arith.addf %get3A_715, %get3A_513 : vector<16xf32>
      %swap3A_717 = arith.constant 14 : i32
      %swap3A_718 = arith.index_cast %swap3A_717 : i32 to index
      %swap3A_719 = arith.index_cast %mul3A_508 : i32 to index
      %swap3A_720 = tpu.vector_load %arg10[%swap3A_718, %swap3A_719] {strides = array<i32>} : memref<25x768xf32, #tpu.memory_space<vmem>>, vector<1x16xf32>,
      %swap3A_721 = vector.shape_cast %swap3A_720 : vector<1x16xf32> to vector<16xf32>
      %swap3A_722 = vector.shape_cast %add3A_716 : vector<16xf32> to vector<1x16xf32>
      tpu.vector_store %arg10[%swap3A_718, %swap3A_719], %swap3A_722 {strides = array<i32>} : memref<25x768xf32, #tpu.memory_space<vmem>>, vector<1x16xf32>,
      %get3A_723 = arith.constant 6 : i32
      %get3A_724 = arith.constant 0 : i32
      %get3A_725 = arith.index_cast %get3A_723 : i32 to index
      %get3A_726 = arith.index_cast %get3A_724 : i32 to index
      %get3A_727 = arith.index_cast %mul3A_508 : i32 to index
      %get3A_728 = tpu.vector_load %arg7[%get3A_725, %get3A_726, %get3A_727] {strides = array<i32>} : memref<8x5x768xf32, #tpu.memory_space<vmem>>, vector<1x1x16xf32>,
      %get3A_729 = vector.shape_cast %get3A_728 : vector<1x1x16xf32> to vector<16xf32>
      %add3A_730 = arith.addf %get3A_729, %get3A_513 : vector<16xf32>
      %swap3A_731 = arith.constant 15 : i32
      %swap3A_732 = arith.index_cast %swap3A_731 : i32 to index
      %swap3A_733 = arith.index_cast %mul3A_508 : i32 to index
      %swap3A_734 = tpu.vector_load %arg10[%swap3A_732, %swap3A_733] {strides = array<i32>} : memref<25x768xf32, #tpu.memory_space<vmem>>, vector<1x16xf32>,
      %swap3A_735 = vector.shape_cast %swap3A_734 : vector<1x16xf32> to vector<16xf32>
      %swap3A_736 = vector.shape_cast %add3A_730 : vector<16xf32> to vector<1x16xf32>
      tpu.vector_store %arg10[%swap3A_732, %swap3A_733], %swap3A_736 {strides = array<i32>} : memref<25x768xf32, #tpu.memory_space<vmem>>, vector<1x16xf32>,
      %get3A_737 = arith.constant 6 : i32
      %get3A_738 = arith.constant 1 : i32
      %get3A_739 = arith.index_cast %get3A_737 : i32 to index
      %get3A_740 = arith.index_cast %get3A_738 : i32 to index
      %get3A_741 = arith.index_cast %mul3A_508 : i32 to index
      %get3A_742 = tpu.vector_load %arg7[%get3A_739, %get3A_740, %get3A_741] {strides = array<i32>} : memref<8x5x768xf32, #tpu.memory_space<vmem>>, vector<1x1x16xf32>,
      %get3A_743 = vector.shape_cast %get3A_742 : vector<1x1x16xf32> to vector<16xf32>
      %add3A_744 = arith.addf %get3A_743, %get3A_513 : vector<16xf32>
      %swap3A_745 = arith.constant 16 : i32
      %swap3A_746 = arith.index_cast %swap3A_745 : i32 to index
      %swap3A_747 = arith.index_cast %mul3A_508 : i32 to index
      %swap3A_748 = tpu.vector_load %arg10[%swap3A_746, %swap3A_747] {strides = array<i32>} : memref<25x768xf32, #tpu.memory_space<vmem>>, vector<1x16xf32>,
      %swap3A_749 = vector.shape_cast %swap3A_748 : vector<1x16xf32> to vector<16xf32>
      %swap3A_750 = vector.shape_cast %add3A_744 : vector<16xf32> to vector<1x16xf32>
      tpu.vector_store %arg10[%swap3A_746, %swap3A_747], %swap3A_750 {strides = array<i32>} : memref<25x768xf32, #tpu.memory_space<vmem>>, vector<1x16xf32>,
      %get3A_751 = arith.constant 6 : i32
      %get3A_752 = arith.constant 2 : i32
      %get3A_753 = arith.index_cast %get3A_751 : i32 to index
      %get3A_754 = arith.index_cast %get3A_752 : i32 to index
      %get3A_755 = arith.index_cast %mul3A_508 : i32 to index
      %get3A_756 = tpu.vector_load %arg7[%get3A_753, %get3A_754, %get3A_755] {strides = array<i32>} : memref<8x5x768xf32, #tpu.memory_space<vmem>>, vector<1x1x16xf32>,
      %get3A_757 = vector.shape_cast %get3A_756 : vector<1x1x16xf32> to vector<16xf32>
      %add3A_758 = arith.addf %get3A_757, %get3A_513 : vector<16xf32>
      %swap3A_759 = arith.constant 17 : i32
      %swap3A_760 = arith.index_cast %swap3A_759 : i32 to index
      %swap3A_761 = arith.index_cast %mul3A_508 : i32 to index
      %swap3A_762 = tpu.vector_load %arg10[%swap3A_760, %swap3A_761] {strides = array<i32>} : memref<25x768xf32, #tpu.memory_space<vmem>>, vector<1x16xf32>,
      %swap3A_763 = vector.shape_cast %swap3A_762 : vector<1x16xf32> to vector<16xf32>
      %swap3A_764 = vector.shape_cast %add3A_758 : vector<16xf32> to vector<1x16xf32>
      tpu.vector_store %arg10[%swap3A_760, %swap3A_761], %swap3A_764 {strides = array<i32>} : memref<25x768xf32, #tpu.memory_space<vmem>>, vector<1x16xf32>,
      %get3A_765 = arith.constant 6 : i32
      %get3A_766 = arith.constant 3 : i32
      %get3A_767 = arith.index_cast %get3A_765 : i32 to index
      %get3A_768 = arith.index_cast %get3A_766 : i32 to index
      %get3A_769 = arith.index_cast %mul3A_508 : i32 to index
      %get3A_770 = tpu.vector_load %arg7[%get3A_767, %get3A_768, %get3A_769] {strides = array<i32>} : memref<8x5x768xf32, #tpu.memory_space<vmem>>, vector<1x1x16xf32>,
      %get3A_771 = vector.shape_cast %get3A_770 : vector<1x1x16xf32> to vector<16xf32>
      %add3A_772 = arith.addf %get3A_771, %get3A_513 : vector<16xf32>
      %swap3A_773 = arith.constant 18 : i32
      %swap3A_774 = arith.index_cast %swap3A_773 : i32 to index
      %swap3A_775 = arith.index_cast %mul3A_508 : i32 to index
      %swap3A_776 = tpu.vector_load %arg10[%swap3A_774, %swap3A_775] {strides = array<i32>} : memref<25x768xf32, #tpu.memory_space<vmem>>, vector<1x16xf32>,
      %swap3A_777 = vector.shape_cast %swap3A_776 : vector<1x16xf32> to vector<16xf32>
      %swap3A_778 = vector.shape_cast %add3A_772 : vector<16xf32> to vector<1x16xf32>
      tpu.vector_store %arg10[%swap3A_774, %swap3A_775], %swap3A_778 {strides = array<i32>} : memref<25x768xf32, #tpu.memory_space<vmem>>, vector<1x16xf32>,
      %get3A_779 = arith.constant 6 : i32
      %get3A_780 = arith.constant 4 : i32
      %get3A_781 = arith.index_cast %get3A_779 : i32 to index
      %get3A_782 = arith.index_cast %get3A_780 : i32 to index
      %get3A_783 = arith.index_cast %mul3A_508 : i32 to index
      %get3A_784 = tpu.vector_load %arg7[%get3A_781, %get3A_782, %get3A_783] {strides = array<i32>} : memref<8x5x768xf32, #tpu.memory_space<vmem>>, vector<1x1x16xf32>,
      %get3A_785 = vector.shape_cast %get3A_784 : vector<1x1x16xf32> to vector<16xf32>
      %add3A_786 = arith.addf %get3A_785, %get3A_513 : vector<16xf32>
      %swap3A_787 = arith.constant 19 : i32
      %swap3A_788 = arith.index_cast %swap3A_787 : i32 to index
      %swap3A_789 = arith.index_cast %mul3A_508 : i32 to index
      %swap3A_790 = tpu.vector_load %arg10[%swap3A_788, %swap3A_789] {strides = array<i32>} : memref<25x768xf32, #tpu.memory_space<vmem>>, vector<1x16xf32>,
      %swap3A_791 = vector.shape_cast %swap3A_790 : vector<1x16xf32> to vector<16xf32>
      %swap3A_792 = vector.shape_cast %add3A_786 : vector<16xf32> to vector<1x16xf32>
      tpu.vector_store %arg10[%swap3A_788, %swap3A_789], %swap3A_792 {strides = array<i32>} : memref<25x768xf32, #tpu.memory_space<vmem>>, vector<1x16xf32>,
      %get3A_793 = arith.constant 7 : i32
      %get3A_794 = arith.constant 0 : i32
      %get3A_795 = arith.index_cast %get3A_793 : i32 to index
      %get3A_796 = arith.index_cast %get3A_794 : i32 to index
      %get3A_797 = arith.index_cast %mul3A_508 : i32 to index
      %get3A_798 = tpu.vector_load %arg7[%get3A_795, %get3A_796, %get3A_797] {strides = array<i32>} : memref<8x5x768xf32, #tpu.memory_space<vmem>>, vector<1x1x16xf32>,
      %get3A_799 = vector.shape_cast %get3A_798 : vector<1x1x16xf32> to vector<16xf32>
      %add3A_800 = arith.addf %get3A_799, %get3A_513 : vector<16xf32>
      %swap3A_801 = arith.constant 20 : i32
      %swap3A_802 = arith.index_cast %swap3A_801 : i32 to index
      %swap3A_803 = arith.index_cast %mul3A_508 : i32 to index
      %swap3A_804 = tpu.vector_load %arg10[%swap3A_802, %swap3A_803] {strides = array<i32>} : memref<25x768xf32, #tpu.memory_space<vmem>>, vector<1x16xf32>,
      %swap3A_805 = vector.shape_cast %swap3A_804 : vector<1x16xf32> to vector<16xf32>
      %swap3A_806 = vector.shape_cast %add3A_800 : vector<16xf32> to vector<1x16xf32>
      tpu.vector_store %arg10[%swap3A_802, %swap3A_803], %swap3A_806 {strides = array<i32>} : memref<25x768xf32, #tpu.memory_space<vmem>>, vector<1x16xf32>,
      %get3A_807 = arith.constant 7 : i32
      %get3A_808 = arith.constant 1 : i32
      %get3A_809 = arith.index_cast %get3A_807 : i32 to index
      %get3A_810 = arith.index_cast %get3A_808 : i32 to index
      %get3A_811 = arith.index_cast %mul3A_508 : i32 to index
      %get3A_812 = tpu.vector_load %arg7[%get3A_809, %get3A_810, %get3A_811] {strides = array<i32>} : memref<8x5x768xf32, #tpu.memory_space<vmem>>, vector<1x1x16xf32>,
      %get3A_813 = vector.shape_cast %get3A_812 : vector<1x1x16xf32> to vector<16xf32>
      %add3A_814 = arith.addf %get3A_813, %get3A_513 : vector<16xf32>
      %swap3A_815 = arith.constant 21 : i32
      %swap3A_816 = arith.index_cast %swap3A_815 : i32 to index
      %swap3A_817 = arith.index_cast %mul3A_508 : i32 to index
      %swap3A_818 = tpu.vector_load %arg10[%swap3A_816, %swap3A_817] {strides = array<i32>} : memref<25x768xf32, #tpu.memory_space<vmem>>, vector<1x16xf32>,
      %swap3A_819 = vector.shape_cast %swap3A_818 : vector<1x16xf32> to vector<16xf32>
      %swap3A_820 = vector.shape_cast %add3A_814 : vector<16xf32> to vector<1x16xf32>
      tpu.vector_store %arg10[%swap3A_816, %swap3A_817], %swap3A_820 {strides = array<i32>} : memref<25x768xf32, #tpu.memory_space<vmem>>, vector<1x16xf32>,
      %get3A_821 = arith.constant 7 : i32
      %get3A_822 = arith.constant 2 : i32
      %get3A_823 = arith.index_cast %get3A_821 : i32 to index
      %get3A_824 = arith.index_cast %get3A_822 : i32 to index
      %get3A_825 = arith.index_cast %mul3A_508 : i32 to index
      %get3A_826 = tpu.vector_load %arg7[%get3A_823, %get3A_824, %get3A_825] {strides = array<i32>} : memref<8x5x768xf32, #tpu.memory_space<vmem>>, vector<1x1x16xf32>,
      %get3A_827 = vector.shape_cast %get3A_826 : vector<1x1x16xf32> to vector<16xf32>
      %add3A_828 = arith.addf %get3A_827, %get3A_513 : vector<16xf32>
      %swap3A_829 = arith.constant 22 : i32
      %swap3A_830 = arith.index_cast %swap3A_829 : i32 to index
      %swap3A_831 = arith.index_cast %mul3A_508 : i32 to index
      %swap3A_832 = tpu.vector_load %arg10[%swap3A_830, %swap3A_831] {strides = array<i32>} : memref<25x768xf32, #tpu.memory_space<vmem>>, vector<1x16xf32>,
      %swap3A_833 = vector.shape_cast %swap3A_832 : vector<1x16xf32> to vector<16xf32>
      %swap3A_834 = vector.shape_cast %add3A_828 : vector<16xf32> to vector<1x16xf32>
      tpu.vector_store %arg10[%swap3A_830, %swap3A_831], %swap3A_834 {strides = array<i32>} : memref<25x768xf32, #tpu.memory_space<vmem>>, vector<1x16xf32>,
      %get3A_835 = arith.constant 7 : i32
      %get3A_836 = arith.constant 3 : i32
      %get3A_837 = arith.index_cast %get3A_835 : i32 to index
      %get3A_838 = arith.index_cast %get3A_836 : i32 to index
      %get3A_839 = arith.index_cast %mul3A_508 : i32 to index
      %get3A_840 = tpu.vector_load %arg7[%get3A_837, %get3A_838, %get3A_839] {strides = array<i32>} : memref<8x5x768xf32, #tpu.memory_space<vmem>>, vector<1x1x16xf32>,
      %get3A_841 = vector.shape_cast %get3A_840 : vector<1x1x16xf32> to vector<16xf32>
      %add3A_842 = arith.addf %get3A_841, %get3A_513 : vector<16xf32>
      %swap3A_843 = arith.constant 23 : i32
      %swap3A_844 = arith.index_cast %swap3A_843 : i32 to index
      %swap3A_845 = arith.index_cast %mul3A_508 : i32 to index
      %swap3A_846 = tpu.vector_load %arg10[%swap3A_844, %swap3A_845] {strides = array<i32>} : memref<25x768xf32, #tpu.memory_space<vmem>>, vector<1x16xf32>,
      %swap3A_847 = vector.shape_cast %swap3A_846 : vector<1x16xf32> to vector<16xf32>
      %swap3A_848 = vector.shape_cast %add3A_842 : vector<16xf32> to vector<1x16xf32>
      tpu.vector_store %arg10[%swap3A_844, %swap3A_845], %swap3A_848 {strides = array<i32>} : memref<25x768xf32, #tpu.memory_space<vmem>>, vector<1x16xf32>,
      %get3A_849 = arith.constant 7 : i32
      %get3A_850 = arith.constant 4 : i32
      %get3A_851 = arith.index_cast %get3A_849 : i32 to index
      %get3A_852 = arith.index_cast %get3A_850 : i32 to index
      %get3A_853 = arith.index_cast %mul3A_508 : i32 to index
      %get3A_854 = tpu.vector_load %arg7[%get3A_851, %get3A_852, %get3A_853] {strides = array<i32>} : memref<8x5x768xf32, #tpu.memory_space<vmem>>, vector<1x1x16xf32>,
      %get3A_855 = vector.shape_cast %get3A_854 : vector<1x1x16xf32> to vector<16xf32>
      %add3A_856 = arith.addf %get3A_855, %get3A_513 : vector<16xf32>
      %swap3A_857 = arith.constant 24 : i32
      %swap3A_858 = arith.index_cast %swap3A_857 : i32 to index
      %swap3A_859 = arith.index_cast %mul3A_508 : i32 to index
      %swap3A_860 = tpu.vector_load %arg10[%swap3A_858, %swap3A_859] {strides = array<i32>} : memref<25x768xf32, #tpu.memory_space<vmem>>, vector<1x16xf32>,
      %swap3A_861 = vector.shape_cast %swap3A_860 : vector<1x16xf32> to vector<16xf32>
      %swap3A_862 = vector.shape_cast %add3A_856 : vector<16xf32> to vector<1x16xf32>
      tpu.vector_store %arg10[%swap3A_858, %swap3A_859], %swap3A_862 {strides = array<i32>} : memref<25x768xf32, #tpu.memory_space<vmem>>, vector<1x16xf32>,
    }
    %scan3A_479 = arith.constant 48 : i32
    %add3A_480 = arith.constant 3 : i32
    %add3A_481 = arith.addi %mul3A_2, %add3A_480 : i32
    %dma_start3A_482 = arith.constant 0 : i32
    %dma_start3A_483 = arith.constant 0 : i32
    %dma_start3A_484 = tpu.memref_slice %arg5[%add3A_481, %dma_start3A_482, %dma_start3A_483] : memref<128x25x768xf32, #tpu.memory_space<hbm>> -> memref<1x25x768xf32, #tpu.memory_space<hbm>>
    %dma_start3A_485 = tpu.memref_squeeze %dma_start3A_484 : memref<1x25x768xf32, #tpu.memory_space<hbm>> -> memref<25x768xf32, #tpu.memory_space<hbm>>
    %dma_start3A_486 = arith.constant 0 : i32
    %dma_start3A_487 = arith.constant 0 : i32
    %dma_start3A_488 = tpu.memref_slice %arg5[%add3A_481, %dma_start3A_486, %dma_start3A_487] : memref<128x25x768xf32, #tpu.memory_space<hbm>> -> memref<1x25x768xf32, #tpu.memory_space<hbm>>
    %dma_start3A_489 = tpu.memref_squeeze %dma_start3A_488 : memref<1x25x768xf32, #tpu.memory_space<hbm>> -> memref<25x768xf32, #tpu.memory_space<hbm>>
    tpu.enqueue_dma source(%arg10 : memref<25x768xf32, #tpu.memory_space<vmem>>) target(%dma_start3A_489 : memref<25x768xf32, #tpu.memory_space<hbm>>) target_semaphore(%arg14 : memref<!tpu.dma_semaphore, #tpu.memory_space<semaphore_mem>>)
    %dma_wait3A_490 = arith.constant 0 : i32
    %dma_wait3A_491 = arith.constant 0 : i32
    %dma_wait3A_492 = tpu.memref_slice %arg5[%add3A_457, %dma_wait3A_490, %dma_wait3A_491] : memref<128x25x768xf32, #tpu.memory_space<hbm>> -> memref<1x25x768xf32, #tpu.memory_space<hbm>>
    %dma_wait3A_493 = tpu.memref_squeeze %dma_wait3A_492 : memref<1x25x768xf32, #tpu.memory_space<hbm>> -> memref<25x768xf32, #tpu.memory_space<hbm>>
    %dma_wait3A_494 = arith.constant 0 : i32
    %dma_wait3A_495 = arith.constant 0 : i32
    %dma_wait3A_496 = tpu.memref_slice %arg5[%add3A_457, %dma_wait3A_494, %dma_wait3A_495] : memref<128x25x768xf32, #tpu.memory_space<hbm>> -> memref<1x25x768xf32, #tpu.memory_space<hbm>>
    %dma_wait3A_497 = tpu.memref_squeeze %dma_wait3A_496 : memref<1x25x768xf32, #tpu.memory_space<hbm>> -> memref<25x768xf32, #tpu.memory_space<hbm>>
    tpu.wait_dma2 semaphore(%arg13 : memref<!tpu.dma_semaphore, #tpu.memory_space<semaphore_mem>>) src(%arg9 : memref<25x768xf32, #tpu.memory_space<vmem>>) dst(%dma_wait3A_497 : memref<25x768xf32, #tpu.memory_space<hbm>>)
    %dma_wait3A_498 = arith.constant 0 : i32
    %dma_wait3A_499 = arith.constant 0 : i32
    %dma_wait3A_500 = tpu.memref_slice %arg5[%add3A_481, %dma_wait3A_498, %dma_wait3A_499] : memref<128x25x768xf32, #tpu.memory_space<hbm>> -> memref<1x25x768xf32, #tpu.memory_space<hbm>>
    %dma_wait3A_501 = tpu.memref_squeeze %dma_wait3A_500 : memref<1x25x768xf32, #tpu.memory_space<hbm>> -> memref<25x768xf32, #tpu.memory_space<hbm>>
    %dma_wait3A_502 = arith.constant 0 : i32
    %dma_wait3A_503 = arith.constant 0 : i32
    %dma_wait3A_504 = tpu.memref_slice %arg5[%add3A_481, %dma_wait3A_502, %dma_wait3A_503] : memref<128x25x768xf32, #tpu.memory_space<hbm>> -> memref<1x25x768xf32, #tpu.memory_space<hbm>>
    %dma_wait3A_505 = tpu.memref_squeeze %dma_wait3A_504 : memref<1x25x768xf32, #tpu.memory_space<hbm>> -> memref<25x768xf32, #tpu.memory_space<hbm>>
    tpu.wait_dma2 semaphore(%arg14 : memref<!tpu.dma_semaphore, #tpu.memory_space<semaphore_mem>>) src(%arg10 : memref<25x768xf32, #tpu.memory_space<vmem>>) dst(%dma_wait3A_505 : memref<25x768xf32, #tpu.memory_space<hbm>>)
    return
  }
}

module attributes {stable_mosaic.version = 14 : i64} {
  func.func @_tc_math(%arg0: memref<128x768xf32, #tpu.memory_space<vmem>>, %arg1: memref<50x768xf32, #tpu.memory_space<vmem>>, %arg2: memref<1x768xf32, #tpu.memory_space<vmem>>, %arg3: memref<768x48xf32, #tpu.memory_space<vmem>>, %arg4: memref<1x48xf32, #tpu.memory_space<vmem>>, %arg5: memref<48x768xf32, #tpu.memory_space<vmem>>, %arg6: memref<1x768xf32, #tpu.memory_space<vmem>>, %arg7: memref<128x1xi32, #tpu.memory_space<vmem>>, %arg8: memref<1xi32, #tpu.memory_space<smem>>, %arg9: memref<128x768xf32, #tpu.memory_space<vmem>>, %arg10: memref<128x50xf32, #tpu.memory_space<vmem>>, %arg11: memref<128x1x768xf32, #tpu.memory_space<vmem>>, %arg12: memref<128x1xf32, #tpu.memory_space<vmem>>, %arg13: memref<1x1xf32, #tpu.memory_space<vmem>>) attributes {dimension_semantics = [], scalar_prefetch = 0 : i64, scratch_operands = 0 : i64, tpu.core_type = #tpu.core_type<tc>} {
    %get3A = arith.constant 0 : index
    %get3A_0 = arith.constant 0 : index
    %get3A_1 = vector.load %arg0[%get3A, %get3A_0] : memref<128x768xf32, #tpu.memory_space<vmem>>, vector<128x768xf32>
    %mul3A = arith.mulf %get3A_1, %get3A_1 : vector<128x768xf32>
    %reduce_sum3A = arith.constant dense<0.000000e+00> : vector<128xf32>
    %reduce_sum3A_2 = vector.multi_reduction <add>, %mul3A, %reduce_sum3A [1] : vector<128x768xf32> to vector<128xf32>
    %broadcast_in_dim3A = vector.shape_cast %reduce_sum3A_2 : vector<128xf32> to vector<128x1xf32>
    %max3A = arith.constant 9.99999996E-13 : f32
    %max3A_3 = vector.broadcast %max3A : f32 to vector<128x1xf32>
    %max3A_4 = arith.maximumf %broadcast_in_dim3A, %max3A_3 : vector<128x1xf32>
    %rsqrt3A = math.rsqrt %max3A_4 : vector<128x1xf32>
    %mul3A_5 = vector.broadcast %rsqrt3A : vector<128x1xf32> to vector<128x768xf32>
    %mul3A_6 = arith.mulf %get3A_1, %mul3A_5 : vector<128x768xf32>
    %swap3A = arith.constant 0 : index
    %swap3A_7 = arith.constant 0 : index
    %swap3A_8 = vector.load %arg9[%swap3A, %swap3A_7] : memref<128x768xf32, #tpu.memory_space<vmem>>, vector<128x768xf32>
    tpu.vector_store %arg9[%swap3A, %swap3A_7], %mul3A_6 {strides = array<i32>} : memref<128x768xf32, #tpu.memory_space<vmem>>, vector<128x768xf32>,
    %get3A_9 = arith.constant 0 : index
    %get3A_10 = arith.constant 0 : index
    %get3A_11 = vector.load %arg1[%get3A_9, %get3A_10] : memref<50x768xf32, #tpu.memory_space<vmem>>, vector<50x768xf32>
    %mul3A_12 = arith.mulf %get3A_11, %get3A_11 : vector<50x768xf32>
    %reduce_sum3A_13 = arith.constant dense<0.000000e+00> : vector<50xf32>
    %reduce_sum3A_14 = vector.multi_reduction <add>, %mul3A_12, %reduce_sum3A_13 [1] : vector<50x768xf32> to vector<50xf32>
    %broadcast_in_dim3A_15 = vector.shape_cast %reduce_sum3A_14 : vector<50xf32> to vector<50x1xf32>
    %max3A_16 = arith.constant 9.99999996E-13 : f32
    %max3A_17 = vector.broadcast %max3A_16 : f32 to vector<50x1xf32>
    %max3A_18 = arith.maximumf %broadcast_in_dim3A_15, %max3A_17 : vector<50x1xf32>
    %rsqrt3A_19 = math.rsqrt %max3A_18 : vector<50x1xf32>
    %mul3A_20 = vector.broadcast %rsqrt3A_19 : vector<50x1xf32> to vector<50x768xf32>
    %mul3A_21 = arith.mulf %get3A_11, %mul3A_20 : vector<50x768xf32>
    %dot_general3A = arith.constant dense<0.000000e+00> : vector<128x50xf32>
    %dot_general3A_22 = tpu.matmul %mul3A_6, %mul3A_21, %dot_general3A {dimension_numbers = #tpu.dot_dimension_numbers<[1], [1], [0], [0], [0, 0, 1, 0], [], []>, precision = #tpu.contract_precision<fp32>, transpose_lhs_hint = false} : vector<128x768xf32>, vector<50x768xf32>, vector<128x50xf32> -> vector<128x50xf32>
    %swap3A_23 = arith.constant 0 : index
    %swap3A_24 = arith.constant 0 : index
    %swap3A_25 = vector.load %arg10[%swap3A_23, %swap3A_24] : memref<128x50xf32, #tpu.memory_space<vmem>>, vector<128x50xf32>
    tpu.vector_store %arg10[%swap3A_23, %swap3A_24], %dot_general3A_22 {strides = array<i32>} : memref<128x50xf32, #tpu.memory_space<vmem>>, vector<128x50xf32>,
    %get3A_26 = arith.constant 0 : index
    %get3A_27 = arith.constant 0 : index
    %get3A_28 = vector.load %arg3[%get3A_26, %get3A_27] : memref<768x48xf32, #tpu.memory_space<vmem>>, vector<768x48xf32>
    %dot_general3A_29 = arith.constant dense<0.000000e+00> : vector<128x48xf32>
    %dot_general3A_30 = tpu.matmul %get3A_1, %get3A_28, %dot_general3A_29 {dimension_numbers = #tpu.dot_dimension_numbers<[1], [0], [0], [1], [0, 0, 1, 1], [], []>, precision = #tpu.contract_precision<fp32>, transpose_lhs_hint = false} : vector<128x768xf32>, vector<768x48xf32>, vector<128x48xf32> -> vector<128x48xf32>
    %get3A_31 = arith.constant 0 : index
    %get3A_32 = arith.constant 0 : index
    %get3A_33 = vector.load %arg4[%get3A_31, %get3A_32] : memref<1x48xf32, #tpu.memory_space<vmem>>, vector<1x48xf32>
    %add3A = vector.broadcast %get3A_33 : vector<1x48xf32> to vector<128x48xf32>
    %add3A_34 = arith.addf %dot_general3A_30, %add3A : vector<128x48xf32>
    %max3A_35 = arith.constant 0.000000e+00 : f32
    %max3A_36 = vector.broadcast %max3A_35 : f32 to vector<128x48xf32>
    %max3A_37 = arith.maximumf %add3A_34, %max3A_36 : vector<128x48xf32>
    %get3A_38 = arith.constant 0 : index
    %get3A_39 = arith.constant 0 : index
    %get3A_40 = vector.load %arg5[%get3A_38, %get3A_39] : memref<48x768xf32, #tpu.memory_space<vmem>>, vector<48x768xf32>
    %dot_general3A_41 = arith.constant dense<0.000000e+00> : vector<128x768xf32>
    %dot_general3A_42 = tpu.matmul %max3A_37, %get3A_40, %dot_general3A_41 {dimension_numbers = #tpu.dot_dimension_numbers<[1], [0], [0], [1], [0, 0, 1, 1], [], []>, precision = #tpu.contract_precision<fp32>, transpose_lhs_hint = false} : vector<128x48xf32>, vector<48x768xf32>, vector<128x768xf32> -> vector<128x768xf32>
    %get3A_43 = arith.constant 0 : index
    %get3A_44 = arith.constant 0 : index
    %get3A_45 = vector.load %arg6[%get3A_43, %get3A_44] : memref<1x768xf32, #tpu.memory_space<vmem>>, vector<1x768xf32>
    %add3A_46 = vector.broadcast %get3A_45 : vector<1x768xf32> to vector<128x768xf32>
    %add3A_47 = arith.addf %dot_general3A_42, %add3A_46 : vector<128x768xf32>
    %swap3A_48 = arith.constant 0 : index
    %swap3A_49 = arith.constant 0 : index
    %swap3A_50 = arith.constant 0 : index
    %swap3A_51 = vector.load %arg11[%swap3A_48, %swap3A_49, %swap3A_50] : memref<128x1x768xf32, #tpu.memory_space<vmem>>, vector<128x1x768xf32>
    %swap3A_52 = vector.shape_cast %swap3A_51 : vector<128x1x768xf32> to vector<128x768xf32>
    %swap3A_53 = vector.shape_cast %add3A_47 : vector<128x768xf32> to vector<128x1x768xf32>
    tpu.vector_store %arg11[%swap3A_48, %swap3A_49, %swap3A_50], %swap3A_53 {strides = array<i32>} : memref<128x1x768xf32, #tpu.memory_space<vmem>>, vector<128x1x768xf32>,
    %get3A_54 = arith.constant 0 : index
    %get3A_55 = memref.load %arg8[%get3A_54] : memref<1xi32, #tpu.memory_space<smem>>
    %iota3A = tpu.iota {dimensions = array<i32: 0>} : vector<50x1xi32>
    %eq3A = vector.broadcast %get3A_55 : i32 to vector<50x1xi32>
    %eq3A_56 = arith.cmpi eq, %iota3A, %eq3A : vector<50x1xi32>
    %convert_element_type3A = arith.extui %eq3A_56 : vector<50x1xi1> to vector<50x1xi32>
    %convert_element_type3A_57 = arith.sitofp %convert_element_type3A : vector<50x1xi32> to vector<50x1xf32>
    %mul3A_58 = vector.broadcast %convert_element_type3A_57 : vector<50x1xf32> to vector<50x768xf32>
    %mul3A_59 = arith.mulf %get3A_11, %mul3A_58 : vector<50x768xf32>
    %reduce_sum3A_60 = arith.constant dense<0.000000e+00> : vector<768xf32>
    %reduce_sum3A_61 = vector.multi_reduction <add>, %mul3A_59, %reduce_sum3A_60 [0] : vector<50x768xf32> to vector<768xf32>
    %broadcast_in_dim3A_62 = vector.shape_cast %reduce_sum3A_61 : vector<768xf32> to vector<1x768xf32>
    %mul3A_63 = arith.mulf %broadcast_in_dim3A_62, %broadcast_in_dim3A_62 : vector<1x768xf32>
    %reduce_sum3A_64 = vector.shape_cast %mul3A_63 : vector<1x768xf32> to vector<1x1x768xf32>
    %reduce_sum3A_65 = arith.constant dense<0.000000e+00> : vector<1xf32>
    %reduce_sum3A_66 = vector.multi_reduction <add>, %reduce_sum3A_64, %reduce_sum3A_65 [1, 2] : vector<1x1x768xf32> to vector<1xf32>
    %reduce_sum3A_67 = vector.shape_cast %reduce_sum3A_66 : vector<1xf32> to vector<1x1x1xf32>
    %reduce_sum3A_68 = vector.extract %reduce_sum3A_67[0, 0, 0] : f32 from vector<1x1x1xf32>
    %max3A_69 = arith.constant 9.99999996E-13 : f32
    %max3A_70 = arith.maximumf %reduce_sum3A_68, %max3A_69 : f32
    %rsqrt3A_71 = math.rsqrt %max3A_70 : f32
    %mul3A_72 = vector.broadcast %rsqrt3A_71 : f32 to vector<1x768xf32>
    %mul3A_73 = arith.mulf %broadcast_in_dim3A_62, %mul3A_72 : vector<1x768xf32>
    %slice3A = vector.extract_strided_slice %mul3A_73 {offsets = [0, 0], sizes = [1, 50], strides = [1, 1]} : vector<1x768xf32> to vector<1x50xf32>
    %get3A_74 = arith.constant 0 : index
    %get3A_75 = arith.constant 0 : index
    %get3A_76 = vector.load %arg7[%get3A_74, %get3A_75] : memref<128x1xi32, #tpu.memory_space<vmem>>, vector<128x1xi32>
    %iota3A_77 = tpu.iota {dimensions = array<i32: 1>} : vector<128x50xi32>
    %eq3A_78 = vector.broadcast %get3A_76 : vector<128x1xi32> to vector<128x50xi32>
    %eq3A_79 = arith.cmpi eq, %eq3A_78, %iota3A_77 : vector<128x50xi32>
    %convert_element_type3A_80 = arith.extui %eq3A_79 : vector<128x50xi1> to vector<128x50xi32>
    %convert_element_type3A_81 = arith.sitofp %convert_element_type3A_80 : vector<128x50xi32> to vector<128x50xf32>
    %mul3A_82 = vector.broadcast %slice3A : vector<1x50xf32> to vector<128x50xf32>
    %mul3A_83 = arith.mulf %convert_element_type3A_81, %mul3A_82 : vector<128x50xf32>
    %reduce_sum3A_84 = arith.constant dense<0.000000e+00> : vector<128xf32>
    %reduce_sum3A_85 = vector.multi_reduction <add>, %mul3A_83, %reduce_sum3A_84 [1] : vector<128x50xf32> to vector<128xf32>
    %broadcast_in_dim3A_86 = vector.shape_cast %reduce_sum3A_85 : vector<128xf32> to vector<128x1xf32>
    %swap3A_87 = arith.constant 0 : index
    %swap3A_88 = arith.constant 0 : index
    %swap3A_89 = vector.load %arg12[%swap3A_87, %swap3A_88] : memref<128x1xf32, #tpu.memory_space<vmem>>, vector<128x1xf32>
    tpu.vector_store %arg12[%swap3A_87, %swap3A_88], %broadcast_in_dim3A_86 {strides = array<i32>} : memref<128x1xf32, #tpu.memory_space<vmem>>, vector<128x1xf32>,
    %get3A_90 = arith.constant 0 : index
    %get3A_91 = arith.constant 0 : index
    %get3A_92 = vector.load %arg2[%get3A_90, %get3A_91] : memref<1x768xf32, #tpu.memory_space<vmem>>, vector<1x768xf32>
    %mul3A_93 = arith.mulf %get3A_92, %get3A_92 : vector<1x768xf32>
    %reduce_sum3A_94 = vector.shape_cast %mul3A_93 : vector<1x768xf32> to vector<1x1x768xf32>
    %reduce_sum3A_95 = arith.constant dense<0.000000e+00> : vector<1xf32>
    %reduce_sum3A_96 = vector.multi_reduction <add>, %reduce_sum3A_94, %reduce_sum3A_95 [1, 2] : vector<1x1x768xf32> to vector<1xf32>
    %reduce_sum3A_97 = vector.shape_cast %reduce_sum3A_96 : vector<1xf32> to vector<1x1x1xf32>
    %reduce_sum3A_98 = vector.extract %reduce_sum3A_97[0, 0, 0] : f32 from vector<1x1x1xf32>
    %max3A_99 = arith.constant 9.99999996E-13 : f32
    %max3A_100 = arith.maximumf %reduce_sum3A_98, %max3A_99 : f32
    %rsqrt3A_101 = math.rsqrt %max3A_100 : f32
    %mul3A_102 = vector.broadcast %rsqrt3A_101 : f32 to vector<1x768xf32>
    %mul3A_103 = arith.mulf %get3A_92, %mul3A_102 : vector<1x768xf32>
    %reduce_sum3A_104 = arith.constant dense<0.000000e+00> : vector<768xf32>
    %reduce_sum3A_105 = vector.multi_reduction <add>, %mul3A_6, %reduce_sum3A_104 [0] : vector<128x768xf32> to vector<768xf32>
    %broadcast_in_dim3A_106 = vector.shape_cast %reduce_sum3A_105 : vector<768xf32> to vector<1x768xf32>
    %mul3A_107 = arith.mulf %mul3A_103, %broadcast_in_dim3A_106 : vector<1x768xf32>
    %reduce_sum3A_108 = vector.shape_cast %mul3A_107 : vector<1x768xf32> to vector<1x1x768xf32>
    %reduce_sum3A_109 = arith.constant dense<0.000000e+00> : vector<1xf32>
    %reduce_sum3A_110 = vector.multi_reduction <add>, %reduce_sum3A_108, %reduce_sum3A_109 [1, 2] : vector<1x1x768xf32> to vector<1xf32>
    %reduce_sum3A_111 = vector.shape_cast %reduce_sum3A_110 : vector<1xf32> to vector<1x1x1xf32>
    %reduce_sum3A_112 = vector.extract %reduce_sum3A_111[0, 0, 0] : f32 from vector<1x1x1xf32>
    %div3A = arith.constant 1.280000e+02 : f32
    %div3A_113 = arith.divf %reduce_sum3A_112, %div3A : f32
    %reduce_sum3A_114 = vector.shape_cast %broadcast_in_dim3A_86 : vector<128x1xf32> to vector<1x128x1xf32>
    %reduce_sum3A_115 = arith.constant dense<0.000000e+00> : vector<1xf32>
    %reduce_sum3A_116 = vector.multi_reduction <add>, %reduce_sum3A_114, %reduce_sum3A_115 [1, 2] : vector<1x128x1xf32> to vector<1xf32>
    %reduce_sum3A_117 = vector.shape_cast %reduce_sum3A_116 : vector<1xf32> to vector<1x1x1xf32>
    %reduce_sum3A_118 = vector.extract %reduce_sum3A_117[0, 0, 0] : f32 from vector<1x1x1xf32>
    %reduce_sum3A_119 = vector.shape_cast %mul3A_6 : vector<128x768xf32> to vector<1x128x768xf32>
    %reduce_sum3A_120 = arith.constant dense<0.000000e+00> : vector<1xf32>
    %reduce_sum3A_121 = vector.multi_reduction <add>, %reduce_sum3A_119, %reduce_sum3A_120 [1, 2] : vector<1x128x768xf32> to vector<1xf32>
    %reduce_sum3A_122 = vector.shape_cast %reduce_sum3A_121 : vector<1xf32> to vector<1x1x1xf32>
    %reduce_sum3A_123 = vector.extract %reduce_sum3A_122[0, 0, 0] : f32 from vector<1x1x1xf32>
    %mul3A_124 = arith.mulf %reduce_sum3A_118, %reduce_sum3A_123 : f32
    %div3A_125 = arith.constant 1.280000e+02 : f32
    %div3A_126 = arith.divf %mul3A_124, %div3A_125 : f32
    %add3A_127 = arith.addf %div3A_126, %div3A_113 : f32
    %reshape3A = vector.broadcast %add3A_127 : f32 to vector<1x1xf32>
    %swap3A_128 = arith.constant 0 : index
    %swap3A_129 = arith.constant 0 : index
    %swap3A_130 = vector.load %arg13[%swap3A_128, %swap3A_129] : memref<1x1xf32, #tpu.memory_space<vmem>>, vector<1x1xf32>
    tpu.vector_store %arg13[%swap3A_128, %swap3A_129], %reshape3A {strides = array<i32>} : memref<1x1xf32, #tpu.memory_space<vmem>>, vector<1x1xf32>,
    return
  }
}

</mosaic_0001>

<sc_bundles>
// kernel: kernel.4.cloned.1.call-start
scs
__scs_entry_jumppad:
0x0: {  	(pc) =	sbr.rel $0x88, $3  }
0x1: {  	(tag) =	ssettag $0x0;
	lr =	simm.s32 $0x1  }
0x2: {  	[smem:$0x3F96] =	sst lr;
	_ =	strace $0xD0000000  }
0x3: {  	_ = 	snop  }
0x4: {  	_ = 	snop  }
0x5: {  	_ = 	snop  }
0x6: {  	_ = 	snop  }
0x7: {  	_ = 	snop  }
__scs_overlays_trampoline_lowered:
0x8: {  	[smem:$0x3FA5] =	sst s0  }
0x9: {  	[smem:$0x3FA6] =	sst s1  }
0xa: {  	[smem:$0x3FA7] =	sst s2  }
0xb: {  	[smem:$0x3FA8] =	sst s3  }
0xc: {  	[smem:$0x3FA9] =	sst s4  }
0xd: {  	[smem:$0x3FAA] =	sst s5  }
0xe: {  	[smem:$0x3FAB] =	sst s6  }
0xf: {  	[smem:$0x3FAC] =	sst s7  }
0x10: {  	[smem:$0x3FAD] =	sst s8  }
0x11: {  	[smem:$0x3FAE] =	sst s9;
	s0 =	simm.s32 @!p0 $0x0  }
0x12: {  	s1 =	sld [smem:$0x3F94];
	s0 =	simm.s32 @p0 $0x1  }
0x13: {  	[smem:$0x3FAF] =	sst s0;
	s0 =	simm.s32 @!p1 $0x0  }
0x14: {  	s2 =	sld [smem:$0x3F93];
	s0 =	simm.s32 @p1 $0x1  }
0x15: {  	[smem:$0x3FB0] =	sst s0;
	s0 =	simm.s32 @!p2 $0x0  }
0x16: {  	s3 =	sld [smem:$0x3FDB];
	s0 =	simm.s32 @p2 $0x1  }
0x17: {  	s4 =	simm.s32 $0x1BF5;
	[smem:$0x3FB2] =	sst s0  }
0x18: {  	s0 =	sld [smem:$0x3F95];
	_ =	swait.ge [sflag:s4], $0x0  }
0x19: {  	s7 =	sld [smem:$0x3F96]  }
0x1a: {  	s8 =	sadd.s32 $0xFFFFE003, lr  }
0x1b: {  	s9 =	sadd.s32 $0xFFFFFEF7, lr;
	s5 =	simm.s32 $0xFFFFFFFF;
	p2 =	slt.u32 s8, $0xFFFFF086  }
0x1c: {  	p1 =	slt.u32 s9, $0xF7A;
	s5 =	simm.s32 @!p2 $0x0  }
0x1d: {  	s5 =	simm.s32 @p1 $0x1;
	p0 =	seq.s32 s7, s2  }
0x1e: {  	s7 =	smul.u32 @!p0 $0xF7A, s2;
	p2 =	seq.s32 @!p0 s5, $0x0  }
0x1f: {  	s9 =	smul.u32 $0xF7A, s1;
	s8 =	simm.s32 @!p0 $0x1BF5;
	p2 =	por !p2, p0  }
0x20: {  	[sflag:s8] =	ssyncset.s32 @!p0 $0xFFFFF086;
	s6 =	sadd.s32 @!p0 s3, s7;
	s7 =	simm.s32 @!p0 $0x108  }
0x21: {  	s3 =	sadd.s32 s3, s9;
	s6 =	sadd.s32 @!p0 $0x88, s6;
	s7 =	simm.s32 @p2 $0x1082  }
0x22: {  	[simem:s7], [sflag:s8] =	dma.local @!p0 [hbm:s6], $0xF7A  }
0x23: {  	s9 =	sor.u32 $0xD0000000, s2;
	s6 =	simm.s32 $0x108;
	_ =	swait.ge @!p0 [sflag:s8], $0x0  }
0x24: {  	s3 =	sadd.s32 $0x88, s3;
	s6 =	simm.s32 @!p1 $0x1082;
	[sflag:s4] =	ssyncset.s32 $0xFFFFF086  }
0x25: {  	[simem:s6], [sflag:s4] =	dma.local [hbm:s3], $0xF7A  }
0x26: {  	[smem:$0x3F96] =	sst s1;
	(tag) =	ssettag s2;
	_ =	strace s9  }
0x27: {  	s1 =	sld [smem:$0x3FA6]  }
0x28: {  	s2 =	sld [smem:$0x3FA7]  }
0x29: {  	s4 =	sld [smem:$0x3FA9]  }
0x2a: {  	p0 =	seq.s32 s5, $0x0;
	s5 =	sld [smem:$0x3FAA]  }
0x2b: {  	s6 =	sld [smem:$0x3FAB]  }
0x2c: {  	s7 =	sld [smem:$0x3FAC]  }
0x2d: {  	s3 =	simm.s32 $0x108;
	s8 =	sld [smem:$0x3FAD]  }
0x2e: {  	s3 =	simm.s32 @!p0 $0x1082;
	s9 =	sld [smem:$0x3FAE]  }
0x2f: {  	lr =	sadd.s32 s0, s3;
	s0 =	sld [smem:$0x3FA5]  }
0x30: {  	s3 =	sld [smem:$0x3FA8]  }
0x31: {  	[smem:$0x3FB1] =	sst s10  }
0x32: {  	s10 =	sld [smem:$0x3FAF];
	_ =	sdelay $0x3  }
0x33: {  	p0 =	seq.s32 s10, $0x1;
	s10 =	sld [smem:$0x3FB1];
	_ =	sdelay $0x3  }
0x34: {  	[smem:$0x3FB1] =	sst s10  }
0x35: {  	s10 =	sld [smem:$0x3FB0];
	_ =	sdelay $0x3  }
0x36: {  	p1 =	seq.s32 s10, $0x1;
	s10 =	sld [smem:$0x3FB1];
	_ =	sdelay $0x3  }
0x37: {  	[smem:$0x3FB1] =	sst s10  }
0x38: {  	s10 =	sld [smem:$0x3FB2]  }
0x39: {  	_ = 	snop;
	(pc) =	sbr.ind lr, $3  }
0x3a: {  	_ = 	snop  }
0x3b: {  	_ = 	snop  }
0x3c: {  	p2 =	seq.s32 s10, $0x1;
	s10 =	sld [smem:$0x3FB1]  }
0x3d: {  	_ =	shalt  }
0x3e: {  	_ =	shalt  }
0x3f: {  	_ =	shalt  }
0x40: {  	_ =	shalt  }
0x41: {  	_ =	shalt  }
0x42: {  	_ =	shalt  }
0x43: {  	_ =	shalt  }
0x44: {  	_ =	shalt  }
0x45: {  	_ =	shalt  }
0x46: {  	_ =	shalt  }
0x47: {  	_ =	shalt  }
0x48: {  	_ =	shalt  }
0x49: {  	_ =	shalt  }
0x4a: {  	_ =	shalt  }
0x4b: {  	_ =	shalt  }
0x4c: {  	_ =	shalt  }
0x4d: {  	_ =	shalt  }
0x4e: {  	_ =	shalt  }
0x4f: {  	_ =	shalt  }
0x50: {  	_ =	shalt  }
0x51: {  	_ =	shalt  }
0x52: {  	_ =	shalt  }
0x53: {  	_ =	shalt  }
0x54: {  	_ =	shalt  }
0x55: {  	_ =	shalt  }
0x56: {  	_ =	shalt  }
0x57: {  	_ =	shalt  }
0x58: {  	_ =	shalt  }
0x59: {  	_ =	shalt  }
0x5a: {  	_ =	shalt  }
0x5b: {  	_ =	shalt  }
0x5c: {  	_ =	shalt  }
0x5d: {  	_ =	shalt  }
0x5e: {  	_ =	shalt  }
0x5f: {  	_ =	shalt  }
0x60: {  	_ =	shalt  }
0x61: {  	_ =	shalt  }
0x62: {  	_ =	shalt  }
0x63: {  	_ =	shalt  }
0x64: {  	_ =	shalt  }
0x65: {  	_ =	shalt  }
0x66: {  	_ =	shalt  }
0x67: {  	_ =	shalt  }
0x68: {  	_ =	shalt  }
0x69: {  	_ =	shalt  }
0x6a: {  	_ =	shalt  }
0x6b: {  	_ =	shalt  }
0x6c: {  	_ =	shalt  }
0x6d: {  	_ =	shalt  }
0x6e: {  	_ =	shalt  }
0x6f: {  	_ =	shalt  }
0x70: {  	_ =	shalt  }
0x71: {  	_ =	shalt  }
0x72: {  	_ =	shalt  }
0x73: {  	_ =	shalt  }
0x74: {  	_ =	shalt  }
0x75: {  	_ =	shalt  }
0x76: {  	_ =	shalt  }
0x77: {  	_ =	shalt  }
0x78: {  	_ =	shalt  }
0x79: {  	_ =	shalt  }
0x7a: {  	_ =	shalt  }
0x7b: {  	_ =	shalt  }
0x7c: {  	_ =	shalt  }
0x7d: {  	_ =	shalt  }
0x7e: {  	_ =	shalt  }
0x7f: {  	_ =	shalt  }
0x80: {  	_ =	shalt  }
0x81: {  	_ =	shalt  }
0x82: {  	_ =	shalt  }
0x83: {  	_ =	shalt  }
0x84: {  	_ =	shalt  }
0x85: {  	_ =	shalt  }
0x86: {  	_ =	shalt  }
0x87: {  	_ =	shalt  }
.Lfunc_end0:
.L_simem_size_0:
called_computation_lowered:
.L_overlay_start_0:
0x88: {  	s2 =	sld [smem:$0x3FD9]  }
0x89: {  	s3 =	sld [smem:$0x3FFE];
	_ =	sdelay $0x1  }
0x8a: {  	s1 =	srdreg.scid  }
0x8b: {  	s0 =	sand.u32 $0x1, s1  }
0x8c: {  	s14 =	sshll.u32 s0, $0xA;
	s2 =	sadd.s32 s3, s2  }
0x8d: {  	s2 =	sadd.s32 s2, s14  }
0x8e: {  	[smem:$0x3FBD] =	sst s2  }
0x8f: {  	_ = 	snop  }
0x90: {  	s2 =	sld [smem:$0x3FD0];
	_ =	sdelay $0x2  }
0x91: {  	s15 =	simm.s32 $0xA;
	s4 =	simm.s32 $0x10  }
0x92: {  	[smem:s4], [sflag:s15] =	dma.local [hbm:s2], $0x1  }
0x93: {  	_ =	swait.eq [sflag:s15], $0x1  }
0x94: {  	[sflag:s15] =	ssyncset.done $0x0  }
0x95: {  	[sflag:s15] =	ssyncadd.s32 $0xFFFFFFFF  }
0x96: {  	s16 =	sld [smem:$0x10];
	(tm) =	ssettm $0x1  }
0x97: {  	s17 =	sld [smem:$0x3FFB];
	_ =	sdelay $0x3  }
0x98: {  	_ =	strace s17  }
0x99: {  	s3 =	sld [smem:$0x3FFC];
	_ =	sdelay $0x3  }
0x9a: {  	_ =	strace s3  }
0x9b: {  	s3 =	sld [smem:$0x3FFD];
	_ =	sdelay $0x3  }
0x9c: {  	_ =	strace s3  }
0x9d: {  	_ =	strace $0x8FFFFFFF  }
0x9e: {  	s18 =	sld [smem:$0x3FDB];
	_ =	sdelay $0x1  }
0x9f: {  	s19 =	simm.s32 $_scs_section_size  }
0xa0: {  	s5 =	simm.s32 $_size__tile_overlayer_lowered;
	s6 =	simm.s32 $_tile_overlayer_lowered  }
0xa1: {  	s22 =	simm.s32 $0x1BFF;
	s21 =	sshll.u32 s6, $0x1;
	s3 =	sadd.s32 s19, s18  }
0xa2: {  	s7 =	simm.s32 $0x0;
	s20 =	sshll.u32 s5, $0x1;
	s5 =	sadd.s32 s21, s3  }
0xa3: {  	[timem:s7], [sflag:s22] =	dma.local [hbm:s5], s20  }
0xa4: {  	_ =	swait.ge [sflag:s22], s20  }
0xa5: {  	s4 =	ssub.s32 $0x0, s20;
	[sflag:s22] =	ssyncset.done $0x0  }
0xa6: {  	[sflag:s22] =	ssyncadd.s32 s4;
	_ =	sdelay $0x1  }
0xa7: {  	s23 =	simm.s32 $0x1B8B  }
0xa8: {  	_ =	swait.ge [sflag:s23], $0x1  }
0xa9: {  	[sflag:s23] =	ssyncset.done $0x0  }
0xaa: {  	s25 =	simm.s32 $0x1B8E;
	s24 =	sld [smem:$0x3FFE];
	[sflag:s23] =	ssyncadd.s32 $0xFFFFFFFF  }
0xab: {  	s26 =	simm.s32 $execute0_lowered;
	[smem:$0x3FD2] =	sst s25  }
0xac: {  	s5 =	sshll.u32 s26, $0x1;
	_ =	strace $0x80000046;
	[dreg:$0x1] =	wrdreg $0xFFFFFFFF  }
0xad: {  	s28 =	simm.s32 $_size_execute0_lowered;
	s3 =	sadd.s32 s3, s5;
	[dreg:$0x0] =	wrdreg $0x0  }
0xae: {  	s5 =	sshll.u32 s28, $0x1;
	[dreg:$0x2] =	wrdreg s3  }
0xaf: {  	[dreg:$0x3] =	wrdreg s5  }
0xb0: {  	[dreg:$0x4] =	wrdreg $0xC0  }
0xb1: {  	_ =	task [dreg:s7], $0x5FFFF  }
0xb2: {  	[dreg:$0x1] =	wrdreg $0xFFFFFFFF  }
0xb3: {  	[dreg:$0x0] =	wrdreg $0x60  }
0xb4: {  	[dreg:$0x2] =	wrdreg s24  }
0xb5: {  	[dreg:$0x3] =	wrdreg s16  }
0xb6: {  	[dreg:$0x4] =	wrdreg $0x9  }
0xb7: {  	_ =	task.clear_ibuf [dreg:s7], $0x5FFFF;
	_ =	strace $0x90000046  }
0xb8: {  	s29 =	simm.s32 $0x9;
	_ =	strace $0x80000048  }
0xb9: {  	_ =	swait.ge [sflag:s29], $0x1  }
0xba: {  	[sflag:s29] =	ssyncadd.s32 $0xFFFFFFFF  }
0xbb: {  	_ =	strace $0x90000048  }
0xbc: {  	_ =	sfence  }
0xbd: {  	s30 =	sld [smem:$0x0];
	_ =	sdelay $0x2  }
0xbe: {  	s31 =	sshll.u32 s1, $0xD;
	s1 =	sshrl.u32 s1, $0x2  }
0xbf: {  	s3 =	sand.u32 $0x4000, s31;
	s1 =	sadd.s32 s1, s30  }
0xc0: {  	s0 =	sor.u32 s3, s0;
	s1 =	sshll.u32 s1, $0x11  }
0xc1: {  	s0 =	sor.u32 s1, s0  }
0xc2: {  	s0 =	sadd.s32 $0x8F2B, s0  }
0xc3: {  	[sflag:s0] =	ssyncadd.remote.s32 $0x1  }
0xc4: {  	_ =	sfence.sel $0xFFFF  }
0xc5: {  	[dreg:$0x0] =	wrdreg $0xFFFFFFFF;
	(pc) =	sbr.abs _section_cstart, $3  }
0xc6: {  	[dreg:$0x1] =	wrdreg $0xFFFFFFFF  }
0xc7: {  	_ =	task.clear_ibuf [dreg:s7], $0x2FFFF;
	_ =	strace $0x9FFFFFFF  }
0xc8: {  	(tm) =	ssettm $0x7FFFFFFF  }
0xc9: {  	_ =	shalt  }
tec
execute0_lowered:
.L_overlay_start_1:
0x0: {  	(tag) =	ssettag $0x1  }
0x1: {  	s0 =	rddreg [dreg:$0x0];
	s1 =	srdreg.scid  }
0x2: {  	s2 =	stileid.u32;
	s12 =	rddreg [dreg:$0x1]  }
0x3: {  	s28 =	simm.s32 $0xCA00;
	s29 =	simm.s32 $0xCC00;
	s30 =	simm.s32 $0x1  }
0x4: {  	s31 =	simm.s32 $0x2;
	s1 =	sand.u32 $0x1, s1;
	s3 =	sshll.u32 s2, $0x1  }
0x5: {  	s17 =	simm.s32 $0x0;
	s2 =	simm.s32 $0x0;
	s4 =	sor.u32 s1, s3  }
0x6: {  	[smem:$0x7FF] =	sst s2;
	s3 =	sadd.s32 $0x1000, s0;
	s1 =	ssub.s32 $0x2, s1  }
0x7: {  	s5 =	sshll.u32 s4, $0x2;
	_ =	strace $0x80000047;
	s6 =	smul.u32 $0x180, s4  }
0x8: {  	s24 =	sshll.u32 s4, $0x4;
	s11 =	sshllo.u32 s4, $0x2;
	s15 =	smul.u32 $0x3000, s4  }
0x9: {  	s14 =	sshrl.u32 s1, $0x1;
	s7 =	sor.u32 $0x1, s5;
	s13 =	smul.u32 $0x60, s11  }
0xa: {  	s9 =	sor.u32 $0x2, s5;
	s5 =	sadd.s32 s24, s0;
	s26 =	smul.u32 $0xC00, s11  }
0xb: {  	s0 =	sadd.s32 $0xA800, s0;
	s1 =	ssub.s32 s1, s14;
	s8 =	smul.u32 $0x60, s7  }
0xc: {  	s14 =	simm.s32 $0x5;
	s24 =	simm.s32 $0xC400;
	s10 =	smul.u32 $0x60, s9  }
0xd: {  	s4 =	sadd.s32 $0xA600, s5;
	s25 =	smul.u32 $0xC00, s7;
	s5 =	sadd.s32 s0, s6  }
0xe: {  	s16 =	smul.u32 $0xC00, s9;
	s9 =	sadd.s32 s12, s15;
	s15 =	simm.s32 $0x3  }
0xf: {  	s6 =	sadd.s32 s0, s8;
	s7 =	sadd.s32 s0, s10;
	s8 =	sadd.s32 s0, s13  }
0x10: {  	s10 =	sadd.s32 s12, s25;
	s11 =	sadd.s32 s12, s16;
	s12 =	sadd.s32 s12, s26  }
0x11: {  	s13 =	smax.u32 s1, $0x1;
	s25 =	simm.s32 $0xC600;
	s26 =	simm.s32 $0xC800  }
0x12: {  	s1 =	simm.s32 $0xCC80;
	s0 =	simm.s32 $0x12C80;
	s16 =	simm.s32 $0x4  }
.LBB2_1:
0x13: {  	[tilespmem:s2], [sflag:$0x5] =	stream.linear.gather [hbm4b:s4+s2], $0x80, $0x38;
	[tilespmem:$0x18C80] =	vst v63  }
0x14: {  	_ =	swait.ge [sflag:s14], $0x80  }
0x15: {  	[sflag:s14] =	ssyncset.done $0x0  }
0x16: {  	[sflag:s14] =	ssyncadd.s32 $0xFFFFFF80  }
0x17: {  	v0 =	vld [tilespmem:$0x0];
	_ =	sdelay $0x4  }
0x18: {  	v0 =	vmul.u32 $0x1800, v0;
	_ =	sdelay $0x1  }
0x19: {  	v0 =	vshrl.u32 v0, $0x3  }
0x1a: {  	v0 =	vadd.s32 s3, v0  }
0x1b: {  	(v2sf) =	vpush v0, $0x0;
	_ =	sdelay $0x1  }
0x1c: {  	(v2sf) =	vpush v0, $0x1;
	_ =	sdelay $0x1  }
0x1d: {  	(v2sf) =	vpush v0, $0x2;
	_ =	sdelay $0x1  }
0x1e: {  	(v2sf) =	vpush v0, $0x3;
	_ =	sdelay $0x1  }
0x1f: {  	(v2sf) =	vpush v0, $0x4;
	_ =	sdelay $0x1  }
0x20: {  	(v2sf) =	vpush v0, $0x5;
	_ =	sdelay $0x1  }
0x21: {  	(v2sf) =	vpush v0, $0x6;
	_ =	sdelay $0x1  }
0x22: {  	(v2sf) =	vpush v0, $0x7  }
0x23: {  	s19 =	simm.s32 $0x80;
	s18 =	spop (v2sf)  }
0x24: {  	[tilespmem:s19], [sflag:$0x1] =	stream.linear.gather [hbm4b:s18+s2], $0x1800, $0x38;
	[tilespmem:$0x18C80] =	vst v63  }
0x25: {  	s21 =	simm.s32 $0x1880;
	s20 =	spop (v2sf)  }
0x26: {  	[tilespmem:s21], [sflag:$0x1] =	stream.linear.gather [hbm4b:s20+s2], $0x1800, $0x38;
	[tilespmem:$0x18C80] =	vst v63  }
0x27: {  	s23 =	simm.s32 $0x3080;
	s22 =	spop (v2sf)  }
0x28: {  	[tilespmem:s23], [sflag:$0x1] =	stream.linear.gather [hbm4b:s22+s2], $0x1800, $0x38;
	[tilespmem:$0x18C80] =	vst v63  }
0x29: {  	s20 =	spop (v2sf);
	s21 =	simm.s32 $0x4880  }
0x2a: {  	[tilespmem:s21], [sflag:$0x1] =	stream.linear.gather [hbm4b:s20+s2], $0x1800, $0x38;
	[tilespmem:$0x18C80] =	vst v63  }
0x2b: {  	s22 =	spop (v2sf);
	s23 =	simm.s32 $0x6080  }
0x2c: {  	[tilespmem:s23], [sflag:$0x1] =	stream.linear.gather [hbm4b:s22+s2], $0x1800, $0x38;
	[tilespmem:$0x18C80] =	vst v63  }
0x2d: {  	s20 =	spop (v2sf);
	s21 =	simm.s32 $0x7880  }
0x2e: {  	[tilespmem:s21], [sflag:$0x1] =	stream.linear.gather [hbm4b:s20+s2], $0x1800, $0x38;
	[tilespmem:$0x18C80] =	vst v63  }
0x2f: {  	s22 =	spop (v2sf);
	s23 =	simm.s32 $0x9080  }
0x30: {  	[tilespmem:s23], [sflag:$0x1] =	stream.linear.gather [hbm4b:s22+s2], $0x1800, $0x38;
	[tilespmem:$0x18C80] =	vst v63  }
0x31: {  	s19 =	spop (v2sf);
	s20 =	simm.s32 $0xA880  }
0x32: {  	[tilespmem:s20], [sflag:$0x1] =	stream.linear.gather [hbm4b:s19+s2], $0x1800, $0x38;
	[tilespmem:$0x18C80] =	vst v63  }
0x33: {  	s21 =	simm.s32 $0xC080  }
0x34: {  	[tilespmem:s21], [sflag:$0x2] =	stream.linear.gather [hbm4b:s5+s2], $0x80, $0x38;
	[tilespmem:$0x18C80] =	vst v63  }
0x35: {  	s22 =	sadd.s32 $0x10, s5;
	s23 =	simm.s32 $0xC280  }
0x36: {  	[tilespmem:s23], [sflag:$0x2] =	stream.linear.gather [hbm4b:s22+s2], $0x80, $0x38;
	[tilespmem:$0x18C80] =	vst v63  }
0x37: {  	s20 =	sadd.s32 $0x20, s5;
	s21 =	simm.s32 $0xC480  }
0x38: {  	[tilespmem:s21], [sflag:$0x2] =	stream.linear.gather [hbm4b:s20+s2], $0x80, $0x38;
	[tilespmem:$0x18C80] =	vst v63  }
0x39: {  	s22 =	sadd.s32 $0x30, s5;
	s23 =	simm.s32 $0xC680  }
0x3a: {  	[tilespmem:s23], [sflag:$0x2] =	stream.linear.gather [hbm4b:s22+s2], $0x80, $0x38;
	[tilespmem:$0x18C80] =	vst v63  }
0x3b: {  	s20 =	sadd.s32 $0x40, s5;
	s21 =	simm.s32 $0xC880  }
0x3c: {  	[tilespmem:s21], [sflag:$0x2] =	stream.linear.gather [hbm4b:s20+s2], $0x80, $0x38;
	[tilespmem:$0x18C80] =	vst v63  }
0x3d: {  	s22 =	sadd.s32 $0x50, s5;
	s23 =	simm.s32 $0xCA80  }
0x3e: {  	[tilespmem:s23], [sflag:$0x2] =	stream.linear.gather [hbm4b:s22+s2], $0x80, $0x38;
	[tilespmem:$0x18C80] =	vst v63  }
0x3f: {  	s19 =	simm.s32 $0xC100  }
0x40: {  	[tilespmem:s19], [sflag:$0x2] =	stream.linear.gather [hbm4b:s6+s2], $0x80, $0x38;
	[tilespmem:$0x18C80] =	vst v63  }
0x41: {  	s20 =	sadd.s32 $0x10, s6;
	s21 =	simm.s32 $0xC300  }
0x42: {  	[tilespmem:s21], [sflag:$0x2] =	stream.linear.gather [hbm4b:s20+s2], $0x80, $0x38;
	[tilespmem:$0x18C80] =	vst v63  }
0x43: {  	s22 =	sadd.s32 $0x20, s6;
	s23 =	simm.s32 $0xC500  }
0x44: {  	[tilespmem:s23], [sflag:$0x2] =	stream.linear.gather [hbm4b:s22+s2], $0x80, $0x38;
	[tilespmem:$0x18C80] =	vst v63  }
0x45: {  	s20 =	sadd.s32 $0x30, s6;
	s21 =	simm.s32 $0xC700  }
0x46: {  	[tilespmem:s21], [sflag:$0x2] =	stream.linear.gather [hbm4b:s20+s2], $0x80, $0x38;
	[tilespmem:$0x18C80] =	vst v63  }
0x47: {  	s22 =	sadd.s32 $0x40, s6;
	s23 =	simm.s32 $0xC900  }
0x48: {  	[tilespmem:s23], [sflag:$0x2] =	stream.linear.gather [hbm4b:s22+s2], $0x80, $0x38;
	[tilespmem:$0x18C80] =	vst v63  }
0x49: {  	s19 =	sadd.s32 $0x50, s6;
	s20 =	simm.s32 $0xCB00  }
0x4a: {  	[tilespmem:s20], [sflag:$0x2] =	stream.linear.gather [hbm4b:s19+s2], $0x80, $0x38;
	[tilespmem:$0x18C80] =	vst v63  }
0x4b: {  	s21 =	simm.s32 $0xC180  }
0x4c: {  	[tilespmem:s21], [sflag:$0x2] =	stream.linear.gather [hbm4b:s7+s2], $0x80, $0x38;
	[tilespmem:$0x18C80] =	vst v63  }
0x4d: {  	s22 =	sadd.s32 $0x10, s7;
	s23 =	simm.s32 $0xC380  }
0x4e: {  	[tilespmem:s23], [sflag:$0x2] =	stream.linear.gather [hbm4b:s22+s2], $0x80, $0x38;
	[tilespmem:$0x18C80] =	vst v63  }
0x4f: {  	s20 =	sadd.s32 $0x20, s7;
	s21 =	simm.s32 $0xC580  }
0x50: {  	[tilespmem:s21], [sflag:$0x2] =	stream.linear.gather [hbm4b:s20+s2], $0x80, $0x38;
	[tilespmem:$0x18C80] =	vst v63  }
0x51: {  	s22 =	sadd.s32 $0x30, s7;
	s23 =	simm.s32 $0xC780  }
0x52: {  	[tilespmem:s23], [sflag:$0x2] =	stream.linear.gather [hbm4b:s22+s2], $0x80, $0x38;
	[tilespmem:$0x18C80] =	vst v63  }
0x53: {  	s20 =	sadd.s32 $0x40, s7;
	s21 =	simm.s32 $0xC980  }
0x54: {  	[tilespmem:s21], [sflag:$0x2] =	stream.linear.gather [hbm4b:s20+s2], $0x80, $0x38;
	[tilespmem:$0x18C80] =	vst v63  }
0x55: {  	s22 =	sadd.s32 $0x50, s7;
	s23 =	simm.s32 $0xCB80  }
0x56: {  	[tilespmem:s23], [sflag:$0x2] =	stream.linear.gather [hbm4b:s22+s2], $0x80, $0x38;
	[tilespmem:$0x18C80] =	vst v63  }
0x57: {  	s20 =	simm.s32 $0xC200  }
0x58: {  	[tilespmem:s20], [sflag:$0x2] =	stream.linear.gather [hbm4b:s8+s2], $0x80, $0x38;
	[tilespmem:$0x18C80] =	vst v63  }
0x59: {  	s21 =	sadd.s32 $0x10, s8  }
0x5a: {  	[tilespmem:s24], [sflag:$0x2] =	stream.linear.gather [hbm4b:s21+s2], $0x80, $0x38;
	[tilespmem:$0x18C80] =	vst v63  }
0x5b: {  	s22 =	sadd.s32 $0x20, s8  }
0x5c: {  	[tilespmem:s25], [sflag:$0x2] =	stream.linear.gather [hbm4b:s22+s2], $0x80, $0x38;
	[tilespmem:$0x18C80] =	vst v63  }
0x5d: {  	s23 =	sadd.s32 $0x30, s8  }
0x5e: {  	[tilespmem:s26], [sflag:$0x2] =	stream.linear.gather [hbm4b:s23+s2], $0x80, $0x38;
	[tilespmem:$0x18C80] =	vst v63  }
0x5f: {  	s19 =	sadd.s32 $0x40, s8  }
0x60: {  	[tilespmem:s28], [sflag:$0x2] =	stream.linear.gather [hbm4b:s19+s2], $0x80, $0x38;
	[tilespmem:$0x18C80] =	vst v63  }
0x61: {  	s20 =	sadd.s32 $0x50, s8  }
0x62: {  	[tilespmem:s29], [sflag:$0x2] =	stream.linear.gather [hbm4b:s20+s2], $0x80, $0x38;
	[tilespmem:$0x18C80] =	vst v63  }
0x63: {  	_ =	swait.ge [sflag:s30], $0x1800  }
0x64: {  	[sflag:s30] =	ssyncset.done $0x0  }
0x65: {  	[sflag:s30] =	ssyncadd.s32 $0xFFFFE800  }
0x66: {  	_ =	swait.ge [sflag:s30], $0x1800  }
0x67: {  	[sflag:s30] =	ssyncset.done $0x0  }
0x68: {  	[sflag:s30] =	ssyncadd.s32 $0xFFFFE800  }
0x69: {  	_ =	swait.ge [sflag:s30], $0x1800  }
0x6a: {  	[sflag:s30] =	ssyncset.done $0x0  }
0x6b: {  	[sflag:s30] =	ssyncadd.s32 $0xFFFFE800  }
0x6c: {  	_ =	swait.ge [sflag:s30], $0x1800  }
0x6d: {  	[sflag:s30] =	ssyncset.done $0x0  }
0x6e: {  	[sflag:s30] =	ssyncadd.s32 $0xFFFFE800  }
0x6f: {  	_ =	swait.ge [sflag:s30], $0x1800  }
0x70: {  	[sflag:s30] =	ssyncset.done $0x0  }
0x71: {  	[sflag:s30] =	ssyncadd.s32 $0xFFFFE800  }
0x72: {  	_ =	swait.ge [sflag:s30], $0x1800  }
0x73: {  	[sflag:s30] =	ssyncset.done $0x0  }
0x74: {  	[sflag:s30] =	ssyncadd.s32 $0xFFFFE800  }
0x75: {  	_ =	swait.ge [sflag:s30], $0x1800  }
0x76: {  	[sflag:s30] =	ssyncset.done $0x0  }
0x77: {  	[sflag:s30] =	ssyncadd.s32 $0xFFFFE800  }
0x78: {  	_ =	swait.ge [sflag:s30], $0x1800  }
0x79: {  	[sflag:s30] =	ssyncset.done $0x0  }
0x7a: {  	[sflag:s30] =	ssyncadd.s32 $0xFFFFE800  }
0x7b: {  	_ =	swait.ge [sflag:s31], $0x300  }
0x7c: {  	[sflag:s31] =	ssyncset.done $0x0  }
0x7d: {  	[sflag:s31] =	ssyncadd.s32 $0xFFFFFD00  }
0x7e: {  	_ =	swait.ge [sflag:s31], $0x300  }
0x7f: {  	[sflag:s31] =	ssyncset.done $0x0  }
0x80: {  	[sflag:s31] =	ssyncadd.s32 $0xFFFFFD00  }
0x81: {  	_ =	swait.ge [sflag:s31], $0x300  }
0x82: {  	[sflag:s31] =	ssyncset.done $0x0  }
0x83: {  	[sflag:s31] =	ssyncadd.s32 $0xFFFFFD00  }
0x84: {  	s21 =	simm.s32 $0x0;
	_ =	swait.ge [sflag:s31], $0x300  }
0x85: {  	s18 =	sand.u32 $0xFFFFFC00, s21;
	s22 =	sand.u32 $0x70, s2;
	[sflag:s31] =	ssyncset.done $0x0  }
0x86: {  	s18 =	sor.u32 s22, s18;
	[sflag:s31] =	ssyncadd.s32 $0xFFFFFD00  }
0x87: {  	v0 =	vld [tilespmem:s18+$0x80]  }
0x88: {  	v1 =	vld [tilespmem:s18+$0x100]  }
0x89: {  	v2 =	vld [tilespmem:s18+$0x180]  }
0x8a: {  	v3 =	vld [tilespmem:s18+$0x200]  }
0x8b: {  	s20 =	simm.s32 $0x0;
	v4 =	vld [tilespmem:s18+$0x280]  }
0x8c: {  	s20 =	sand.u32 $0x3FFFFE00, s20;
	v5 =	vld [tilespmem:s18+$0x6080]  }
0x8d: {  	s19 =	sor.u32 s22, s20;
	v6 =	vld [tilespmem:s18+$0x6100]  }
0x8e: {  	v13 =	vld [tilespmem:s19+$0xC080]  }
0x8f: {  	v7 =	vld [tilespmem:s18+$0x6180]  }
0x90: {  	v8 =	vld [tilespmem:s18+$0x6200]  }
0x91: {  	v9 =	vld [tilespmem:s18+$0x6280]  }
0x92: {  	v10 =	vld [tilespmem:s18+$0x7880]  }
0x93: {  	v11 =	vld [tilespmem:s18+$0x7900];
	v0 =	vadd.f32 v0, v13  }
0x94: {  	v12 =	vld [tilespmem:s18+$0x7980];
	v1 =	vadd.f32 v1, v13  }
0x95: {  	v14 =	vld [tilespmem:s18+$0x7A00];
	[tilespmem:s18+$0xCC80] =	vst v0;
	v0 =	vadd.f32 v2, v13  }
0x96: {  	v15 =	vld [tilespmem:s18+$0x7A80];
	[tilespmem:s18+$0xCD00] =	vst v1;
	v1 =	vadd.f32 v3, v13  }
0x97: {  	v16 =	vld [tilespmem:s18+$0x9080];
	v2 =	vadd.f32 v8, v13;
	[tilespmem:s18+$0xCD80] =	vst v0  }
0x98: {  	v17 =	vld [tilespmem:s18+$0x9100];
	v0 =	vadd.f32 v4, v13;
	[tilespmem:s18+$0xCE00] =	vst v1  }
0x99: {  	v18 =	vld [tilespmem:s18+$0x9180];
	v1 =	vadd.f32 v5, v13;
	[tilespmem:s18+$0xE480] =	vst v2  }
0x9a: {  	v19 =	vld [tilespmem:s18+$0x9200];
	v2 =	vadd.f32 v11, v13;
	[tilespmem:s18+$0xCE80] =	vst v0  }
0x9b: {  	v20 =	vld [tilespmem:s18+$0x9280];
	[tilespmem:s18+$0xCF00] =	vst v1;
	v1 =	vadd.f32 v7, v13  }
0x9c: {  	v21 =	vld [tilespmem:s18+$0xA880];
	v0 =	vadd.f32 v6, v13;
	[tilespmem:s18+$0xE600] =	vst v2  }
0x9d: {  	v22 =	vld [tilespmem:s18+$0xA900];
	[tilespmem:s18+$0xD000] =	vst v1;
	v1 =	vadd.f32 v10, v13  }
0x9e: {  	s23 =	simm.s32 $0x80;
	v23 =	vld [tilespmem:s18+$0xA980];
	s19 =	simm.s32 $0x10;
	[tilespmem:s18+$0xCF80] =	vst v0;
	v0 =	vadd.f32 v9, v13  }
0x9f: {  	s20 =	sand.u32 $0xFFFFFC00, s23;
	v24 =	vld [tilespmem:s18+$0xAA00];
	s22 =	sand.u32 $0x70, s19;
	[tilespmem:s18+$0xE580] =	vst v1;
	v1 =	vadd.f32 v12, v13  }
0xa0: {  	v25 =	vld [tilespmem:s18+$0xAA80];
	s20 =	sor.u32 s22, s20;
	v2 =	vadd.f32 v14, v13;
	[tilespmem:s18+$0xE500] =	vst v0  }
0xa1: {  	v3 =	vadd.f32 v15, v13;
	v0 =	vld [tilespmem:s20+$0x80];
	[tilespmem:s18+$0xE680] =	vst v1  }
0xa2: {  	v5 =	vadd.f32 v16, v13;
	v1 =	vld [tilespmem:s20+$0x100];
	[tilespmem:s18+$0xE700] =	vst v2  }
0xa3: {  	v6 =	vadd.f32 v17, v13;
	v2 =	vld [tilespmem:s20+$0x180];
	[tilespmem:s18+$0xE780] =	vst v3  }
0xa4: {  	v4 =	vld [tilespmem:s20+$0x200];
	[tilespmem:s18+$0xE800] =	vst v5;
	v5 =	vadd.f32 v18, v13  }
0xa5: {  	v7 =	vadd.f32 v19, v13;
	v3 =	vld [tilespmem:s20+$0x280];
	[tilespmem:s18+$0xFC80] =	vst v6  }
0xa6: {  	v8 =	vadd.f32 v20, v13;
	v6 =	vld [tilespmem:s20+$0x6080];
	[tilespmem:s18+$0xFD00] =	vst v5  }
0xa7: {  	v9 =	vadd.f32 v21, v13;
	v5 =	vld [tilespmem:s20+$0x6100];
	[tilespmem:s18+$0xFD80] =	vst v7  }
0xa8: {  	v10 =	vadd.f32 v22, v13;
	v7 =	vld [tilespmem:s20+$0x6180];
	[tilespmem:s18+$0xFE00] =	vst v8  }
0xa9: {  	v14 =	vadd.f32 v23, v13;
	v8 =	vld [tilespmem:s20+$0x6200];
	[tilespmem:s18+$0xFE80] =	vst v9  }
0xaa: {  	v12 =	vadd.f32 v24, v13;
	v9 =	vld [tilespmem:s20+$0x6280];
	[tilespmem:s18+$0xFF00] =	vst v10  }
0xab: {  	s21 =	simm.s32 $0x2;
	s23 =	simm.s32 $0x40;
	v11 =	vadd.f32 v25, v13;
	v10 =	vld [tilespmem:s20+$0x7880];
	[tilespmem:s18+$0xFF80] =	vst v14  }
.LBB2_2:
0xac: {  	p0 =	sne.s32 s21, $0x2F;
	s23 =	sand.u32 $0x3FFFFE00, s23;
	v13 =	vld [tilespmem:s20+$0x7900];
	[tilespmem:s18+$0x10000] =	vst v12  }
0xad: {  	s22 =	sor.u32 s22, s23;
	v12 =	vld [tilespmem:s20+$0x7980];
	[tilespmem:s18+$0x11480] =	vst v11;
	s18 =	smov.u32 s20  }
0xae: {  	v11 =	vld [tilespmem:s22+$0xC080]  }
0xaf: {  	v14 =	vld [tilespmem:s18+$0x7A00]  }
0xb0: {  	v15 =	vld [tilespmem:s18+$0x7A80]  }
0xb1: {  	v16 =	vld [tilespmem:s18+$0x9080]  }
0xb2: {  	v17 =	vld [tilespmem:s18+$0x9100]  }
0xb3: {  	v0 =	vadd.f32 v0, v11;
	v1 =	vadd.f32 v1, v11;
	v18 =	vld [tilespmem:s18+$0x9180]  }
0xb4: {  	v2 =	vadd.f32 v2, v11;
	v4 =	vadd.f32 v4, v11;
	v19 =	vld [tilespmem:s18+$0x9200]  }
0xb5: {  	[tilespmem:s18+$0xCC80] =	vst v0;
	v0 =	vadd.f32 v3, v11;
	v3 =	vadd.f32 v6, v11;
	v6 =	vld [tilespmem:s18+$0x9280]  }
0xb6: {  	[tilespmem:s18+$0xCD00] =	vst v1;
	v1 =	vadd.f32 v5, v11;
	v5 =	vadd.f32 v7, v11;
	v7 =	vld [tilespmem:s18+$0xA880]  }
0xb7: {  	[tilespmem:s18+$0xCD80] =	vst v2;
	v2 =	vadd.f32 v8, v11;
	v8 =	vadd.f32 v9, v11;
	v9 =	vld [tilespmem:s18+$0xA900]  }
0xb8: {  	[tilespmem:s18+$0xCE00] =	vst v4;
	v4 =	vadd.f32 v10, v11;
	v10 =	vadd.f32 v13, v11;
	v13 =	vld [tilespmem:s18+$0xA980]  }
0xb9: {  	v20 =	vadd.f32 v12, v11;
	v14 =	vadd.f32 v14, v11;
	[tilespmem:s18+$0xCE80] =	vst v0;
	v0 =	vld [tilespmem:s18+$0xAA00]  }
0xba: {  	[tilespmem:s18+$0xCF00] =	vst v3;
	v3 =	vadd.f32 v15, v11;
	v15 =	vadd.f32 v16, v11;
	v16 =	vld [tilespmem:s18+$0xAA80]  }
0xbb: {  	v17 =	vadd.f32 v17, v11;
	v18 =	vadd.f32 v18, v11;
	[tilespmem:s18+$0xCF80] =	vst v1  }
0xbc: {  	v19 =	vadd.f32 v19, v11;
	v21 =	vadd.f32 v6, v11;
	[tilespmem:s18+$0xD000] =	vst v5  }
0xbd: {  	v22 =	vadd.f32 v7, v11;
	v23 =	vadd.f32 v9, v11;
	[tilespmem:s18+$0xE480] =	vst v2  }
0xbe: {  	s19 =	sadd.s32 $0x10, s19;
	s20 =	sshll.u32 s21, $0x7;
	v13 =	vadd.f32 v13, v11;
	[tilespmem:s18+$0xE500] =	vst v8;
	v12 =	vadd.f32 v0, v11  }
0xbf: {  	s22 =	sand.u32 $0x70, s19;
	s20 =	sand.u32 $0xFFFFFC00, s20;
	[tilespmem:s18+$0xE580] =	vst v4;
	v11 =	vadd.f32 v16, v11  }
0xc0: {  	s20 =	sor.u32 s22, s20;
	[tilespmem:s18+$0xE600] =	vst v10  }
0xc1: {  	v0 =	vld [tilespmem:s20+$0x80];
	[tilespmem:s18+$0xE680] =	vst v20  }
0xc2: {  	v1 =	vld [tilespmem:s20+$0x100];
	[tilespmem:s18+$0xE700] =	vst v14  }
0xc3: {  	v2 =	vld [tilespmem:s20+$0x180];
	[tilespmem:s18+$0xE780] =	vst v3  }
0xc4: {  	v4 =	vld [tilespmem:s20+$0x200];
	[tilespmem:s18+$0xE800] =	vst v15  }
0xc5: {  	v3 =	vld [tilespmem:s20+$0x280];
	[tilespmem:s18+$0xFC80] =	vst v17  }
0xc6: {  	v6 =	vld [tilespmem:s20+$0x6080];
	[tilespmem:s18+$0xFD00] =	vst v18  }
.Ltmp0:
0xc7: {  	v5 =	vld [tilespmem:s20+$0x6100];
	[tilespmem:s18+$0xFD80] =	vst v19;
	(pc) =	sbr.rel @p0 .LBB2_2-.Ltmp0, $4  }
0xc8: {  	v7 =	vld [tilespmem:s20+$0x6180];
	[tilespmem:s18+$0xFE00] =	vst v21  }
0xc9: {  	v8 =	vld [tilespmem:s20+$0x6200];
	[tilespmem:s18+$0xFE80] =	vst v22  }
0xca: {  	v9 =	vld [tilespmem:s20+$0x6280];
	[tilespmem:s18+$0xFF00] =	vst v23  }
0xcb: {  	s23 =	sshll.u32 s21, $0x6;
	s21 =	sadd.s32 $0x1, s21;
	v10 =	vld [tilespmem:s20+$0x7880];
	[tilespmem:s18+$0xFF80] =	vst v13  }
0xcc: {  	v13 =	vld [tilespmem:s20+$0x7900];
	[tilespmem:s18+$0x10000] =	vst v12;
	s19 =	sand.u32 $0x3FFFFE00, s23  }
0xcd: {  	v12 =	vld [tilespmem:s20+$0x7980];
	s19 =	sor.u32 s22, s19;
	[tilespmem:s18+$0x11480] =	vst v11  }
0xce: {  	v11 =	vld [tilespmem:s19+$0xC080];
	_ =	sdelay $0x4  }
0xcf: {  	v0 =	vadd.f32 v0, v11  }
0xd0: {  	v1 =	vadd.f32 v1, v11  }
0xd1: {  	v2 =	vadd.f32 v2, v11;
	[tilespmem:s20+$0xCC80] =	vst v0  }
0xd2: {  	v4 =	vadd.f32 v4, v11;
	[tilespmem:s20+$0xCD00] =	vst v1  }
0xd3: {  	v3 =	vadd.f32 v3, v11;
	[tilespmem:s20+$0xCD80] =	vst v2  }
0xd4: {  	v6 =	vadd.f32 v6, v11;
	[tilespmem:s20+$0xCE00] =	vst v4  }
0xd5: {  	v5 =	vadd.f32 v5, v11;
	[tilespmem:s20+$0xCE80] =	vst v3  }
0xd6: {  	v8 =	vadd.f32 v8, v11;
	[tilespmem:s20+$0xCF00] =	vst v6  }
0xd7: {  	v15 =	vld [tilespmem:s20+$0x7A80];
	v6 =	vadd.f32 v7, v11;
	[tilespmem:s20+$0xCF80] =	vst v5  }
0xd8: {  	v14 =	vld [tilespmem:s20+$0x7A00];
	v5 =	vadd.f32 v9, v11;
	[tilespmem:s20+$0xE480] =	vst v8  }
0xd9: {  	v16 =	vld [tilespmem:s20+$0x9080];
	v8 =	vadd.f32 v13, v11;
	[tilespmem:s20+$0xD000] =	vst v6  }
0xda: {  	v18 =	vld [tilespmem:s20+$0x9180];
	v6 =	vadd.f32 v10, v11;
	[tilespmem:s20+$0xE500] =	vst v5  }
0xdb: {  	v0 =	vld [tilespmem:s20+$0x9280];
	v5 =	vadd.f32 v12, v11;
	[tilespmem:s20+$0xE600] =	vst v8  }
0xdc: {  	v1 =	vld [tilespmem:s20+$0xA880];
	v8 =	vadd.f32 v15, v11;
	[tilespmem:s20+$0xE580] =	vst v6  }
0xdd: {  	v2 =	vld [tilespmem:s20+$0xA900];
	v6 =	vadd.f32 v14, v11;
	[tilespmem:s20+$0xE680] =	vst v5  }
0xde: {  	v17 =	vld [tilespmem:s20+$0x9100];
	v5 =	vadd.f32 v16, v11;
	[tilespmem:s20+$0xE780] =	vst v8  }
0xdf: {  	v19 =	vld [tilespmem:s20+$0x9200];
	v8 =	vadd.f32 v18, v11;
	[tilespmem:s20+$0xE700] =	vst v6  }
0xe0: {  	v4 =	vld [tilespmem:s20+$0xA980];
	v0 =	vadd.f32 v0, v11;
	[tilespmem:s20+$0xE800] =	vst v5  }
0xe1: {  	v3 =	vld [tilespmem:s20+$0xAA00];
	v1 =	vadd.f32 v1, v11;
	[tilespmem:s20+$0xFD00] =	vst v8  }
0xe2: {  	v7 =	vld [tilespmem:s20+$0xAA80];
	v2 =	vadd.f32 v2, v11;
	[tilespmem:s20+$0xFE00] =	vst v0  }
0xe3: {  	v6 =	vadd.f32 v17, v11;
	[tilespmem:s20+$0xFE80] =	vst v1  }
0xe4: {  	v5 =	vadd.f32 v19, v11;
	[tilespmem:s20+$0xFF00] =	vst v2  }
0xe5: {  	v0 =	vadd.f32 v4, v11;
	[tilespmem:s20+$0xFC80] =	vst v6  }
0xe6: {  	v1 =	vadd.f32 v3, v11;
	[tilespmem:s20+$0xFD80] =	vst v5  }
0xe7: {  	v2 =	vadd.f32 v7, v11;
	[tilespmem:s20+$0xFF80] =	vst v0  }
0xe8: {  	[tilespmem:s20+$0x10000] =	vst v1  }
0xe9: {  	s19 =	simm.s32 $0x0;
	[tilespmem:s20+$0x11480] =	vst v2;
	s20 =	simm.s32 $0x0  }
0xea: {  	[hbm4b:s9+s19] =	stream.linear.scatter [tilespmem:s1], [sflag:$0x3], $0x6000, $0x38;
	[tilespmem:$0x18C80] =	vst v63  }
0xeb: {  	s22 =	simm.s32 $0x0;
	s21 =	sand.u32 $0x70, s19;
	s18 =	sand.u32 $0xFFFFFC00, s20  }
0xec: {  	s20 =	sand.u32 $0x3FFFFE00, s22;
	s18 =	sor.u32 s21, s18  }
0xed: {  	s20 =	sor.u32 s21, s20;
	v1 =	vld [tilespmem:s18+$0x1900]  }
0xee: {  	v0 =	vld [tilespmem:s20+$0xC100];
	_ =	sdelay $0x4  }
0xef: {  	v1 =	vadd.f32 v1, v0  }
0xf0: {  	s23 =	sadd.s32 $0x12C80, s18  }
0xf1: {  	v2 =	vld [tilespmem:s18+$0x1880];
	[tilespmem:s23+$0x80] =	vst v1  }
0xf2: {  	v1 =	vld [tilespmem:s18+$0x1980];
	_ =	sdelay $0x4  }
0xf3: {  	v1 =	vadd.f32 v1, v0;
	_ =	sdelay $0x1  }
0xf4: {  	[tilespmem:s23+$0x100] =	vst v1  }
0xf5: {  	v1 =	vld [tilespmem:s18+$0x1A00];
	_ =	sdelay $0x4  }
0xf6: {  	v1 =	vadd.f32 v1, v0;
	_ =	sdelay $0x1  }
0xf7: {  	[tilespmem:s23+$0x180] =	vst v1  }
0xf8: {  	v1 =	vld [tilespmem:s18+$0x1A80];
	_ =	sdelay $0x4  }
0xf9: {  	v1 =	vadd.f32 v1, v0;
	_ =	sdelay $0x1  }
0xfa: {  	[tilespmem:s23+$0x200] =	vst v1  }
0xfb: {  	v1 =	vld [tilespmem:s18+$0x6080];
	_ =	sdelay $0x4  }
0xfc: {  	v1 =	vadd.f32 v1, v0;
	_ =	sdelay $0x1  }
0xfd: {  	[tilespmem:s23+$0x280] =	vst v1  }
0xfe: {  	v1 =	vld [tilespmem:s18+$0x6100];
	_ =	sdelay $0x4  }
0xff: {  	v1 =	vadd.f32 v1, v0;
	_ =	sdelay $0x1  }
0x100: {  	[tilespmem:s23+$0x300] =	vst v1  }
0x101: {  	v1 =	vld [tilespmem:s18+$0x6180];
	_ =	sdelay $0x4  }
0x102: {  	v1 =	vadd.f32 v1, v0  }
0x103: {  	v2 =	vadd.f32 v2, v0  }
0x104: {  	[tilespmem:s23+$0x380] =	vst v1  }
0x105: {  	[tilespmem:s18+$0x12C80] =	vst v2;
	v2 =	vld [tilespmem:s18+$0x6200]  }
0x106: {  	v1 =	vld [tilespmem:s18+$0x6280]  }
0x107: {  	v5 =	vld [tilespmem:s18+$0x7880]  }
0x108: {  	v4 =	vld [tilespmem:s18+$0x7900]  }
0x109: {  	v3 =	vld [tilespmem:s18+$0x7980]  }
0x10a: {  	s20 =	simm.s32 $0x1;
	v6 =	vadd.f32 v2, v0;
	v2 =	vld [tilespmem:s18+$0x7A00]  }
.LBB2_4:
0x10b: {  	p0 =	sne.s32 s20, $0x2F  }
0x10c: {  	v7 =	vld [tilespmem:s18+$0x7A80];
	s19 =	sadd.s32 $0x10, s19;
	s21 =	smov.u32 s20;
	s20 =	sadd.s32 $0x1, s20  }
0x10d: {  	[tilespmem:s18+$0x14480] =	vst v6;
	v5 =	vadd.f32 v5, v0;
	v6 =	vld [tilespmem:s18+$0x9080]  }
0x10e: {  	v4 =	vadd.f32 v4, v0;
	v8 =	vld [tilespmem:s18+$0x9100]  }
0x10f: {  	[tilespmem:s18+$0x14580] =	vst v5;
	v3 =	vadd.f32 v3, v0;
	v5 =	vld [tilespmem:s18+$0x9180]  }
0x110: {  	[tilespmem:s18+$0x14600] =	vst v4;
	v2 =	vadd.f32 v2, v0;
	v4 =	vld [tilespmem:s18+$0x9200]  }
0x111: {  	[tilespmem:s18+$0x14680] =	vst v3;
	v3 =	vadd.f32 v7, v0;
	v7 =	vld [tilespmem:s18+$0x9280]  }
0x112: {  	[tilespmem:s18+$0x14700] =	vst v2;
	v2 =	vadd.f32 v6, v0;
	v6 =	vld [tilespmem:s18+$0xA880]  }
0x113: {  	[tilespmem:s18+$0x14780] =	vst v3;
	v3 =	vadd.f32 v8, v0;
	v8 =	vld [tilespmem:s18+$0xA900]  }
0x114: {  	[tilespmem:s18+$0x14800] =	vst v2;
	v2 =	vadd.f32 v5, v0;
	v5 =	vld [tilespmem:s18+$0xA980]  }
0x115: {  	[tilespmem:s18+$0x15C80] =	vst v3;
	v3 =	vadd.f32 v4, v0;
	v4 =	vld [tilespmem:s18+$0xAA00]  }
0x116: {  	[tilespmem:s18+$0x15D00] =	vst v2;
	v2 =	vadd.f32 v7, v0;
	v7 =	vld [tilespmem:s18+$0xAA80]  }
0x117: {  	[tilespmem:s18+$0x15D80] =	vst v3;
	v3 =	vadd.f32 v6, v0  }
0x118: {  	[tilespmem:s18+$0x15E00] =	vst v2;
	v2 =	vadd.f32 v8, v0  }
0x119: {  	[tilespmem:s18+$0x15E80] =	vst v3;
	v3 =	vadd.f32 v5, v0  }
0x11a: {  	[tilespmem:s18+$0x15F00] =	vst v2;
	v2 =	vadd.f32 v4, v0  }
0x11b: {  	v1 =	vadd.f32 v1, v0;
	s22 =	sshll.u32 s21, $0x6;
	s21 =	sshll.u32 s21, $0x7;
	[tilespmem:s18+$0x15F80] =	vst v3;
	v0 =	vadd.f32 v7, v0  }
0x11c: {  	s23 =	sand.u32 $0x70, s19;
	s22 =	sand.u32 $0x3FFFFE00, s22;
	s21 =	sand.u32 $0xFFFFFC00, s21;
	[tilespmem:s18+$0x16000] =	vst v2  }
0x11d: {  	s22 =	sor.u32 s23, s22;
	s21 =	sor.u32 s23, s21;
	[tilespmem:s18+$0x14500] =	vst v1  }
0x11e: {  	v1 =	vld [tilespmem:s21+$0x1900];
	[tilespmem:s18+$0x17480] =	vst v0;
	s18 =	smov.u32 s21  }
0x11f: {  	v0 =	vld [tilespmem:s22+$0xC100];
	_ =	sdelay $0x4  }
0x120: {  	v1 =	vadd.f32 v1, v0  }
0x121: {  	s21 =	sadd.s32 $0x12C80, s18;
	v2 =	vld [tilespmem:s18+$0x1880]  }
0x122: {  	[tilespmem:s21+$0x80] =	vst v1  }
0x123: {  	v1 =	vld [tilespmem:s18+$0x1980];
	_ =	sdelay $0x2  }
0x124: {  	v2 =	vadd.f32 v2, v0;
	_ =	sdelay $0x1  }
0x125: {  	[tilespmem:s18+$0x12C80] =	vst v2;
	v1 =	vadd.f32 v1, v0;
	_ =	sdelay $0x1  }
0x126: {  	[tilespmem:s21+$0x100] =	vst v1  }
0x127: {  	v1 =	vld [tilespmem:s18+$0x1A00];
	_ =	sdelay $0x4  }
0x128: {  	v1 =	vadd.f32 v1, v0;
	_ =	sdelay $0x1  }
0x129: {  	[tilespmem:s21+$0x180] =	vst v1  }
0x12a: {  	v1 =	vld [tilespmem:s18+$0x1A80];
	_ =	sdelay $0x4  }
0x12b: {  	v1 =	vadd.f32 v1, v0;
	_ =	sdelay $0x1  }
0x12c: {  	[tilespmem:s21+$0x200] =	vst v1  }
0x12d: {  	v1 =	vld [tilespmem:s18+$0x6080];
	_ =	sdelay $0x4  }
0x12e: {  	v1 =	vadd.f32 v1, v0;
	_ =	sdelay $0x1  }
0x12f: {  	[tilespmem:s21+$0x280] =	vst v1  }
0x130: {  	v1 =	vld [tilespmem:s18+$0x6100];
	_ =	sdelay $0x4  }
0x131: {  	v1 =	vadd.f32 v1, v0;
	_ =	sdelay $0x1  }
0x132: {  	[tilespmem:s21+$0x300] =	vst v1  }
0x133: {  	v1 =	vld [tilespmem:s18+$0x6180];
	_ =	sdelay $0x4  }
0x134: {  	v1 =	vadd.f32 v1, v0;
	_ =	sdelay $0x1  }
0x135: {  	[tilespmem:s21+$0x380] =	vst v1  }
0x136: {  	v2 =	vld [tilespmem:s18+$0x6200]  }
.Ltmp1:
0x137: {  	v1 =	vld [tilespmem:s18+$0x6280];
	(pc) =	sbr.rel @p0 .LBB2_4-.Ltmp1, $4  }
0x138: {  	v5 =	vld [tilespmem:s18+$0x7880]  }
0x139: {  	v4 =	vld [tilespmem:s18+$0x7900]  }
0x13a: {  	v3 =	vld [tilespmem:s18+$0x7980]  }
0x13b: {  	v6 =	vadd.f32 v2, v0;
	v2 =	vld [tilespmem:s18+$0x7A00]  }
0x13c: {  	v7 =	vld [tilespmem:s18+$0x7A80];
	v1 =	vadd.f32 v1, v0  }
0x13d: {  	[tilespmem:s18+$0x14480] =	vst v6;
	v5 =	vadd.f32 v5, v0;
	v6 =	vld [tilespmem:s18+$0x9080]  }
0x13e: {  	v8 =	vld [tilespmem:s18+$0x9100];
	v4 =	vadd.f32 v4, v0;
	[tilespmem:s18+$0x14500] =	vst v1  }
0x13f: {  	[tilespmem:s18+$0x14580] =	vst v5;
	v5 =	vld [tilespmem:s18+$0x9180];
	v3 =	vadd.f32 v3, v0  }
0x140: {  	[tilespmem:s18+$0x14600] =	vst v4;
	v4 =	vld [tilespmem:s18+$0x9200];
	v2 =	vadd.f32 v2, v0  }
0x141: {  	[tilespmem:s18+$0x14680] =	vst v3;
	v3 =	vld [tilespmem:s18+$0x9280];
	v7 =	vadd.f32 v7, v0  }
0x142: {  	[tilespmem:s18+$0x14700] =	vst v2;
	v2 =	vld [tilespmem:s18+$0xA880];
	v6 =	vadd.f32 v6, v0  }
0x143: {  	v8 =	vadd.f32 v8, v0;
	[tilespmem:s18+$0x14780] =	vst v7;
	v7 =	vld [tilespmem:s18+$0xA900]  }
0x144: {  	[tilespmem:s18+$0x14800] =	vst v6;
	v6 =	vld [tilespmem:s18+$0xA980];
	v5 =	vadd.f32 v5, v0  }
0x145: {  	[tilespmem:s18+$0x15C80] =	vst v8;
	v8 =	vld [tilespmem:s18+$0xAA00];
	v4 =	vadd.f32 v4, v0  }
0x146: {  	[tilespmem:s18+$0x15D00] =	vst v5;
	v3 =	vadd.f32 v3, v0;
	v5 =	vld [tilespmem:s18+$0xAA80]  }
0x147: {  	[tilespmem:s18+$0x15D80] =	vst v4;
	v2 =	vadd.f32 v2, v0  }
0x148: {  	[tilespmem:s18+$0x15E00] =	vst v3;
	v3 =	vadd.f32 v7, v0  }
0x149: {  	[tilespmem:s18+$0x15E80] =	vst v2;
	v2 =	vadd.f32 v6, v0  }
0x14a: {  	[tilespmem:s18+$0x15F00] =	vst v3;
	v3 =	vadd.f32 v8, v0  }
0x14b: {  	[tilespmem:s18+$0x15F80] =	vst v2;
	v0 =	vadd.f32 v5, v0  }
0x14c: {  	[tilespmem:s18+$0x16000] =	vst v3  }
0x14d: {  	s20 =	simm.s32 $0x0;
	[tilespmem:s18+$0x17480] =	vst v0  }
0x14e: {  	[hbm4b:s10+s20] =	stream.linear.scatter [tilespmem:s0], [sflag:$0x4], $0x6000, $0x38;
	[tilespmem:$0x18C80] =	vst v63  }
0x14f: {  	s19 =	simm.s32 $0x0;
	_ =	swait.ge [sflag:s15], $0x6000  }
0x150: {  	s21 =	sand.u32 $0xFFFFFC00, s19;
	s20 =	sand.u32 $0x70, s20;
	[sflag:s15] =	ssyncset.done $0x0  }
0x151: {  	s18 =	sor.u32 s20, s21;
	[sflag:s15] =	ssyncadd.s32 $0xFFFFA000  }
0x152: {  	v0 =	vld [tilespmem:s18+$0x3080]  }
0x153: {  	v1 =	vld [tilespmem:s18+$0x3100]  }
0x154: {  	v2 =	vld [tilespmem:s18+$0x3180]  }
0x155: {  	v3 =	vld [tilespmem:s18+$0x3200]  }
0x156: {  	s22 =	simm.s32 $0x0;
	v4 =	vld [tilespmem:s18+$0x3280]  }
0x157: {  	s19 =	sand.u32 $0x3FFFFE00, s22;
	v5 =	vld [tilespmem:s18+$0x6080]  }
0x158: {  	s19 =	sor.u32 s20, s19;
	v6 =	vld [tilespmem:s18+$0x6100]  }
0x159: {  	v13 =	vld [tilespmem:s19+$0xC180]  }
0x15a: {  	v7 =	vld [tilespmem:s18+$0x6180]  }
0x15b: {  	v8 =	vld [tilespmem:s18+$0x6200]  }
0x15c: {  	v9 =	vld [tilespmem:s18+$0x6280]  }
0x15d: {  	v10 =	vld [tilespmem:s18+$0x7880]  }
0x15e: {  	v11 =	vld [tilespmem:s18+$0x7900];
	v0 =	vadd.f32 v0, v13  }
0x15f: {  	v12 =	vld [tilespmem:s18+$0x7980];
	v1 =	vadd.f32 v1, v13  }
0x160: {  	v14 =	vld [tilespmem:s18+$0x7A00];
	[tilespmem:s18+$0xCC80] =	vst v0;
	v0 =	vadd.f32 v2, v13  }
0x161: {  	v15 =	vld [tilespmem:s18+$0x7A80];
	[tilespmem:s18+$0xCD00] =	vst v1;
	v1 =	vadd.f32 v3, v13  }
0x162: {  	v16 =	vld [tilespmem:s18+$0x9080];
	v2 =	vadd.f32 v8, v13;
	[tilespmem:s18+$0xCD80] =	vst v0  }
0x163: {  	v17 =	vld [tilespmem:s18+$0x9100];
	v0 =	vadd.f32 v4, v13;
	[tilespmem:s18+$0xCE00] =	vst v1  }
0x164: {  	v18 =	vld [tilespmem:s18+$0x9180];
	v1 =	vadd.f32 v5, v13;
	[tilespmem:s18+$0xE480] =	vst v2  }
0x165: {  	v19 =	vld [tilespmem:s18+$0x9200];
	v2 =	vadd.f32 v11, v13;
	[tilespmem:s18+$0xCE80] =	vst v0  }
0x166: {  	v20 =	vld [tilespmem:s18+$0x9280];
	[tilespmem:s18+$0xCF00] =	vst v1;
	v1 =	vadd.f32 v7, v13  }
0x167: {  	v21 =	vld [tilespmem:s18+$0xA880];
	v0 =	vadd.f32 v6, v13;
	[tilespmem:s18+$0xE600] =	vst v2  }
0x168: {  	v22 =	vld [tilespmem:s18+$0xA900];
	[tilespmem:s18+$0xD000] =	vst v1;
	v1 =	vadd.f32 v10, v13  }
0x169: {  	s23 =	simm.s32 $0x80;
	v23 =	vld [tilespmem:s18+$0xA980];
	s19 =	simm.s32 $0x10;
	[tilespmem:s18+$0xCF80] =	vst v0;
	v0 =	vadd.f32 v9, v13  }
0x16a: {  	s20 =	sand.u32 $0xFFFFFC00, s23;
	v24 =	vld [tilespmem:s18+$0xAA00];
	s22 =	sand.u32 $0x70, s19;
	[tilespmem:s18+$0xE580] =	vst v1;
	v1 =	vadd.f32 v12, v13  }
0x16b: {  	v25 =	vld [tilespmem:s18+$0xAA80];
	s20 =	sor.u32 s22, s20;
	v2 =	vadd.f32 v14, v13;
	[tilespmem:s18+$0xE500] =	vst v0  }
0x16c: {  	v3 =	vadd.f32 v15, v13;
	v0 =	vld [tilespmem:s20+$0x3080];
	[tilespmem:s18+$0xE680] =	vst v1  }
0x16d: {  	v5 =	vadd.f32 v16, v13;
	v1 =	vld [tilespmem:s20+$0x3100];
	[tilespmem:s18+$0xE700] =	vst v2  }
0x16e: {  	v6 =	vadd.f32 v17, v13;
	v2 =	vld [tilespmem:s20+$0x3180];
	[tilespmem:s18+$0xE780] =	vst v3  }
0x16f: {  	v4 =	vld [tilespmem:s20+$0x3200];
	[tilespmem:s18+$0xE800] =	vst v5;
	v5 =	vadd.f32 v18, v13  }
0x170: {  	v7 =	vadd.f32 v19, v13;
	v3 =	vld [tilespmem:s20+$0x3280];
	[tilespmem:s18+$0xFC80] =	vst v6  }
0x171: {  	v8 =	vadd.f32 v20, v13;
	v6 =	vld [tilespmem:s20+$0x6080];
	[tilespmem:s18+$0xFD00] =	vst v5  }
0x172: {  	v9 =	vadd.f32 v21, v13;
	v5 =	vld [tilespmem:s20+$0x6100];
	[tilespmem:s18+$0xFD80] =	vst v7  }
0x173: {  	v10 =	vadd.f32 v22, v13;
	v7 =	vld [tilespmem:s20+$0x6180];
	[tilespmem:s18+$0xFE00] =	vst v8  }
0x174: {  	v14 =	vadd.f32 v23, v13;
	v8 =	vld [tilespmem:s20+$0x6200];
	[tilespmem:s18+$0xFE80] =	vst v9  }
0x175: {  	v12 =	vadd.f32 v24, v13;
	v9 =	vld [tilespmem:s20+$0x6280];
	[tilespmem:s18+$0xFF00] =	vst v10  }
0x176: {  	s23 =	simm.s32 $0x40;
	s21 =	simm.s32 $0x2;
	v11 =	vadd.f32 v25, v13;
	v10 =	vld [tilespmem:s20+$0x7880];
	[tilespmem:s18+$0xFF80] =	vst v14  }
.LBB2_6:
0x177: {  	p0 =	sne.s32 s21, $0x2F;
	s23 =	sand.u32 $0x3FFFFE00, s23;
	v13 =	vld [tilespmem:s20+$0x7900];
	[tilespmem:s18+$0x10000] =	vst v12  }
0x178: {  	s22 =	sor.u32 s22, s23;
	v12 =	vld [tilespmem:s20+$0x7980];
	[tilespmem:s18+$0x11480] =	vst v11;
	s18 =	smov.u32 s20  }
0x179: {  	v11 =	vld [tilespmem:s22+$0xC180]  }
0x17a: {  	v14 =	vld [tilespmem:s18+$0x7A00]  }
0x17b: {  	v15 =	vld [tilespmem:s18+$0x7A80]  }
0x17c: {  	v16 =	vld [tilespmem:s18+$0x9080]  }
0x17d: {  	v17 =	vld [tilespmem:s18+$0x9100]  }
0x17e: {  	v0 =	vadd.f32 v0, v11;
	v1 =	vadd.f32 v1, v11;
	v18 =	vld [tilespmem:s18+$0x9180]  }
0x17f: {  	v2 =	vadd.f32 v2, v11;
	v4 =	vadd.f32 v4, v11;
	v19 =	vld [tilespmem:s18+$0x9200]  }
0x180: {  	[tilespmem:s18+$0xCC80] =	vst v0;
	v0 =	vadd.f32 v3, v11;
	v3 =	vadd.f32 v6, v11;
	v6 =	vld [tilespmem:s18+$0x9280]  }
0x181: {  	[tilespmem:s18+$0xCD00] =	vst v1;
	v1 =	vadd.f32 v5, v11;
	v5 =	vadd.f32 v7, v11;
	v7 =	vld [tilespmem:s18+$0xA880]  }
0x182: {  	[tilespmem:s18+$0xCD80] =	vst v2;
	v2 =	vadd.f32 v8, v11;
	v8 =	vadd.f32 v9, v11;
	v9 =	vld [tilespmem:s18+$0xA900]  }
0x183: {  	[tilespmem:s18+$0xCE00] =	vst v4;
	v4 =	vadd.f32 v10, v11;
	v10 =	vadd.f32 v13, v11;
	v13 =	vld [tilespmem:s18+$0xA980]  }
0x184: {  	v20 =	vadd.f32 v12, v11;
	v14 =	vadd.f32 v14, v11;
	[tilespmem:s18+$0xCE80] =	vst v0;
	v0 =	vld [tilespmem:s18+$0xAA00]  }
0x185: {  	[tilespmem:s18+$0xCF00] =	vst v3;
	v3 =	vadd.f32 v15, v11;
	v15 =	vadd.f32 v16, v11;
	v16 =	vld [tilespmem:s18+$0xAA80]  }
0x186: {  	v17 =	vadd.f32 v17, v11;
	v18 =	vadd.f32 v18, v11;
	[tilespmem:s18+$0xCF80] =	vst v1  }
0x187: {  	v19 =	vadd.f32 v19, v11;
	v21 =	vadd.f32 v6, v11;
	[tilespmem:s18+$0xD000] =	vst v5  }
0x188: {  	v22 =	vadd.f32 v7, v11;
	v23 =	vadd.f32 v9, v11;
	[tilespmem:s18+$0xE480] =	vst v2  }
0x189: {  	s19 =	sadd.s32 $0x10, s19;
	s20 =	sshll.u32 s21, $0x7;
	v13 =	vadd.f32 v13, v11;
	[tilespmem:s18+$0xE500] =	vst v8;
	v12 =	vadd.f32 v0, v11  }
0x18a: {  	s22 =	sand.u32 $0x70, s19;
	s20 =	sand.u32 $0xFFFFFC00, s20;
	[tilespmem:s18+$0xE580] =	vst v4;
	v11 =	vadd.f32 v16, v11  }
0x18b: {  	s20 =	sor.u32 s22, s20;
	[tilespmem:s18+$0xE600] =	vst v10  }
0x18c: {  	v0 =	vld [tilespmem:s20+$0x3080];
	[tilespmem:s18+$0xE680] =	vst v20  }
0x18d: {  	v1 =	vld [tilespmem:s20+$0x3100];
	[tilespmem:s18+$0xE700] =	vst v14  }
0x18e: {  	v2 =	vld [tilespmem:s20+$0x3180];
	[tilespmem:s18+$0xE780] =	vst v3  }
0x18f: {  	v4 =	vld [tilespmem:s20+$0x3200];
	[tilespmem:s18+$0xE800] =	vst v15  }
0x190: {  	v3 =	vld [tilespmem:s20+$0x3280];
	[tilespmem:s18+$0xFC80] =	vst v17  }
0x191: {  	v6 =	vld [tilespmem:s20+$0x6080];
	[tilespmem:s18+$0xFD00] =	vst v18  }
.Ltmp2:
0x192: {  	v5 =	vld [tilespmem:s20+$0x6100];
	[tilespmem:s18+$0xFD80] =	vst v19;
	(pc) =	sbr.rel @p0 .LBB2_6-.Ltmp2, $4  }
0x193: {  	v7 =	vld [tilespmem:s20+$0x6180];
	[tilespmem:s18+$0xFE00] =	vst v21  }
0x194: {  	v8 =	vld [tilespmem:s20+$0x6200];
	[tilespmem:s18+$0xFE80] =	vst v22  }
0x195: {  	v9 =	vld [tilespmem:s20+$0x6280];
	[tilespmem:s18+$0xFF00] =	vst v23  }
0x196: {  	s23 =	sshll.u32 s21, $0x6;
	s21 =	sadd.s32 $0x1, s21;
	v10 =	vld [tilespmem:s20+$0x7880];
	[tilespmem:s18+$0xFF80] =	vst v13  }
0x197: {  	v13 =	vld [tilespmem:s20+$0x7900];
	[tilespmem:s18+$0x10000] =	vst v12;
	s19 =	sand.u32 $0x3FFFFE00, s23  }
0x198: {  	v12 =	vld [tilespmem:s20+$0x7980];
	s19 =	sor.u32 s22, s19;
	[tilespmem:s18+$0x11480] =	vst v11  }
0x199: {  	v11 =	vld [tilespmem:s19+$0xC180];
	_ =	sdelay $0x4  }
0x19a: {  	v0 =	vadd.f32 v0, v11  }
0x19b: {  	v1 =	vadd.f32 v1, v11  }
0x19c: {  	v2 =	vadd.f32 v2, v11;
	[tilespmem:s20+$0xCC80] =	vst v0  }
0x19d: {  	v4 =	vadd.f32 v4, v11;
	[tilespmem:s20+$0xCD00] =	vst v1  }
0x19e: {  	v3 =	vadd.f32 v3, v11;
	[tilespmem:s20+$0xCD80] =	vst v2  }
0x19f: {  	v6 =	vadd.f32 v6, v11;
	[tilespmem:s20+$0xCE00] =	vst v4  }
0x1a0: {  	v5 =	vadd.f32 v5, v11;
	[tilespmem:s20+$0xCE80] =	vst v3  }
0x1a1: {  	v8 =	vadd.f32 v8, v11;
	[tilespmem:s20+$0xCF00] =	vst v6  }
0x1a2: {  	v15 =	vld [tilespmem:s20+$0x7A80];
	v6 =	vadd.f32 v7, v11;
	[tilespmem:s20+$0xCF80] =	vst v5  }
0x1a3: {  	v14 =	vld [tilespmem:s20+$0x7A00];
	v5 =	vadd.f32 v9, v11;
	[tilespmem:s20+$0xE480] =	vst v8  }
0x1a4: {  	v16 =	vld [tilespmem:s20+$0x9080];
	v8 =	vadd.f32 v13, v11;
	[tilespmem:s20+$0xD000] =	vst v6  }
0x1a5: {  	v18 =	vld [tilespmem:s20+$0x9180];
	v6 =	vadd.f32 v10, v11;
	[tilespmem:s20+$0xE500] =	vst v5  }
0x1a6: {  	v0 =	vld [tilespmem:s20+$0x9280];
	v5 =	vadd.f32 v12, v11;
	[tilespmem:s20+$0xE600] =	vst v8  }
0x1a7: {  	v1 =	vld [tilespmem:s20+$0xA880];
	v8 =	vadd.f32 v15, v11;
	[tilespmem:s20+$0xE580] =	vst v6  }
0x1a8: {  	v2 =	vld [tilespmem:s20+$0xA900];
	v6 =	vadd.f32 v14, v11;
	[tilespmem:s20+$0xE680] =	vst v5  }
0x1a9: {  	v17 =	vld [tilespmem:s20+$0x9100];
	v5 =	vadd.f32 v16, v11;
	[tilespmem:s20+$0xE780] =	vst v8  }
0x1aa: {  	v19 =	vld [tilespmem:s20+$0x9200];
	v8 =	vadd.f32 v18, v11;
	[tilespmem:s20+$0xE700] =	vst v6  }
0x1ab: {  	v4 =	vld [tilespmem:s20+$0xA980];
	v0 =	vadd.f32 v0, v11;
	[tilespmem:s20+$0xE800] =	vst v5  }
0x1ac: {  	v3 =	vld [tilespmem:s20+$0xAA00];
	v1 =	vadd.f32 v1, v11;
	[tilespmem:s20+$0xFD00] =	vst v8  }
0x1ad: {  	v7 =	vld [tilespmem:s20+$0xAA80];
	v2 =	vadd.f32 v2, v11;
	[tilespmem:s20+$0xFE00] =	vst v0  }
0x1ae: {  	v6 =	vadd.f32 v17, v11;
	[tilespmem:s20+$0xFE80] =	vst v1  }
0x1af: {  	v5 =	vadd.f32 v19, v11;
	[tilespmem:s20+$0xFF00] =	vst v2  }
0x1b0: {  	v0 =	vadd.f32 v4, v11;
	[tilespmem:s20+$0xFC80] =	vst v6  }
0x1b1: {  	v1 =	vadd.f32 v3, v11;
	[tilespmem:s20+$0xFD80] =	vst v5  }
0x1b2: {  	v2 =	vadd.f32 v7, v11;
	[tilespmem:s20+$0xFF80] =	vst v0  }
0x1b3: {  	[tilespmem:s20+$0x10000] =	vst v1  }
0x1b4: {  	s19 =	simm.s32 $0x0;
	[tilespmem:s20+$0x11480] =	vst v2  }
0x1b5: {  	[hbm4b:s11+s19] =	stream.linear.scatter [tilespmem:s1], [sflag:$0x3], $0x6000, $0x38;
	[tilespmem:$0x18C80] =	vst v63  }
0x1b6: {  	s22 =	simm.s32 $0x0;
	s20 =	simm.s32 $0x0;
	_ =	swait.ge [sflag:s16], $0x6000  }
0x1b7: {  	s21 =	sand.u32 $0x70, s19;
	s18 =	sand.u32 $0xFFFFFC00, s20;
	[sflag:s16] =	ssyncset.done $0x0  }
0x1b8: {  	s20 =	sand.u32 $0x3FFFFE00, s22;
	s18 =	sor.u32 s21, s18;
	[sflag:s16] =	ssyncadd.s32 $0xFFFFA000  }
0x1b9: {  	s20 =	sor.u32 s21, s20;
	v1 =	vld [tilespmem:s18+$0x4900]  }
0x1ba: {  	v0 =	vld [tilespmem:s20+$0xC200];
	_ =	sdelay $0x4  }
0x1bb: {  	v1 =	vadd.f32 v1, v0  }
0x1bc: {  	s23 =	sadd.s32 $0x12C80, s18  }
0x1bd: {  	v2 =	vld [tilespmem:s18+$0x4880];
	[tilespmem:s23+$0x80] =	vst v1  }
0x1be: {  	v1 =	vld [tilespmem:s18+$0x4980];
	_ =	sdelay $0x4  }
0x1bf: {  	v1 =	vadd.f32 v1, v0;
	_ =	sdelay $0x1  }
0x1c0: {  	[tilespmem:s23+$0x100] =	vst v1  }
0x1c1: {  	v1 =	vld [tilespmem:s18+$0x4A00];
	_ =	sdelay $0x4  }
0x1c2: {  	v1 =	vadd.f32 v1, v0;
	_ =	sdelay $0x1  }
0x1c3: {  	[tilespmem:s23+$0x180] =	vst v1  }
0x1c4: {  	v1 =	vld [tilespmem:s18+$0x4A80];
	_ =	sdelay $0x4  }
0x1c5: {  	v1 =	vadd.f32 v1, v0;
	_ =	sdelay $0x1  }
0x1c6: {  	[tilespmem:s23+$0x200] =	vst v1  }
0x1c7: {  	v1 =	vld [tilespmem:s18+$0x6080];
	_ =	sdelay $0x4  }
0x1c8: {  	v1 =	vadd.f32 v1, v0;
	_ =	sdelay $0x1  }
0x1c9: {  	[tilespmem:s23+$0x280] =	vst v1  }
0x1ca: {  	v1 =	vld [tilespmem:s18+$0x6100];
	_ =	sdelay $0x4  }
0x1cb: {  	v1 =	vadd.f32 v1, v0;
	_ =	sdelay $0x1  }
0x1cc: {  	[tilespmem:s23+$0x300] =	vst v1  }
0x1cd: {  	v1 =	vld [tilespmem:s18+$0x6180];
	_ =	sdelay $0x4  }
0x1ce: {  	v1 =	vadd.f32 v1, v0  }
0x1cf: {  	v2 =	vadd.f32 v2, v0  }
0x1d0: {  	[tilespmem:s23+$0x380] =	vst v1  }
0x1d1: {  	[tilespmem:s18+$0x12C80] =	vst v2;
	v2 =	vld [tilespmem:s18+$0x6200]  }
0x1d2: {  	v1 =	vld [tilespmem:s18+$0x6280]  }
0x1d3: {  	v5 =	vld [tilespmem:s18+$0x7880]  }
0x1d4: {  	v4 =	vld [tilespmem:s18+$0x7900]  }
0x1d5: {  	v3 =	vld [tilespmem:s18+$0x7980]  }
0x1d6: {  	s20 =	simm.s32 $0x1;
	v6 =	vadd.f32 v2, v0;
	v2 =	vld [tilespmem:s18+$0x7A00]  }
.LBB2_8:
0x1d7: {  	p0 =	sne.s32 s20, $0x2F  }
0x1d8: {  	v7 =	vld [tilespmem:s18+$0x7A80];
	s19 =	sadd.s32 $0x10, s19;
	s21 =	smov.u32 s20;
	s20 =	sadd.s32 $0x1, s20  }
0x1d9: {  	[tilespmem:s18+$0x14480] =	vst v6;
	v5 =	vadd.f32 v5, v0;
	v6 =	vld [tilespmem:s18+$0x9080]  }
0x1da: {  	v4 =	vadd.f32 v4, v0;
	v8 =	vld [tilespmem:s18+$0x9100]  }
0x1db: {  	[tilespmem:s18+$0x14580] =	vst v5;
	v3 =	vadd.f32 v3, v0;
	v5 =	vld [tilespmem:s18+$0x9180]  }
0x1dc: {  	[tilespmem:s18+$0x14600] =	vst v4;
	v2 =	vadd.f32 v2, v0;
	v4 =	vld [tilespmem:s18+$0x9200]  }
0x1dd: {  	[tilespmem:s18+$0x14680] =	vst v3;
	v3 =	vadd.f32 v7, v0;
	v7 =	vld [tilespmem:s18+$0x9280]  }
0x1de: {  	[tilespmem:s18+$0x14700] =	vst v2;
	v2 =	vadd.f32 v6, v0;
	v6 =	vld [tilespmem:s18+$0xA880]  }
0x1df: {  	[tilespmem:s18+$0x14780] =	vst v3;
	v3 =	vadd.f32 v8, v0;
	v8 =	vld [tilespmem:s18+$0xA900]  }
0x1e0: {  	[tilespmem:s18+$0x14800] =	vst v2;
	v2 =	vadd.f32 v5, v0;
	v5 =	vld [tilespmem:s18+$0xA980]  }
0x1e1: {  	[tilespmem:s18+$0x15C80] =	vst v3;
	v3 =	vadd.f32 v4, v0;
	v4 =	vld [tilespmem:s18+$0xAA00]  }
0x1e2: {  	[tilespmem:s18+$0x15D00] =	vst v2;
	v2 =	vadd.f32 v7, v0;
	v7 =	vld [tilespmem:s18+$0xAA80]  }
0x1e3: {  	[tilespmem:s18+$0x15D80] =	vst v3;
	v3 =	vadd.f32 v6, v0  }
0x1e4: {  	[tilespmem:s18+$0x15E00] =	vst v2;
	v2 =	vadd.f32 v8, v0  }
0x1e5: {  	[tilespmem:s18+$0x15E80] =	vst v3;
	v3 =	vadd.f32 v5, v0  }
0x1e6: {  	[tilespmem:s18+$0x15F00] =	vst v2;
	v2 =	vadd.f32 v4, v0  }
0x1e7: {  	v1 =	vadd.f32 v1, v0;
	s22 =	sshll.u32 s21, $0x6;
	s21 =	sshll.u32 s21, $0x7;
	[tilespmem:s18+$0x15F80] =	vst v3;
	v0 =	vadd.f32 v7, v0  }
0x1e8: {  	s23 =	sand.u32 $0x70, s19;
	s22 =	sand.u32 $0x3FFFFE00, s22;
	s21 =	sand.u32 $0xFFFFFC00, s21;
	[tilespmem:s18+$0x16000] =	vst v2  }
0x1e9: {  	s22 =	sor.u32 s23, s22;
	s21 =	sor.u32 s23, s21;
	[tilespmem:s18+$0x14500] =	vst v1  }
0x1ea: {  	v1 =	vld [tilespmem:s21+$0x4900];
	[tilespmem:s18+$0x17480] =	vst v0;
	s18 =	smov.u32 s21  }
0x1eb: {  	v0 =	vld [tilespmem:s22+$0xC200];
	_ =	sdelay $0x4  }
0x1ec: {  	v1 =	vadd.f32 v1, v0  }
0x1ed: {  	s21 =	sadd.s32 $0x12C80, s18;
	v2 =	vld [tilespmem:s18+$0x4880]  }
0x1ee: {  	[tilespmem:s21+$0x80] =	vst v1  }
0x1ef: {  	v1 =	vld [tilespmem:s18+$0x4980];
	_ =	sdelay $0x2  }
0x1f0: {  	v2 =	vadd.f32 v2, v0;
	_ =	sdelay $0x1  }
0x1f1: {  	[tilespmem:s18+$0x12C80] =	vst v2;
	v1 =	vadd.f32 v1, v0;
	_ =	sdelay $0x1  }
0x1f2: {  	[tilespmem:s21+$0x100] =	vst v1  }
0x1f3: {  	v1 =	vld [tilespmem:s18+$0x4A00];
	_ =	sdelay $0x4  }
0x1f4: {  	v1 =	vadd.f32 v1, v0;
	_ =	sdelay $0x1  }
0x1f5: {  	[tilespmem:s21+$0x180] =	vst v1  }
0x1f6: {  	v1 =	vld [tilespmem:s18+$0x4A80];
	_ =	sdelay $0x4  }
0x1f7: {  	v1 =	vadd.f32 v1, v0;
	_ =	sdelay $0x1  }
0x1f8: {  	[tilespmem:s21+$0x200] =	vst v1  }
0x1f9: {  	v1 =	vld [tilespmem:s18+$0x6080];
	_ =	sdelay $0x4  }
0x1fa: {  	v1 =	vadd.f32 v1, v0;
	_ =	sdelay $0x1  }
0x1fb: {  	[tilespmem:s21+$0x280] =	vst v1  }
0x1fc: {  	v1 =	vld [tilespmem:s18+$0x6100];
	_ =	sdelay $0x4  }
0x1fd: {  	v1 =	vadd.f32 v1, v0;
	_ =	sdelay $0x1  }
0x1fe: {  	[tilespmem:s21+$0x300] =	vst v1  }
0x1ff: {  	v1 =	vld [tilespmem:s18+$0x6180];
	_ =	sdelay $0x4  }
0x200: {  	v1 =	vadd.f32 v1, v0;
	_ =	sdelay $0x1  }
0x201: {  	[tilespmem:s21+$0x380] =	vst v1  }
0x202: {  	v2 =	vld [tilespmem:s18+$0x6200]  }
.Ltmp3:
0x203: {  	v1 =	vld [tilespmem:s18+$0x6280];
	(pc) =	sbr.rel @p0 .LBB2_8-.Ltmp3, $4  }
0x204: {  	v5 =	vld [tilespmem:s18+$0x7880]  }
0x205: {  	v4 =	vld [tilespmem:s18+$0x7900]  }
0x206: {  	v3 =	vld [tilespmem:s18+$0x7980]  }
0x207: {  	v6 =	vadd.f32 v2, v0;
	v2 =	vld [tilespmem:s18+$0x7A00]  }
0x208: {  	v7 =	vld [tilespmem:s18+$0x7A80];
	v1 =	vadd.f32 v1, v0  }
0x209: {  	v51 =	vld [tilespmem:s18+$0x9080];
	[tilespmem:s18+$0x14480] =	vst v6;
	v5 =	vadd.f32 v5, v0  }
0x20a: {  	v8 =	vld [tilespmem:s18+$0x9100];
	v4 =	vadd.f32 v4, v0;
	[tilespmem:s18+$0x14500] =	vst v1  }
0x20b: {  	v52 =	vld [tilespmem:s18+$0x9180];
	[tilespmem:s18+$0x14580] =	vst v5;
	v3 =	vadd.f32 v3, v0  }
0x20c: {  	v53 =	vld [tilespmem:s18+$0x9200];
	[tilespmem:s18+$0x14600] =	vst v4;
	v2 =	vadd.f32 v2, v0  }
0x20d: {  	v54 =	vld [tilespmem:s18+$0x9280];
	[tilespmem:s18+$0x14680] =	vst v3;
	v7 =	vadd.f32 v7, v0  }
0x20e: {  	v56 =	vld [tilespmem:s18+$0xA900];
	v6 =	vadd.f32 v51, v0;
	[tilespmem:s18+$0x14700] =	vst v2  }
0x20f: {  	v57 =	vld [tilespmem:s18+$0xA980];
	v8 =	vadd.f32 v8, v0;
	[tilespmem:s18+$0x14780] =	vst v7  }
0x210: {  	v58 =	vld [tilespmem:s18+$0xAA00];
	v5 =	vadd.f32 v52, v0;
	[tilespmem:s18+$0x14800] =	vst v6  }
0x211: {  	v59 =	vld [tilespmem:s18+$0xAA80];
	v4 =	vadd.f32 v53, v0;
	[tilespmem:s18+$0x15C80] =	vst v8  }
0x212: {  	v55 =	vld [tilespmem:s18+$0xA880];
	v3 =	vadd.f32 v54, v0;
	[tilespmem:s18+$0x15D00] =	vst v5  }
0x213: {  	v60 =	vadd.f32 v56, v0;
	[tilespmem:s18+$0x15D80] =	vst v4  }
0x214: {  	v61 =	vadd.f32 v57, v0;
	[tilespmem:s18+$0x15E00] =	vst v3  }
0x215: {  	v62 =	vadd.f32 v58, v0;
	[tilespmem:s18+$0x15F00] =	vst v60  }
0x216: {  	v63 =	vadd.f32 v59, v0;
	[tilespmem:s18+$0x15F80] =	vst v61  }
0x217: {  	v2 =	vadd.f32 v55, v0;
	[tilespmem:s18+$0x16000] =	vst v62  }
0x218: {  	[tilespmem:s18+$0x17480] =	vst v63  }
0x219: {  	s17 =	sadd.s32 $0x1, s17;
	[tilespmem:s18+$0x15E80] =	vst v2  }
0x21a: {  	[hbm4b:s12+s2] =	stream.linear.scatter [tilespmem:s0], [sflag:$0x4], $0x6000, $0x38;
	[tilespmem:$0x18C80] =	vst v63  }
0x21b: {  	p0 =	sne.s32 s17, s13;
	_ =	swait.ge [sflag:s15], $0x6000  }
.Ltmp4:
0x21c: {  	[sflag:s15] =	ssyncset.done $0x0;
	(pc) =	sbr.rel @p0 .LBB2_1-.Ltmp4, $4  }
0x21d: {  	[sflag:s15] =	ssyncadd.s32 $0xFFFFA000  }
0x21e: {  	_ =	swait.ge [sflag:s16], $0x6000  }
0x21f: {  	[sflag:s16] =	ssyncset.done $0x0  }
0x220: {  	[sflag:s16] =	ssyncadd.s32 $0xFFFFA000  }
0x221: {  	_ =	sfence.sel $0x180000  }
0x222: {  	[bflag:$0x0] =	sbarrier.arrive $0xFFFF  }
0x223: {  	_ =	strace $0x90000047  }
0x224: {  	s0 =	stileid.u32;
	[bflag:$0x2] =	sbarrier.arrive $0xFFFF  }
0x225: {  	p0 =	sne.s32 s0, $0x0;
	s0 =	rddreg [dreg:$0x2]  }
0x226: {  	s0 =	sadd.s32 @!p0 $0x100000, s0  }
0x227: {  	[sflag:s0] =	ssyncadd.tile.s32 @!p0 $0x1;
	_ =	shalt  }
.Lfunc_end2:
_tile_overlayer_lowered:
.L_overlay_start_2:
0x228: {  	(tag) =	ssettag $0x2  }
0x229: {  	s0 =	rddreg [dreg:$0x0];
	s2 =	stileid.u32  }
0x22a: {  	s1 =	rddreg [dreg:$0x1];
	p0 =	sne.s32 s2, $0x0  }
0x22b: {  	s3 =	rddreg [dreg:$0x2];
	[bflag:$0x3] =	sbarrier.arrive $0xFFFF;
	s2 =	simm.s32 @!p0 $0x1C05  }
0x22c: {  	[timem:s3], [sflag:s2] =	dma.local @!p0 [hbm:s0], s1  }
0x22d: {  	s0 =	simm.s32 @!p0 $0x5  }
0x22e: {  	_ =	swait.ge @!p0 [sflag:s0], s1  }
0x22f: {  	s1 =	ssub.s32 @!p0 $0x0, s1;
	[sflag:s0] =	ssyncset.done @!p0 $0x0  }
0x230: {  	[sflag:s0] =	ssyncadd.s32 @!p0 s1  }
0x231: {  	[bflag:$0x3] =	sbarrier.arrive $0xFFFF  }
0x232: {  	_ =	shalt  }

</sc_bundles>
